<compile_context>
chip_gen: v7x
topology: tpu7x:2x2x1
jax: 0.10.2.dev20260603
libtpu: 0.0.44.dev20260713+nightly
codegen_flags: <defaults>
</compile_context>

<pallas_src>
import functools

import jax
import jax.numpy as jnp
from jax.experimental import pallas as pl
from jax.experimental.pallas import tpu as pltpu
from jax.experimental.pallas import tpu_sc as plsc

B = 16384
F = 26
V = 100000
D = 16
TL = 30
TV = 100000
VF = 128
AF = 128
H1 = 32
H2 = 32

FD = F * D
TD = TL * D
N2 = B * F
NT = B * TL
W2 = 2048
WT = 2560

R = 1024
VC = 12800
VP = 102400
FG = 4


def _sc_gather_early(fm1_flat, title_table, idx1, idxt):
    mesh = plsc.VectorSubcoreMesh(core_axis_name="c", subcore_axis_name="s")

    @functools.partial(
        pl.kernel,
        mesh=mesh,
        compiler_params=pltpu.CompilerParams(use_tc_tiling_on_sc=False),
        out_type=[
            jax.ShapeDtypeStruct((N2,), jnp.float32),
            jax.ShapeDtypeStruct((NT, D), jnp.float32),
        ],
    )
    def k(fm1_hbm, tt_hbm, idx1_hbm, idxt_hbm, g1_hbm, tg_hbm):
        def body_fm1(i1_vmem, o_vals):
            pltpu.sync_copy(fm1_hbm.at[i1_vmem.at[0]], o_vals)

        pltpu.emit_pipeline(
            body_fm1,
            grid=(N2 // W2,),
            in_specs=[pl.BlockSpec((1, W2), lambda i: (0, i))],
            out_specs=[pl.BlockSpec((W2,), lambda i: (i,))],
            core_axis_name=("c", "s"),
            dimension_semantics=(pltpu.PARALLEL,),
        )(idx1_hbm, g1_hbm)

        def body_title(i_vmem, o_rows):
            pltpu.sync_copy(tt_hbm.at[i_vmem.at[0]], o_rows)

        pltpu.emit_pipeline(
            body_title,
            grid=(NT // WT,),
            in_specs=[pl.BlockSpec((1, WT), lambda i: (0, i))],
            out_specs=[pl.BlockSpec((WT, D), lambda i: (i, 0))],
            core_axis_name=("c", "s"),
            dimension_semantics=(pltpu.PARALLEL,),
        )(idxt_hbm, tg_hbm)

    return k(fm1_flat, title_table, idx1, idxt)


def _sc_gather_fm2(fm2_flat, idx2):
    mesh = plsc.VectorSubcoreMesh(core_axis_name="c", subcore_axis_name="s")

    @functools.partial(
        pl.kernel,
        mesh=mesh,
        compiler_params=pltpu.CompilerParams(use_tc_tiling_on_sc=False),
        out_type=jax.ShapeDtypeStruct((N2, D), jnp.float32),
    )
    def k(fm2_hbm, idx2_hbm, e2_hbm):
        def body_fm(i2_vmem, o_rows):
            pltpu.sync_copy(fm2_hbm.at[i2_vmem.at[0]], o_rows)

        pltpu.emit_pipeline(
            body_fm,
            grid=(N2 // W2,),
            in_specs=[pl.BlockSpec((1, W2), lambda i: (0, i))],
            out_specs=[pl.BlockSpec((W2, D), lambda i: (i, 0))],
            core_axis_name=("c", "s"),
            dimension_semantics=(pltpu.PARALLEL,),
        )(idx2_hbm, e2_hbm)

    return k(fm2_flat, idx2)


def _tc_table_body(in_ref, p_ref, o_ref):
    x = in_ref[...]
    xc = x.reshape(8 * D, VC)
    tdn = (((0,), (0,)), ((), ()))
    o_ref[0] = jax.lax.dot_general(xc, p_ref[...], tdn,
                                   preferred_element_type=jnp.float32)


def _tc_table_transpose(fm2t3):
    place = jnp.eye(8 * D, dtype=jnp.float32)
    return pl.pallas_call(
        _tc_table_body,
        grid=(FG, VP // VC),
        in_specs=[pl.BlockSpec((8, D, VC), lambda i, j: (i, 0, j)),
                  pl.BlockSpec((8 * D, 8 * D), lambda i, j: (0, 0))],
        out_specs=pl.BlockSpec((1, VC, 8 * D), lambda i, j: (i, j, 0)),
        out_shape=jax.ShapeDtypeStruct((FG, VP, 8 * D), jnp.float32),
    )(fm2t3, place)


def _tc_fm1_body(in_ref, o_ref):
    o_ref[pl.ds(0, V)] = in_ref[0, 0, :]


def _tc_fm1_depad(fm1v):
    return pl.pallas_call(
        _tc_fm1_body,
        grid=(F,),
        in_specs=[pl.BlockSpec((1, 1, V), lambda i: (i, 0, 0))],
        out_specs=pl.BlockSpec((VP,), lambda i: (i,)),
        out_shape=jax.ShapeDtypeStruct((F * VP,), jnp.float32),
    )(fm1v)


def _tc_body(e2_ref, g1_ref, tg_ref, xv_ref, vid_ref, aud_ref,
             wv_ref, bv_ref, wa_ref, ba_ref, w1_ref, b1_ref, w2_ref, b2_ref,
             bias_ref, ex_ref, s26_ref, s30_ref, o_ref):
    f32 = jnp.float32
    e2b = e2_ref[...]
    xv = xv_ref[...]
    xvr = jnp.dot(xv, ex_ref[...], preferred_element_type=f32)
    scaled = e2b * xvr

    tp = jnp.dot(tg_ref[...], s30_ref[...], preferred_element_type=f32) * (1.0 / TL)
    vemb = jnp.dot(vid_ref[...], wv_ref[...], preferred_element_type=f32) + bv_ref[...]
    aemb = jnp.dot(aud_ref[...], wa_ref[...], preferred_element_type=f32) + ba_ref[...]

    summed = (jnp.dot(scaled, s26_ref[...], preferred_element_type=f32)
              + tp + vemb + aemb)
    sumsq = (jnp.sum(scaled * scaled, axis=1) + jnp.sum(tp * tp, axis=1)
             + jnp.sum(vemb * vemb, axis=1) + jnp.sum(aemb * aemb, axis=1))
    second_sum = 0.5 * (jnp.sum(summed * summed, axis=1) - sumsq)

    w1 = w1_ref[...]
    z = (jnp.dot(scaled, w1[0:FD, :], preferred_element_type=f32)
         + jnp.dot(tp, w1[FD:FD + D, :], preferred_element_type=f32)
         + jnp.dot(vemb, w1[FD + D:FD + 2 * D, :], preferred_element_type=f32)
         + jnp.dot(aemb, w1[FD + 2 * D:FD + 3 * D, :], preferred_element_type=f32)
         + b1_ref[...])
    h = jnp.maximum(z, 0.0)
    h = jnp.maximum(jnp.dot(h, w2_ref[...], preferred_element_type=f32) + b2_ref[...], 0.0)

    first_sum = jnp.sum(g1_ref[...] * xv, axis=1)
    tot = bias_ref[0, 0] + first_sum + second_sum + jnp.sum(h, axis=1)
    o_ref[...] = tot[:, None]


def _tc_forward(e2, g1, tg, xv, video, audio, wv, bv, wa, ba, w1, b1, w2, b2,
                bias, ex, s26, s30):
    full = lambda shape: pl.BlockSpec(shape, lambda i: tuple(0 for _ in shape))
    return pl.pallas_call(
        _tc_body,
        grid=(B // R,),
        in_specs=[
            pl.BlockSpec((R, FD), lambda i: (i, 0)),
            pl.BlockSpec((R, F), lambda i: (i, 0)),
            pl.BlockSpec((R, TD), lambda i: (i, 0)),
            pl.BlockSpec((R, F), lambda i: (i, 0)),
            pl.BlockSpec((R, VF), lambda i: (i, 0)),
            pl.BlockSpec((R, AF), lambda i: (i, 0)),
            full((VF, D)), full((1, D)),
            full((AF, D)), full((1, D)),
            full(((F + 3) * D, H1)), full((1, H1)),
            full((H1, H2)), full((1, H2)),
            full((1, 1)),
            full((F, FD)),
            full((FD, D)),
            full((TD, D)),
        ],
        out_specs=pl.BlockSpec((R, 1), lambda i: (i, 0)),
        out_shape=jax.ShapeDtypeStruct((B, 1), jnp.float32),
    )(e2, g1, tg, xv, video, audio, wv, bv, wa, ba, w1, b1, w2, b2, bias,
      ex, s26, s30)


def kernel(Xi, Xv, title, video, audio, fm_first, fm_second, title_table,
           Wv, bv, Wa, ba, W1, b1, W2, b2, bias):
    f32 = jnp.float32
    fm2t3 = jnp.transpose(fm_second, (0, 2, 1))
    fm1_flat = _tc_fm1_depad(jnp.transpose(fm_first, (0, 2, 1)))
    xi32 = Xi.astype(jnp.int32)
    farange = jnp.arange(F, dtype=jnp.int32)
    idx2 = (((farange // 8) * VP)[None, :] + xi32) * 8 + (farange % 8)[None, :]
    idx2 = idx2.reshape(1, N2)
    idx1 = (xi32 + (farange * VP)[None, :]).reshape(1, N2)
    idxt = title.astype(jnp.int32).reshape(1, NT)

    g1, tg = _sc_gather_early(fm1_flat, title_table, idx1, idxt)
    fm2_flat = _tc_table_transpose(fm2t3).reshape(FG * VP * 8, D)
    e2 = _sc_gather_fm2(fm2_flat, idx2)

    jf = jnp.arange(FD)
    ex = (jf[None, :] // D == jnp.arange(F)[:, None]).astype(f32)
    s26 = (jf[:, None] % D == jnp.arange(D)[None, :]).astype(f32)
    jt = jnp.arange(TD)
    s30 = (jt[:, None] % D == jnp.arange(D)[None, :]).astype(f32)

    out = _tc_forward(
        e2.reshape(B, FD), g1.reshape(B, F), tg.reshape(B, TD),
        Xv, video, audio, Wv, bv.reshape(1, D), Wa, ba.reshape(1, D),
        W1, b1.reshape(1, H1), W2, b2.reshape(1, H2),
        bias.reshape(1, 1).astype(f32), ex, s26, s30)
    return out[:, 0]

# --- scband reference (transcript-rebuilt; emitter-appended) ---
"""Pipeline reference for scband-deep-fm-23338852286917 (READ-ONLY COPY).

The authoritative reference and input builder live on the scoring server;
editing this copy changes nothing except your own understanding.
"""

import jax, jax.numpy as jnp
import numpy as np

B = 16384
F = 26
V = 100000
D = 16
TL = 30
TV = 100000
VF = 128
AF = 128
H1 = 32
H2 = 32


def setup_inputs(seed: int = 0) -> dict:
    key = jax.random.key(seed)
    ks = jax.random.split(key, 18)
    Xi = jax.random.randint(ks[0], (B, F), 0, V)
    Xv = jax.random.uniform(ks[1], (B, F), dtype=jnp.float32)
    title = jax.random.randint(ks[2], (B, TL), 0, TV)
    video = jax.random.normal(ks[3], (B, VF), dtype=jnp.float32)
    audio = jax.random.normal(ks[4], (B, AF), dtype=jnp.float32)
    fm_first = jax.random.normal(ks[5], (F, V, 1), dtype=jnp.float32) * 0.01
    fm_second = jax.random.normal(ks[6], (F, V, D), dtype=jnp.float32) * 0.01
    title_table = jax.random.normal(ks[7], (TV, D), dtype=jnp.float32) * 0.01
    Wv = jax.random.normal(ks[8], (VF, D), dtype=jnp.float32) * 0.05
    bv = jnp.zeros((D,), dtype=jnp.float32)
    Wa = jax.random.normal(ks[9], (AF, D), dtype=jnp.float32) * 0.05
    ba = jnp.zeros((D,), dtype=jnp.float32)
    W1 = jax.random.normal(ks[10], ((F + 3) * D, H1), dtype=jnp.float32) * 0.05
    b1 = jnp.zeros((H1,), dtype=jnp.float32)
    W2 = jax.random.normal(ks[11], (H1, H2), dtype=jnp.float32) * 0.05
    b2 = jnp.zeros((H2,), dtype=jnp.float32)
    bias = jax.random.normal(ks[12], (), dtype=jnp.float32)
    return {"Xi": Xi, "Xv": Xv, "title": title, "video": video, "audio": audio,
            "fm_first": fm_first, "fm_second": fm_second, "title_table": title_table,
            "Wv": Wv, "bv": bv, "Wa": Wa, "ba": ba,
            "W1": W1, "b1": b1, "W2": W2, "b2": b2, "bias": bias}


def reference(Xi, Xv, title, video, audio, fm_first, fm_second, title_table,
              Wv, bv, Wa, ba, W1, b1, W2, b2, bias):
    f_idx = jnp.arange(F)[None, :]
    # fm first-order: per-field 1-dim embedding lookup scaled by feature value
    first = fm_first[f_idx, Xi][..., 0] * Xv  # [B, F]
    # fm second-order: per-field D-dim embedding lookup scaled by feature value
    emb2 = fm_second[f_idx, Xi] * Xv[..., None]  # [B, F, D]
    # content embeddings: title (pooled), video, audio
    title_emb = jnp.mean(title_table[title], axis=1)  # [B, D] (interest pooling)
    video_emb = video @ Wv + bv  # [B, D]
    audio_emb = audio @ Wa + ba  # [B, D]
    all_emb = jnp.concatenate(
        [emb2, title_emb[:, None, :], video_emb[:, None, :], audio_emb[:, None, :]],
        axis=1)  # [B, F+3, D]
    summed = jnp.sum(all_emb, axis=1)
    second = 0.5 * (summed * summed - jnp.sum(all_emb * all_emb, axis=1))  # [B, D]
    # deep part on flattened (F+3)*D embeddings
    deep_in = all_emb.reshape(all_emb.shape[0], -1)
    h = jax.nn.relu(deep_in @ W1 + b1)
    h = jax.nn.relu(h @ W2 + b2)
    total = bias + jnp.sum(first, axis=1) + jnp.sum(second, axis=1) + jnp.sum(h, axis=1)
    return total

if __name__ == "__main__":
    import jax
    _d = setup_inputs()
    print(jax.jit(kernel)(*tuple(_d.values())))

</pallas_src>

<mosaic_0001>
#map = affine_map<(d0, d1) -> (0, 0)>
module attributes {stable_mosaic.version = 14 : i64} {
  func.func @k(%arg0: i32, %arg1: i32, %arg2: memref<3276800x16xf32, #tpu.memory_space<hbm>>, %arg3: memref<1x425984xi32, #tpu.memory_space<hbm>>, %arg4: memref<425984x16xf32, #tpu.memory_space<hbm>>) attributes {dimension_semantics = [#tpu.dimension_semantics<core_parallel>, #tpu.dimension_semantics<subcore_parallel>], iteration_bounds = array<i64: 2, 16>, scalar_prefetch = 0 : i64, scratch_operands = 0 : i64, tpu.core_type = #tpu.core_type<sc_vector_subcore>, window_params = [{transform_indices = #map}, {transform_indices = #map}, {transform_indices = #map}]} {
    %mul3A = arith.constant 1 : i32
    %mul3A_0 = arith.muli %arg1, %mul3A : i32
    %add3A = arith.constant 0 : i32
    %add3A_1 = arith.addi %add3A, %mul3A_0 : i32
    %mul3A_2 = arith.constant 16 : i32
    %mul3A_3 = arith.muli %arg0, %mul3A_2 : i32
    %add3A_4 = arith.addi %add3A_1, %mul3A_3 : i32
    %lt3A = arith.constant 16 : i32
    %lt3A_5 = arith.cmpi slt, %add3A_4, %lt3A : i32
    %jit3A = arith.constant 7 : i32
    %jit3A_6 = arith.constant 6 : i32
    %select_n3A = arith.select %lt3A_5, %jit3A, %jit3A_6 : i32
    %lt3A_7 = arith.constant 16 : i32
    %lt3A_8 = arith.cmpi slt, %add3A_4, %lt3A_7 : i32
    %mul3A_9 = arith.muli %add3A_4, %select_n3A : i32
    %mul3A_10 = arith.constant 6 : i32
    %mul3A_11 = arith.muli %add3A_4, %mul3A_10 : i32
    %add3A_12 = arith.constant 16 : i32
    %add3A_13 = arith.addi %mul3A_11, %add3A_12 : i32
    %select_n3A_14 = arith.select %lt3A_8, %mul3A_9, %add3A_13 : i32
    %mul3A_15 = arith.constant 1 : i32
    %mul3A_16 = arith.muli %mul3A_15, %select_n3A : i32
    "tpu.region"() ({
      %run_scoped3A = memref.alloca() : memref<2x1x2048xi32, #tpu.memory_space<vmem>>
      %run_scoped3A_17 = tpu.sem_alloc : memref<2x!tpu.dma_semaphore, #tpu.memory_space<semaphore_mem>>
      %run_scoped3A_18 = memref.alloca() : memref<2x2048x16xf32, #tpu.memory_space<vmem>>
      %run_scoped3A_19 = tpu.sem_alloc : memref<2x!tpu.dma_semaphore, #tpu.memory_space<semaphore_mem>>
      %gt3A = arith.constant 0 : i32
      %gt3A_20 = arith.cmpi sgt, %mul3A_16, %gt3A : i32
      %convert_element_type3A = arith.extui %gt3A_20 : i1 to i32
      %cond3A = arith.constant 0 : i32
      %cond3A_21 = arith.cmpi ne, %convert_element_type3A, %cond3A : i32
      scf.if %cond3A_21 {
        %mul3A_22 = arith.constant 1 : i32
        %mul3A_23 = arith.muli %mul3A_22, %select_n3A : i32
        %sub3A = arith.constant 1 : i32
        %sub3A_24 = arith.subi %mul3A_23, %sub3A : i32
        %eq3A = arith.constant 0 : i32
        %eq3A_25 = arith.cmpi eq, %sub3A_24, %eq3A : i32
        %add3A_26 = arith.constant 0 : i32
        %add3A_27 = arith.addi %add3A_26, %select_n3A_14 : i32
        %select_n3A_28 = arith.constant true
        %select_n3A_29 = arith.constant 0 : i32
        %select_n3A_30 = arith.constant -1 : i32
        %select_n3A_31 = arith.select %select_n3A_28, %select_n3A_30, %select_n3A_29 : i32
        %eq3A_32 = arith.constant -1 : i32
        %eq3A_33 = arith.cmpi eq, %select_n3A_31, %eq3A_32 : i32
        %sub3A_34 = arith.constant 1 : i32
        %sub3A_35 = arith.subi %select_n3A, %sub3A_34 : i32
        %select_n3A_36 = arith.select %eq3A_33, %sub3A_35, %select_n3A_31 : i32
        %add3A_37 = arith.addi %select_n3A_36, %select_n3A_14 : i32
        %select_n3A_38 = arith.constant true
        %select_n3A_39 = arith.constant 0 : i32
        %select_n3A_40 = arith.constant 1 : i32
        %select_n3A_41 = arith.select %select_n3A_38, %select_n3A_40, %select_n3A_39 : i32
        %eq3A_42 = arith.cmpi eq, %select_n3A_41, %select_n3A : i32
        %select_n3A_43 = arith.constant 0 : i32
        %select_n3A_44 = arith.select %eq3A_42, %select_n3A_43, %select_n3A_41 : i32
        %add3A_45 = arith.addi %select_n3A_44, %select_n3A_14 : i32
        %add3A_46 = arith.constant 1 : i32
        %add3A_47 = arith.addi %select_n3A_44, %add3A_46 : i32
        %select_n3A_48 = arith.constant true
        %select_n3A_49 = arith.select %select_n3A_48, %add3A_47, %select_n3A_44 : i32
        %eq3A_50 = arith.cmpi eq, %select_n3A_49, %select_n3A : i32
        %select_n3A_51 = arith.constant 0 : i32
        %select_n3A_52 = arith.select %eq3A_50, %select_n3A_51, %select_n3A_49 : i32
        %add3A_53 = arith.addi %select_n3A_52, %select_n3A_14 : i32
        "tpu.trace_start"() <{level = 10 : i32, message = "ep_initialize_0"}> : () -> ()
        %rem3A = arith.constant 0 : i32
        %rem3A_54 = arith.constant 2 : i32
        %rem3A_55 = arith.remui %rem3A, %rem3A_54 : i32
        %mul3A_56 = arith.constant 2048 : i32
        %mul3A_57 = arith.muli %mul3A_56, %add3A_27 : i32
        %dma_start3A = arith.constant 0 : i32
        %dma_start3A_58 = arith.constant 0 : i32
        %dma_start3A_59 = tpu.memref_slice %run_scoped3A[%rem3A_55, %dma_start3A, %dma_start3A_58] : memref<2x1x2048xi32, #tpu.memory_space<vmem>> -> memref<1x1x2048xi32, #tpu.memory_space<vmem>>
        %dma_start3A_60 = tpu.memref_squeeze %dma_start3A_59 : memref<1x1x2048xi32, #tpu.memory_space<vmem>> -> memref<1x2048xi32, #tpu.memory_space<vmem>>
        %dma_start3A_61 = arith.constant 0 : i32
        %dma_start3A_62 = tpu.memref_slice %arg3[%dma_start3A_61, %mul3A_57] : memref<1x425984xi32, #tpu.memory_space<hbm>> -> memref<1x2048xi32, #tpu.memory_space<hbm>>
        %dma_start3A_63 = tpu.memref_slice %run_scoped3A_17[%rem3A_55] : memref<2x!tpu.dma_semaphore, #tpu.memory_space<semaphore_mem>> -> memref<1x!tpu.dma_semaphore, #tpu.memory_space<semaphore_mem>>
        %dma_start3A_64 = tpu.memref_squeeze %dma_start3A_63 : memref<1x!tpu.dma_semaphore, #tpu.memory_space<semaphore_mem>> -> memref<!tpu.dma_semaphore, #tpu.memory_space<semaphore_mem>>
        %dma_start3A_65 = arith.constant 0 : i32
        %dma_start3A_66 = arith.constant 0 : i32
        %dma_start3A_67 = tpu.memref_slice %run_scoped3A[%rem3A_55, %dma_start3A_65, %dma_start3A_66] : memref<2x1x2048xi32, #tpu.memory_space<vmem>> -> memref<1x1x2048xi32, #tpu.memory_space<vmem>>
        %dma_start3A_68 = tpu.memref_squeeze %dma_start3A_67 : memref<1x1x2048xi32, #tpu.memory_space<vmem>> -> memref<1x2048xi32, #tpu.memory_space<vmem>>
        %dma_start3A_69 = arith.constant 0 : i32
        %dma_start3A_70 = tpu.memref_slice %arg3[%dma_start3A_69, %mul3A_57] : memref<1x425984xi32, #tpu.memory_space<hbm>> -> memref<1x2048xi32, #tpu.memory_space<hbm>>
        tpu.enqueue_dma source(%dma_start3A_70 : memref<1x2048xi32, #tpu.memory_space<hbm>>) target(%dma_start3A_68 : memref<1x2048xi32, #tpu.memory_space<vmem>>) target_semaphore(%dma_start3A_64 : memref<!tpu.dma_semaphore, #tpu.memory_space<semaphore_mem>>)
        %add3A_71 = arith.constant 0 : i32
        %add3A_72 = arith.constant 1 : i32
        %add3A_73 = arith.addi %add3A_71, %add3A_72 : i32
        %select_n3A_74 = arith.constant true
        %select_n3A_75 = arith.constant 0 : i32
        %select_n3A_76 = arith.select %select_n3A_74, %add3A_73, %select_n3A_75 : i32
        %while3A = arith.constant 0 : i32
        %while3A_77 = arith.constant 0 : i32
        %while3A_78 = arith.constant 0 : i32
        %while3A_79 = arith.constant 0 : i32
        %while3A_80 = arith.constant 0 : i32
        "tpu.trace_stop"() : () -> ()
        %while3A_81 = arith.subi %mul3A_16, %while3A : i32
        %while3A_82 = arith.addi %while3A, %while3A_81 : i32
        %while3A_83 = arith.constant 1 : i32
        %while3A_84 = arith.divsi %while3A_81, %while3A_83 : i32
        %while3A_85 = arith.muli %while3A_84, %while3A_83 : i32
        %while3A_86 = arith.addi %while3A, %while3A_85 : i32
        %while3A_87 = arith.constant 1 : i32
        %while3A_88:5 = scf.for %while3A_142 = %while3A to %while3A_86 step %while3A_87 iter_args(%while3A_143 = %select_n3A_76, %while3A_144 = %while3A_77, %while3A_145 = %while3A_78, %while3A_146 = %while3A_79, %while3A_147 = %while3A_80) -> (i32, i32, i32, i32, i32)  : i32 {
          %mul3A_148 = arith.constant 1 : i32
          %mul3A_149 = arith.muli %mul3A_148, %select_n3A : i32
          %eq3A_150 = arith.constant 0 : i32
          %eq3A_151 = arith.cmpi eq, %while3A_142, %eq3A_150 : i32
          %sub3A_152 = arith.constant 1 : i32
          %sub3A_153 = arith.subi %mul3A_149, %sub3A_152 : i32
          %eq3A_154 = arith.cmpi eq, %while3A_142, %sub3A_153 : i32
          %add3A_155 = arith.addi %while3A_147, %select_n3A_14 : i32
          %sub3A_156 = arith.constant 1 : i32
          %sub3A_157 = arith.subi %while3A_147, %sub3A_156 : i32
          %select_n3A_158 = arith.constant true
          %select_n3A_159 = arith.select %select_n3A_158, %sub3A_157, %while3A_147 : i32
          %eq3A_160 = arith.constant -1 : i32
          %eq3A_161 = arith.cmpi eq, %select_n3A_159, %eq3A_160 : i32
          %sub3A_162 = arith.constant 1 : i32
          %sub3A_163 = arith.subi %select_n3A, %sub3A_162 : i32
          %select_n3A_164 = arith.select %eq3A_161, %sub3A_163, %select_n3A_159 : i32
          %add3A_165 = arith.addi %select_n3A_164, %select_n3A_14 : i32
          %add3A_166 = arith.constant 1 : i32
          %add3A_167 = arith.addi %while3A_147, %add3A_166 : i32
          %select_n3A_168 = arith.constant true
          %select_n3A_169 = arith.select %select_n3A_168, %add3A_167, %while3A_147 : i32
          %eq3A_170 = arith.cmpi eq, %select_n3A_169, %select_n3A : i32
          %select_n3A_171 = arith.constant 0 : i32
          %select_n3A_172 = arith.select %eq3A_170, %select_n3A_171, %select_n3A_169 : i32
          %add3A_173 = arith.addi %select_n3A_172, %select_n3A_14 : i32
          %add3A_174 = arith.constant 1 : i32
          %add3A_175 = arith.addi %select_n3A_172, %add3A_174 : i32
          %select_n3A_176 = arith.constant true
          %select_n3A_177 = arith.select %select_n3A_176, %add3A_175, %select_n3A_172 : i32
          %eq3A_178 = arith.cmpi eq, %select_n3A_177, %select_n3A : i32
          %select_n3A_179 = arith.constant 0 : i32
          %select_n3A_180 = arith.select %eq3A_178, %select_n3A_179, %select_n3A_177 : i32
          %add3A_181 = arith.addi %select_n3A_180, %select_n3A_14 : i32
          %ne3A = arith.cmpi ne, %add3A_155, %add3A_173 : i32
          %or3A = arith.constant false
          %or3A_182 = arith.ori %or3A, %ne3A : i1
          %sub3A_183 = arith.constant 2 : i32
          %sub3A_184 = arith.subi %mul3A_149, %sub3A_183 : i32
          %add3A_185 = arith.constant 1 : i32
          %add3A_186 = arith.addi %sub3A_184, %add3A_185 : i32
          %ge3A = arith.cmpi sge, %while3A_142, %add3A_186 : i32
          %not3A = arith.constant true
          %not3A_187 = arith.xori %ge3A, %not3A : i1
          %and3A = arith.andi %or3A_182, %not3A_187 : i1
          %convert_element_type3A_188 = arith.extui %and3A : i1 to i32
          %cond3A_189 = arith.constant 0 : i32
          %cond3A_190 = arith.cmpi ne, %convert_element_type3A_188, %cond3A_189 : i32
          scf.if %cond3A_190 {
            "tpu.trace_start"() <{level = 10 : i32, message = "ep_copy_in"}> : () -> ()
            %rem3A_294 = arith.constant 2 : i32
            %rem3A_295 = arith.remui %while3A_143, %rem3A_294 : i32
            %mul3A_296 = arith.constant 2048 : i32
            %mul3A_297 = arith.muli %mul3A_296, %add3A_173 : i32
            %dma_start3A_298 = arith.constant 0 : i32
            %dma_start3A_299 = arith.constant 0 : i32
            %dma_start3A_300 = tpu.memref_slice %run_scoped3A[%rem3A_295, %dma_start3A_298, %dma_start3A_299] : memref<2x1x2048xi32, #tpu.memory_space<vmem>> -> memref<1x1x2048xi32, #tpu.memory_space<vmem>>
            %dma_start3A_301 = tpu.memref_squeeze %dma_start3A_300 : memref<1x1x2048xi32, #tpu.memory_space<vmem>> -> memref<1x2048xi32, #tpu.memory_space<vmem>>
            %dma_start3A_302 = arith.constant 0 : i32
            %dma_start3A_303 = tpu.memref_slice %arg3[%dma_start3A_302, %mul3A_297] : memref<1x425984xi32, #tpu.memory_space<hbm>> -> memref<1x2048xi32, #tpu.memory_space<hbm>>
            %dma_start3A_304 = tpu.memref_slice %run_scoped3A_17[%rem3A_295] : memref<2x!tpu.dma_semaphore, #tpu.memory_space<semaphore_mem>> -> memref<1x!tpu.dma_semaphore, #tpu.memory_space<semaphore_mem>>
            %dma_start3A_305 = tpu.memref_squeeze %dma_start3A_304 : memref<1x!tpu.dma_semaphore, #tpu.memory_space<semaphore_mem>> -> memref<!tpu.dma_semaphore, #tpu.memory_space<semaphore_mem>>
            %dma_start3A_306 = arith.constant 0 : i32
            %dma_start3A_307 = arith.constant 0 : i32
            %dma_start3A_308 = tpu.memref_slice %run_scoped3A[%rem3A_295, %dma_start3A_306, %dma_start3A_307] : memref<2x1x2048xi32, #tpu.memory_space<vmem>> -> memref<1x1x2048xi32, #tpu.memory_space<vmem>>
            %dma_start3A_309 = tpu.memref_squeeze %dma_start3A_308 : memref<1x1x2048xi32, #tpu.memory_space<vmem>> -> memref<1x2048xi32, #tpu.memory_space<vmem>>
            %dma_start3A_310 = arith.constant 0 : i32
            %dma_start3A_311 = tpu.memref_slice %arg3[%dma_start3A_310, %mul3A_297] : memref<1x425984xi32, #tpu.memory_space<hbm>> -> memref<1x2048xi32, #tpu.memory_space<hbm>>
            tpu.enqueue_dma source(%dma_start3A_311 : memref<1x2048xi32, #tpu.memory_space<hbm>>) target(%dma_start3A_309 : memref<1x2048xi32, #tpu.memory_space<vmem>>) target_semaphore(%dma_start3A_305 : memref<!tpu.dma_semaphore, #tpu.memory_space<semaphore_mem>>)
            "tpu.trace_stop"() : () -> ()
          } else {
          }
          %and3A_191 = arith.constant true
          %and3A_192 = arith.andi %and3A, %and3A_191 : i1
          %add3A_193 = arith.constant 1 : i32
          %add3A_194 = arith.addi %while3A_143, %add3A_193 : i32
          %select_n3A_195 = arith.select %and3A_192, %add3A_194, %while3A_143 : i32
          %ne3A_196 = arith.cmpi ne, %add3A_155, %add3A_173 : i32
          %or3A_197 = arith.constant false
          %or3A_198 = arith.ori %or3A_197, %ne3A_196 : i1
          %or3A_199 = arith.constant false
          %or3A_200 = arith.ori %or3A_198, %or3A_199 : i1
          %sub3A_201 = arith.constant 2 : i32
          %sub3A_202 = arith.subi %mul3A_149, %sub3A_201 : i32
          %add3A_203 = arith.constant 1 : i32
          %add3A_204 = arith.addi %sub3A_202, %add3A_203 : i32
          %ge3A_205 = arith.cmpi sge, %while3A_142, %add3A_204 : i32
          %not3A_206 = arith.constant true
          %not3A_207 = arith.xori %ge3A_205, %not3A_206 : i1
          %and3A_208 = arith.andi %or3A_200, %not3A_207 : i1
          %ne3A_209 = arith.cmpi ne, %add3A_155, %add3A_165 : i32
          %or3A_210 = arith.constant false
          %or3A_211 = arith.ori %or3A_210, %ne3A_209 : i1
          %or3A_212 = arith.ori %or3A_211, %eq3A_151 : i1
          %convert_element_type3A_213 = arith.extui %or3A_212 : i1 to i32
          %cond3A_214 = arith.constant 0 : i32
          %cond3A_215 = arith.cmpi ne, %convert_element_type3A_213, %cond3A_214 : i32
          scf.if %cond3A_215 {
            "tpu.trace_start"() <{level = 10 : i32, message = "ep_wait_in"}> : () -> ()
            %mul3A_294 = arith.constant 2048 : i32
            %mul3A_295 = arith.muli %mul3A_294, %add3A_155 : i32
            %rem3A_296 = arith.constant 2 : i32
            %rem3A_297 = arith.remui %while3A_144, %rem3A_296 : i32
            %dma_wait3A = arith.constant 0 : i32
            %dma_wait3A_298 = arith.constant 0 : i32
            %dma_wait3A_299 = tpu.memref_slice %run_scoped3A[%rem3A_297, %dma_wait3A, %dma_wait3A_298] : memref<2x1x2048xi32, #tpu.memory_space<vmem>> -> memref<1x1x2048xi32, #tpu.memory_space<vmem>>
            %dma_wait3A_300 = tpu.memref_squeeze %dma_wait3A_299 : memref<1x1x2048xi32, #tpu.memory_space<vmem>> -> memref<1x2048xi32, #tpu.memory_space<vmem>>
            %dma_wait3A_301 = arith.constant 0 : i32
            %dma_wait3A_302 = tpu.memref_slice %arg3[%dma_wait3A_301, %mul3A_295] : memref<1x425984xi32, #tpu.memory_space<hbm>> -> memref<1x2048xi32, #tpu.memory_space<hbm>>
            %dma_wait3A_303 = tpu.memref_slice %run_scoped3A_17[%rem3A_297] : memref<2x!tpu.dma_semaphore, #tpu.memory_space<semaphore_mem>> -> memref<1x!tpu.dma_semaphore, #tpu.memory_space<semaphore_mem>>
            %dma_wait3A_304 = tpu.memref_squeeze %dma_wait3A_303 : memref<1x!tpu.dma_semaphore, #tpu.memory_space<semaphore_mem>> -> memref<!tpu.dma_semaphore, #tpu.memory_space<semaphore_mem>>
            %dma_wait3A_305 = arith.constant 0 : i32
            %dma_wait3A_306 = arith.constant 0 : i32
            %dma_wait3A_307 = tpu.memref_slice %run_scoped3A[%rem3A_297, %dma_wait3A_305, %dma_wait3A_306] : memref<2x1x2048xi32, #tpu.memory_space<vmem>> -> memref<1x1x2048xi32, #tpu.memory_space<vmem>>
            %dma_wait3A_308 = tpu.memref_squeeze %dma_wait3A_307 : memref<1x1x2048xi32, #tpu.memory_space<vmem>> -> memref<1x2048xi32, #tpu.memory_space<vmem>>
            %dma_wait3A_309 = arith.constant 0 : i32
            %dma_wait3A_310 = tpu.memref_slice %arg3[%dma_wait3A_309, %mul3A_295] : memref<1x425984xi32, #tpu.memory_space<hbm>> -> memref<1x2048xi32, #tpu.memory_space<hbm>>
            tpu.wait_dma2 semaphore(%dma_wait3A_304 : memref<!tpu.dma_semaphore, #tpu.memory_space<semaphore_mem>>) src(%dma_wait3A_310 : memref<1x2048xi32, #tpu.memory_space<hbm>>) dst(%dma_wait3A_308 : memref<1x2048xi32, #tpu.memory_space<vmem>>)
            "tpu.trace_stop"() : () -> ()
          } else {
          }
          %ne3A_216 = arith.cmpi ne, %add3A_155, %add3A_165 : i32
          %or3A_217 = arith.constant false
          %or3A_218 = arith.ori %or3A_217, %ne3A_216 : i1
          %or3A_219 = arith.constant false
          %or3A_220 = arith.ori %or3A_218, %or3A_219 : i1
          %or3A_221 = arith.ori %or3A_220, %eq3A_151 : i1
          %convert_element_type3A_222 = arith.extui %or3A_221 : i1 to i32
          %cond3A_223 = arith.constant 0 : i32
          %cond3A_224 = arith.cmpi ne, %convert_element_type3A_222, %cond3A_223 : i32
          scf.if %cond3A_224 {
          } else {
          }
          %rem3A_225 = arith.constant 2 : i32
          %rem3A_226 = arith.remui %while3A_144, %rem3A_225 : i32
          %rem3A_227 = arith.constant 2 : i32
          %rem3A_228 = arith.remui %while3A_145, %rem3A_227 : i32
          %run_scoped3A_229 = arith.constant 0 : i32
          "tpu.trace_start"() <{level = 10 : i32, message = "ep_run_kernel"}> : () -> ()
          "tpu.region"() ({
            %run_scoped3A_294 = tpu.sem_alloc : memref<!tpu.dma_semaphore, #tpu.memory_space<semaphore_mem>>
            %dma_start3A_295 = arith.constant 0 : i32
            %dma_start3A_296 = arith.constant 0 : i32
            %dma_start3A_297 = tpu.memref_slice %run_scoped3A_18[%rem3A_228, %dma_start3A_295, %dma_start3A_296] : memref<2x2048x16xf32, #tpu.memory_space<vmem>> -> memref<1x2048x16xf32, #tpu.memory_space<vmem>>
            %dma_start3A_298 = tpu.memref_squeeze %dma_start3A_297 : memref<1x2048x16xf32, #tpu.memory_space<vmem>> -> memref<2048x16xf32, #tpu.memory_space<vmem>>
            %dma_start3A_299 = arith.constant 0 : i32
            %dma_start3A_300 = arith.constant 0 : i32
            %dma_start3A_301 = tpu.memref_slice %run_scoped3A[%rem3A_226, %dma_start3A_299, %dma_start3A_300] : memref<2x1x2048xi32, #tpu.memory_space<vmem>> -> memref<1x1x2048xi32, #tpu.memory_space<vmem>>
            %dma_start3A_302 = tpu.memref_squeeze %dma_start3A_301 : memref<1x1x2048xi32, #tpu.memory_space<vmem>> -> memref<1x2048xi32, #tpu.memory_space<vmem>>
            %dma_start3A_303 = arith.constant 0 : i32
            %dma_start3A_304 = tpu.memref_slice %dma_start3A_302[%run_scoped3A_229, %dma_start3A_303] : memref<1x2048xi32, #tpu.memory_space<vmem>> -> memref<1x2048xi32, #tpu.memory_space<vmem>>
            %dma_start3A_305 = tpu.memref_squeeze %dma_start3A_304 : memref<1x2048xi32, #tpu.memory_space<vmem>> -> memref<2048xi32, #tpu.memory_space<vmem>>
            %dma_start3A_306 = arith.constant 0 : i32
            %dma_start3A_307 = arith.constant 0 : i32
            %dma_start3A_308 = tpu.memref_slice %arg2[%dma_start3A_306, %dma_start3A_307] : memref<3276800x16xf32, #tpu.memory_space<hbm>> -> memref<3276800x16xf32, #tpu.memory_space<hbm>>
            tpu.enqueue_indirect_dma source(%dma_start3A_308 : memref<3276800x16xf32, #tpu.memory_space<hbm>>) target(%dma_start3A_298 : memref<2048x16xf32, #tpu.memory_space<vmem>>) offsets(%dma_start3A_305 : memref<2048xi32, #tpu.memory_space<vmem>>) semaphore(%run_scoped3A_294 : memref<!tpu.dma_semaphore, #tpu.memory_space<semaphore_mem>>)
            %dma_wait3A = arith.constant 0 : i32
            %dma_wait3A_309 = arith.constant 0 : i32
            %dma_wait3A_310 = tpu.memref_slice %run_scoped3A_18[%rem3A_228, %dma_wait3A, %dma_wait3A_309] : memref<2x2048x16xf32, #tpu.memory_space<vmem>> -> memref<1x2048x16xf32, #tpu.memory_space<vmem>>
            %dma_wait3A_311 = tpu.memref_squeeze %dma_wait3A_310 : memref<1x2048x16xf32, #tpu.memory_space<vmem>> -> memref<2048x16xf32, #tpu.memory_space<vmem>>
            %dma_wait3A_312 = arith.constant 0 : i32
            %dma_wait3A_313 = arith.constant 0 : i32
            %dma_wait3A_314 = tpu.memref_slice %run_scoped3A[%rem3A_226, %dma_wait3A_312, %dma_wait3A_313] : memref<2x1x2048xi32, #tpu.memory_space<vmem>> -> memref<1x1x2048xi32, #tpu.memory_space<vmem>>
            %dma_wait3A_315 = tpu.memref_squeeze %dma_wait3A_314 : memref<1x1x2048xi32, #tpu.memory_space<vmem>> -> memref<1x2048xi32, #tpu.memory_space<vmem>>
            %dma_wait3A_316 = arith.constant 0 : i32
            %dma_wait3A_317 = tpu.memref_slice %dma_wait3A_315[%run_scoped3A_229, %dma_wait3A_316] : memref<1x2048xi32, #tpu.memory_space<vmem>> -> memref<1x2048xi32, #tpu.memory_space<vmem>>
            %dma_wait3A_318 = tpu.memref_squeeze %dma_wait3A_317 : memref<1x2048xi32, #tpu.memory_space<vmem>> -> memref<2048xi32, #tpu.memory_space<vmem>>
            %dma_wait3A_319 = arith.constant 0 : i32
            %dma_wait3A_320 = arith.constant 0 : i32
            %dma_wait3A_321 = tpu.memref_slice %arg2[%dma_wait3A_319, %dma_wait3A_320] : memref<3276800x16xf32, #tpu.memory_space<hbm>> -> memref<3276800x16xf32, #tpu.memory_space<hbm>>
            tpu.wait_indirect_dma semaphore(%run_scoped3A_294 : memref<!tpu.dma_semaphore, #tpu.memory_space<semaphore_mem>>) src(%dma_wait3A_321 : memref<3276800x16xf32, #tpu.memory_space<hbm>>) dst(%dma_wait3A_311 : memref<2048x16xf32, #tpu.memory_space<vmem>>)
            tpu.yield
          }) : () -> ()
          "tpu.trace_stop"() : () -> ()
          %ne3A_230 = arith.cmpi ne, %add3A_155, %add3A_173 : i32
          %or3A_231 = arith.constant false
          %or3A_232 = arith.ori %or3A_231, %ne3A_230 : i1
          %or3A_233 = arith.ori %or3A_232, %eq3A_154 : i1
          %convert_element_type3A_234 = arith.extui %or3A_233 : i1 to i32
          %cond3A_235 = arith.constant 0 : i32
          %cond3A_236 = arith.cmpi ne, %convert_element_type3A_234, %cond3A_235 : i32
          scf.if %cond3A_236 {
          } else {
          }
          %and3A_237 = arith.constant false
          %and3A_238 = arith.andi %or3A_233, %and3A_237 : i1
          %ne3A_239 = arith.cmpi ne, %add3A_155, %add3A_173 : i32
          %or3A_240 = arith.constant false
          %or3A_241 = arith.ori %or3A_240, %ne3A_239 : i1
          %or3A_242 = arith.constant false
          %or3A_243 = arith.ori %or3A_241, %or3A_242 : i1
          %or3A_244 = arith.ori %or3A_243, %eq3A_154 : i1
          %convert_element_type3A_245 = arith.extui %or3A_244 : i1 to i32
          %cond3A_246 = arith.constant 0 : i32
          %cond3A_247 = arith.cmpi ne, %convert_element_type3A_245, %cond3A_246 : i32
          scf.if %cond3A_247 {
            "tpu.trace_start"() <{level = 10 : i32, message = "ep_copy_out"}> : () -> ()
            %rem3A_294 = arith.constant 2 : i32
            %rem3A_295 = arith.remui %while3A_145, %rem3A_294 : i32
            %mul3A_296 = arith.constant 2048 : i32
            %mul3A_297 = arith.muli %mul3A_296, %add3A_155 : i32
            %dma_start3A_298 = arith.constant 0 : i32
            %dma_start3A_299 = arith.constant 0 : i32
            %dma_start3A_300 = tpu.memref_slice %run_scoped3A_18[%rem3A_295, %dma_start3A_298, %dma_start3A_299] : memref<2x2048x16xf32, #tpu.memory_space<vmem>> -> memref<1x2048x16xf32, #tpu.memory_space<vmem>>
            %dma_start3A_301 = tpu.memref_squeeze %dma_start3A_300 : memref<1x2048x16xf32, #tpu.memory_space<vmem>> -> memref<2048x16xf32, #tpu.memory_space<vmem>>
            %dma_start3A_302 = arith.constant 0 : i32
            %dma_start3A_303 = tpu.memref_slice %arg4[%mul3A_297, %dma_start3A_302] : memref<425984x16xf32, #tpu.memory_space<hbm>> -> memref<2048x16xf32, #tpu.memory_space<hbm>>
            %dma_start3A_304 = tpu.memref_slice %run_scoped3A_19[%rem3A_295] : memref<2x!tpu.dma_semaphore, #tpu.memory_space<semaphore_mem>> -> memref<1x!tpu.dma_semaphore, #tpu.memory_space<semaphore_mem>>
            %dma_start3A_305 = tpu.memref_squeeze %dma_start3A_304 : memref<1x!tpu.dma_semaphore, #tpu.memory_space<semaphore_mem>> -> memref<!tpu.dma_semaphore, #tpu.memory_space<semaphore_mem>>
            %dma_start3A_306 = arith.constant 0 : i32
            %dma_start3A_307 = tpu.memref_slice %arg4[%mul3A_297, %dma_start3A_306] : memref<425984x16xf32, #tpu.memory_space<hbm>> -> memref<2048x16xf32, #tpu.memory_space<hbm>>
            %dma_start3A_308 = arith.constant 0 : i32
            %dma_start3A_309 = arith.constant 0 : i32
            %dma_start3A_310 = tpu.memref_slice %run_scoped3A_18[%rem3A_295, %dma_start3A_308, %dma_start3A_309] : memref<2x2048x16xf32, #tpu.memory_space<vmem>> -> memref<1x2048x16xf32, #tpu.memory_space<vmem>>
            %dma_start3A_311 = tpu.memref_squeeze %dma_start3A_310 : memref<1x2048x16xf32, #tpu.memory_space<vmem>> -> memref<2048x16xf32, #tpu.memory_space<vmem>>
            tpu.enqueue_dma source(%dma_start3A_311 : memref<2048x16xf32, #tpu.memory_space<vmem>>) target(%dma_start3A_307 : memref<2048x16xf32, #tpu.memory_space<hbm>>) target_semaphore(%dma_start3A_305 : memref<!tpu.dma_semaphore, #tpu.memory_space<semaphore_mem>>)
            "tpu.trace_stop"() : () -> ()
          } else {
          }
          %and3A_248 = arith.constant true
          %and3A_249 = arith.andi %or3A_244, %and3A_248 : i1
          %add3A_250 = arith.constant 1 : i32
          %add3A_251 = arith.addi %while3A_145, %add3A_250 : i32
          %select_n3A_252 = arith.select %and3A_249, %add3A_251, %while3A_145 : i32
          %ne3A_253 = arith.cmpi ne, %add3A_155, %add3A_165 : i32
          %or3A_254 = arith.constant false
          %or3A_255 = arith.ori %or3A_254, %ne3A_253 : i1
          %not3A_256 = arith.constant true
          %not3A_257 = arith.xori %eq3A_151, %not3A_256 : i1
          %and3A_258 = arith.andi %or3A_255, %not3A_257 : i1
          %convert_element_type3A_259 = arith.extui %and3A_258 : i1 to i32
          %cond3A_260 = arith.constant 0 : i32
          %cond3A_261 = arith.cmpi ne, %convert_element_type3A_259, %cond3A_260 : i32
          scf.if %cond3A_261 {
          } else {
          }
          %and3A_262 = arith.constant false
          %and3A_263 = arith.andi %and3A_258, %and3A_262 : i1
          %ne3A_264 = arith.cmpi ne, %add3A_155, %add3A_165 : i32
          %or3A_265 = arith.constant false
          %or3A_266 = arith.ori %or3A_265, %ne3A_264 : i1
          %or3A_267 = arith.constant false
          %or3A_268 = arith.ori %or3A_266, %or3A_267 : i1
          %not3A_269 = arith.constant true
          %not3A_270 = arith.xori %eq3A_151, %not3A_269 : i1
          %and3A_271 = arith.andi %or3A_268, %not3A_270 : i1
          %convert_element_type3A_272 = arith.extui %and3A_271 : i1 to i32
          %cond3A_273 = arith.constant 0 : i32
          %cond3A_274 = arith.cmpi ne, %convert_element_type3A_272, %cond3A_273 : i32
          scf.if %cond3A_274 {
            "tpu.trace_start"() <{level = 10 : i32, message = "ep_wait_out"}> : () -> ()
            %rem3A_294 = arith.constant 2 : i32
            %rem3A_295 = arith.remui %while3A_146, %rem3A_294 : i32
            %mul3A_296 = arith.constant 2048 : i32
            %mul3A_297 = arith.muli %mul3A_296, %add3A_165 : i32
            %dma_wait3A = arith.constant 0 : i32
            %dma_wait3A_298 = arith.constant 0 : i32
            %dma_wait3A_299 = tpu.memref_slice %run_scoped3A_18[%rem3A_295, %dma_wait3A, %dma_wait3A_298] : memref<2x2048x16xf32, #tpu.memory_space<vmem>> -> memref<1x2048x16xf32, #tpu.memory_space<vmem>>
            %dma_wait3A_300 = tpu.memref_squeeze %dma_wait3A_299 : memref<1x2048x16xf32, #tpu.memory_space<vmem>> -> memref<2048x16xf32, #tpu.memory_space<vmem>>
            %dma_wait3A_301 = arith.constant 0 : i32
            %dma_wait3A_302 = tpu.memref_slice %arg4[%mul3A_297, %dma_wait3A_301] : memref<425984x16xf32, #tpu.memory_space<hbm>> -> memref<2048x16xf32, #tpu.memory_space<hbm>>
            %dma_wait3A_303 = tpu.memref_slice %run_scoped3A_19[%rem3A_295] : memref<2x!tpu.dma_semaphore, #tpu.memory_space<semaphore_mem>> -> memref<1x!tpu.dma_semaphore, #tpu.memory_space<semaphore_mem>>
            %dma_wait3A_304 = tpu.memref_squeeze %dma_wait3A_303 : memref<1x!tpu.dma_semaphore, #tpu.memory_space<semaphore_mem>> -> memref<!tpu.dma_semaphore, #tpu.memory_space<semaphore_mem>>
            %dma_wait3A_305 = arith.constant 0 : i32
            %dma_wait3A_306 = tpu.memref_slice %arg4[%mul3A_297, %dma_wait3A_305] : memref<425984x16xf32, #tpu.memory_space<hbm>> -> memref<2048x16xf32, #tpu.memory_space<hbm>>
            %dma_wait3A_307 = arith.constant 0 : i32
            %dma_wait3A_308 = arith.constant 0 : i32
            %dma_wait3A_309 = tpu.memref_slice %run_scoped3A_18[%rem3A_295, %dma_wait3A_307, %dma_wait3A_308] : memref<2x2048x16xf32, #tpu.memory_space<vmem>> -> memref<1x2048x16xf32, #tpu.memory_space<vmem>>
            %dma_wait3A_310 = tpu.memref_squeeze %dma_wait3A_309 : memref<1x2048x16xf32, #tpu.memory_space<vmem>> -> memref<2048x16xf32, #tpu.memory_space<vmem>>
            tpu.wait_dma2 semaphore(%dma_wait3A_304 : memref<!tpu.dma_semaphore, #tpu.memory_space<semaphore_mem>>) src(%dma_wait3A_310 : memref<2048x16xf32, #tpu.memory_space<vmem>>) dst(%dma_wait3A_306 : memref<2048x16xf32, #tpu.memory_space<hbm>>)
            "tpu.trace_stop"() : () -> ()
          } else {
          }
          %and3A_275 = arith.constant true
          %and3A_276 = arith.andi %and3A_271, %and3A_275 : i1
          %add3A_277 = arith.constant 1 : i32
          %add3A_278 = arith.addi %while3A_146, %add3A_277 : i32
          %select_n3A_279 = arith.select %and3A_276, %add3A_278, %while3A_146 : i32
          %ne3A_280 = arith.cmpi ne, %add3A_155, %add3A_173 : i32
          %or3A_281 = arith.constant false
          %or3A_282 = arith.ori %or3A_281, %ne3A_280 : i1
          %or3A_283 = arith.ori %or3A_282, %eq3A_154 : i1
          %add3A_284 = arith.constant 1 : i32
          %add3A_285 = arith.addi %while3A_144, %add3A_284 : i32
          %select_n3A_286 = arith.select %or3A_283, %add3A_285, %while3A_144 : i32
          %add3A_287 = arith.constant 1 : i32
          %add3A_288 = arith.addi %while3A_147, %add3A_287 : i32
          %select_n3A_289 = arith.constant true
          %select_n3A_290 = arith.select %select_n3A_289, %add3A_288, %while3A_147 : i32
          %eq3A_291 = arith.cmpi eq, %select_n3A_290, %select_n3A : i32
          %select_n3A_292 = arith.constant 0 : i32
          %select_n3A_293 = arith.select %eq3A_291, %select_n3A_292, %select_n3A_290 : i32
          scf.yield %select_n3A_195, %select_n3A_286, %select_n3A_252, %select_n3A_279, %select_n3A_293 : i32, i32, i32, i32, i32
        }
        %while3A_89 = arith.constant 1 : i32
        %while3A_90:5 = scf.for %while3A_142 = %while3A_86 to %while3A_82 step %while3A_89 iter_args(%while3A_143 = %while3A_88#0, %while3A_144 = %while3A_88#1, %while3A_145 = %while3A_88#2, %while3A_146 = %while3A_88#3, %while3A_147 = %while3A_88#4) -> (i32, i32, i32, i32, i32)  : i32 {
          %mul3A_148 = arith.constant 1 : i32
          %mul3A_149 = arith.muli %mul3A_148, %select_n3A : i32
          %eq3A_150 = arith.constant 0 : i32
          %eq3A_151 = arith.cmpi eq, %while3A_142, %eq3A_150 : i32
          %sub3A_152 = arith.constant 1 : i32
          %sub3A_153 = arith.subi %mul3A_149, %sub3A_152 : i32
          %eq3A_154 = arith.cmpi eq, %while3A_142, %sub3A_153 : i32
          %add3A_155 = arith.addi %while3A_147, %select_n3A_14 : i32
          %sub3A_156 = arith.constant 1 : i32
          %sub3A_157 = arith.subi %while3A_147, %sub3A_156 : i32
          %select_n3A_158 = arith.constant true
          %select_n3A_159 = arith.select %select_n3A_158, %sub3A_157, %while3A_147 : i32
          %eq3A_160 = arith.constant -1 : i32
          %eq3A_161 = arith.cmpi eq, %select_n3A_159, %eq3A_160 : i32
          %sub3A_162 = arith.constant 1 : i32
          %sub3A_163 = arith.subi %select_n3A, %sub3A_162 : i32
          %select_n3A_164 = arith.select %eq3A_161, %sub3A_163, %select_n3A_159 : i32
          %add3A_165 = arith.addi %select_n3A_164, %select_n3A_14 : i32
          %add3A_166 = arith.constant 1 : i32
          %add3A_167 = arith.addi %while3A_147, %add3A_166 : i32
          %select_n3A_168 = arith.constant true
          %select_n3A_169 = arith.select %select_n3A_168, %add3A_167, %while3A_147 : i32
          %eq3A_170 = arith.cmpi eq, %select_n3A_169, %select_n3A : i32
          %select_n3A_171 = arith.constant 0 : i32
          %select_n3A_172 = arith.select %eq3A_170, %select_n3A_171, %select_n3A_169 : i32
          %add3A_173 = arith.addi %select_n3A_172, %select_n3A_14 : i32
          %add3A_174 = arith.constant 1 : i32
          %add3A_175 = arith.addi %select_n3A_172, %add3A_174 : i32
          %select_n3A_176 = arith.constant true
          %select_n3A_177 = arith.select %select_n3A_176, %add3A_175, %select_n3A_172 : i32
          %eq3A_178 = arith.cmpi eq, %select_n3A_177, %select_n3A : i32
          %select_n3A_179 = arith.constant 0 : i32
          %select_n3A_180 = arith.select %eq3A_178, %select_n3A_179, %select_n3A_177 : i32
          %add3A_181 = arith.addi %select_n3A_180, %select_n3A_14 : i32
          %ne3A = arith.cmpi ne, %add3A_155, %add3A_173 : i32
          %or3A = arith.constant false
          %or3A_182 = arith.ori %or3A, %ne3A : i1
          %sub3A_183 = arith.constant 2 : i32
          %sub3A_184 = arith.subi %mul3A_149, %sub3A_183 : i32
          %add3A_185 = arith.constant 1 : i32
          %add3A_186 = arith.addi %sub3A_184, %add3A_185 : i32
          %ge3A = arith.cmpi sge, %while3A_142, %add3A_186 : i32
          %not3A = arith.constant true
          %not3A_187 = arith.xori %ge3A, %not3A : i1
          %and3A = arith.andi %or3A_182, %not3A_187 : i1
          %convert_element_type3A_188 = arith.extui %and3A : i1 to i32
          %cond3A_189 = arith.constant 0 : i32
          %cond3A_190 = arith.cmpi ne, %convert_element_type3A_188, %cond3A_189 : i32
          scf.if %cond3A_190 {
            "tpu.trace_start"() <{level = 10 : i32, message = "ep_copy_in"}> : () -> ()
            %rem3A_294 = arith.constant 2 : i32
            %rem3A_295 = arith.remui %while3A_143, %rem3A_294 : i32
            %mul3A_296 = arith.constant 2048 : i32
            %mul3A_297 = arith.muli %mul3A_296, %add3A_173 : i32
            %dma_start3A_298 = arith.constant 0 : i32
            %dma_start3A_299 = arith.constant 0 : i32
            %dma_start3A_300 = tpu.memref_slice %run_scoped3A[%rem3A_295, %dma_start3A_298, %dma_start3A_299] : memref<2x1x2048xi32, #tpu.memory_space<vmem>> -> memref<1x1x2048xi32, #tpu.memory_space<vmem>>
            %dma_start3A_301 = tpu.memref_squeeze %dma_start3A_300 : memref<1x1x2048xi32, #tpu.memory_space<vmem>> -> memref<1x2048xi32, #tpu.memory_space<vmem>>
            %dma_start3A_302 = arith.constant 0 : i32
            %dma_start3A_303 = tpu.memref_slice %arg3[%dma_start3A_302, %mul3A_297] : memref<1x425984xi32, #tpu.memory_space<hbm>> -> memref<1x2048xi32, #tpu.memory_space<hbm>>
            %dma_start3A_304 = tpu.memref_slice %run_scoped3A_17[%rem3A_295] : memref<2x!tpu.dma_semaphore, #tpu.memory_space<semaphore_mem>> -> memref<1x!tpu.dma_semaphore, #tpu.memory_space<semaphore_mem>>
            %dma_start3A_305 = tpu.memref_squeeze %dma_start3A_304 : memref<1x!tpu.dma_semaphore, #tpu.memory_space<semaphore_mem>> -> memref<!tpu.dma_semaphore, #tpu.memory_space<semaphore_mem>>
            %dma_start3A_306 = arith.constant 0 : i32
            %dma_start3A_307 = arith.constant 0 : i32
            %dma_start3A_308 = tpu.memref_slice %run_scoped3A[%rem3A_295, %dma_start3A_306, %dma_start3A_307] : memref<2x1x2048xi32, #tpu.memory_space<vmem>> -> memref<1x1x2048xi32, #tpu.memory_space<vmem>>
            %dma_start3A_309 = tpu.memref_squeeze %dma_start3A_308 : memref<1x1x2048xi32, #tpu.memory_space<vmem>> -> memref<1x2048xi32, #tpu.memory_space<vmem>>
            %dma_start3A_310 = arith.constant 0 : i32
            %dma_start3A_311 = tpu.memref_slice %arg3[%dma_start3A_310, %mul3A_297] : memref<1x425984xi32, #tpu.memory_space<hbm>> -> memref<1x2048xi32, #tpu.memory_space<hbm>>
            tpu.enqueue_dma source(%dma_start3A_311 : memref<1x2048xi32, #tpu.memory_space<hbm>>) target(%dma_start3A_309 : memref<1x2048xi32, #tpu.memory_space<vmem>>) target_semaphore(%dma_start3A_305 : memref<!tpu.dma_semaphore, #tpu.memory_space<semaphore_mem>>)
            "tpu.trace_stop"() : () -> ()
          } else {
          }
          %and3A_191 = arith.constant true
          %and3A_192 = arith.andi %and3A, %and3A_191 : i1
          %add3A_193 = arith.constant 1 : i32
          %add3A_194 = arith.addi %while3A_143, %add3A_193 : i32
          %select_n3A_195 = arith.select %and3A_192, %add3A_194, %while3A_143 : i32
          %ne3A_196 = arith.cmpi ne, %add3A_155, %add3A_173 : i32
          %or3A_197 = arith.constant false
          %or3A_198 = arith.ori %or3A_197, %ne3A_196 : i1
          %or3A_199 = arith.constant false
          %or3A_200 = arith.ori %or3A_198, %or3A_199 : i1
          %sub3A_201 = arith.constant 2 : i32
          %sub3A_202 = arith.subi %mul3A_149, %sub3A_201 : i32
          %add3A_203 = arith.constant 1 : i32
          %add3A_204 = arith.addi %sub3A_202, %add3A_203 : i32
          %ge3A_205 = arith.cmpi sge, %while3A_142, %add3A_204 : i32
          %not3A_206 = arith.constant true
          %not3A_207 = arith.xori %ge3A_205, %not3A_206 : i1
          %and3A_208 = arith.andi %or3A_200, %not3A_207 : i1
          %ne3A_209 = arith.cmpi ne, %add3A_155, %add3A_165 : i32
          %or3A_210 = arith.constant false
          %or3A_211 = arith.ori %or3A_210, %ne3A_209 : i1
          %or3A_212 = arith.ori %or3A_211, %eq3A_151 : i1
          %convert_element_type3A_213 = arith.extui %or3A_212 : i1 to i32
          %cond3A_214 = arith.constant 0 : i32
          %cond3A_215 = arith.cmpi ne, %convert_element_type3A_213, %cond3A_214 : i32
          scf.if %cond3A_215 {
            "tpu.trace_start"() <{level = 10 : i32, message = "ep_wait_in"}> : () -> ()
            %mul3A_294 = arith.constant 2048 : i32
            %mul3A_295 = arith.muli %mul3A_294, %add3A_155 : i32
            %rem3A_296 = arith.constant 2 : i32
            %rem3A_297 = arith.remui %while3A_144, %rem3A_296 : i32
            %dma_wait3A = arith.constant 0 : i32
            %dma_wait3A_298 = arith.constant 0 : i32
            %dma_wait3A_299 = tpu.memref_slice %run_scoped3A[%rem3A_297, %dma_wait3A, %dma_wait3A_298] : memref<2x1x2048xi32, #tpu.memory_space<vmem>> -> memref<1x1x2048xi32, #tpu.memory_space<vmem>>
            %dma_wait3A_300 = tpu.memref_squeeze %dma_wait3A_299 : memref<1x1x2048xi32, #tpu.memory_space<vmem>> -> memref<1x2048xi32, #tpu.memory_space<vmem>>
            %dma_wait3A_301 = arith.constant 0 : i32
            %dma_wait3A_302 = tpu.memref_slice %arg3[%dma_wait3A_301, %mul3A_295] : memref<1x425984xi32, #tpu.memory_space<hbm>> -> memref<1x2048xi32, #tpu.memory_space<hbm>>
            %dma_wait3A_303 = tpu.memref_slice %run_scoped3A_17[%rem3A_297] : memref<2x!tpu.dma_semaphore, #tpu.memory_space<semaphore_mem>> -> memref<1x!tpu.dma_semaphore, #tpu.memory_space<semaphore_mem>>
            %dma_wait3A_304 = tpu.memref_squeeze %dma_wait3A_303 : memref<1x!tpu.dma_semaphore, #tpu.memory_space<semaphore_mem>> -> memref<!tpu.dma_semaphore, #tpu.memory_space<semaphore_mem>>
            %dma_wait3A_305 = arith.constant 0 : i32
            %dma_wait3A_306 = arith.constant 0 : i32
            %dma_wait3A_307 = tpu.memref_slice %run_scoped3A[%rem3A_297, %dma_wait3A_305, %dma_wait3A_306] : memref<2x1x2048xi32, #tpu.memory_space<vmem>> -> memref<1x1x2048xi32, #tpu.memory_space<vmem>>
            %dma_wait3A_308 = tpu.memref_squeeze %dma_wait3A_307 : memref<1x1x2048xi32, #tpu.memory_space<vmem>> -> memref<1x2048xi32, #tpu.memory_space<vmem>>
            %dma_wait3A_309 = arith.constant 0 : i32
            %dma_wait3A_310 = tpu.memref_slice %arg3[%dma_wait3A_309, %mul3A_295] : memref<1x425984xi32, #tpu.memory_space<hbm>> -> memref<1x2048xi32, #tpu.memory_space<hbm>>
            tpu.wait_dma2 semaphore(%dma_wait3A_304 : memref<!tpu.dma_semaphore, #tpu.memory_space<semaphore_mem>>) src(%dma_wait3A_310 : memref<1x2048xi32, #tpu.memory_space<hbm>>) dst(%dma_wait3A_308 : memref<1x2048xi32, #tpu.memory_space<vmem>>)
            "tpu.trace_stop"() : () -> ()
          } else {
          }
          %ne3A_216 = arith.cmpi ne, %add3A_155, %add3A_165 : i32
          %or3A_217 = arith.constant false
          %or3A_218 = arith.ori %or3A_217, %ne3A_216 : i1
          %or3A_219 = arith.constant false
          %or3A_220 = arith.ori %or3A_218, %or3A_219 : i1
          %or3A_221 = arith.ori %or3A_220, %eq3A_151 : i1
          %convert_element_type3A_222 = arith.extui %or3A_221 : i1 to i32
          %cond3A_223 = arith.constant 0 : i32
          %cond3A_224 = arith.cmpi ne, %convert_element_type3A_222, %cond3A_223 : i32
          scf.if %cond3A_224 {
          } else {
          }
          %rem3A_225 = arith.constant 2 : i32
          %rem3A_226 = arith.remui %while3A_144, %rem3A_225 : i32
          %rem3A_227 = arith.constant 2 : i32
          %rem3A_228 = arith.remui %while3A_145, %rem3A_227 : i32
          %run_scoped3A_229 = arith.constant 0 : i32
          "tpu.trace_start"() <{level = 10 : i32, message = "ep_run_kernel"}> : () -> ()
          "tpu.region"() ({
            %run_scoped3A_294 = tpu.sem_alloc : memref<!tpu.dma_semaphore, #tpu.memory_space<semaphore_mem>>
            %dma_start3A_295 = arith.constant 0 : i32
            %dma_start3A_296 = arith.constant 0 : i32
            %dma_start3A_297 = tpu.memref_slice %run_scoped3A_18[%rem3A_228, %dma_start3A_295, %dma_start3A_296] : memref<2x2048x16xf32, #tpu.memory_space<vmem>> -> memref<1x2048x16xf32, #tpu.memory_space<vmem>>
            %dma_start3A_298 = tpu.memref_squeeze %dma_start3A_297 : memref<1x2048x16xf32, #tpu.memory_space<vmem>> -> memref<2048x16xf32, #tpu.memory_space<vmem>>
            %dma_start3A_299 = arith.constant 0 : i32
            %dma_start3A_300 = arith.constant 0 : i32
            %dma_start3A_301 = tpu.memref_slice %run_scoped3A[%rem3A_226, %dma_start3A_299, %dma_start3A_300] : memref<2x1x2048xi32, #tpu.memory_space<vmem>> -> memref<1x1x2048xi32, #tpu.memory_space<vmem>>
            %dma_start3A_302 = tpu.memref_squeeze %dma_start3A_301 : memref<1x1x2048xi32, #tpu.memory_space<vmem>> -> memref<1x2048xi32, #tpu.memory_space<vmem>>
            %dma_start3A_303 = arith.constant 0 : i32
            %dma_start3A_304 = tpu.memref_slice %dma_start3A_302[%run_scoped3A_229, %dma_start3A_303] : memref<1x2048xi32, #tpu.memory_space<vmem>> -> memref<1x2048xi32, #tpu.memory_space<vmem>>
            %dma_start3A_305 = tpu.memref_squeeze %dma_start3A_304 : memref<1x2048xi32, #tpu.memory_space<vmem>> -> memref<2048xi32, #tpu.memory_space<vmem>>
            %dma_start3A_306 = arith.constant 0 : i32
            %dma_start3A_307 = arith.constant 0 : i32
            %dma_start3A_308 = tpu.memref_slice %arg2[%dma_start3A_306, %dma_start3A_307] : memref<3276800x16xf32, #tpu.memory_space<hbm>> -> memref<3276800x16xf32, #tpu.memory_space<hbm>>
            tpu.enqueue_indirect_dma source(%dma_start3A_308 : memref<3276800x16xf32, #tpu.memory_space<hbm>>) target(%dma_start3A_298 : memref<2048x16xf32, #tpu.memory_space<vmem>>) offsets(%dma_start3A_305 : memref<2048xi32, #tpu.memory_space<vmem>>) semaphore(%run_scoped3A_294 : memref<!tpu.dma_semaphore, #tpu.memory_space<semaphore_mem>>)
            %dma_wait3A = arith.constant 0 : i32
            %dma_wait3A_309 = arith.constant 0 : i32
            %dma_wait3A_310 = tpu.memref_slice %run_scoped3A_18[%rem3A_228, %dma_wait3A, %dma_wait3A_309] : memref<2x2048x16xf32, #tpu.memory_space<vmem>> -> memref<1x2048x16xf32, #tpu.memory_space<vmem>>
            %dma_wait3A_311 = tpu.memref_squeeze %dma_wait3A_310 : memref<1x2048x16xf32, #tpu.memory_space<vmem>> -> memref<2048x16xf32, #tpu.memory_space<vmem>>
            %dma_wait3A_312 = arith.constant 0 : i32
            %dma_wait3A_313 = arith.constant 0 : i32
            %dma_wait3A_314 = tpu.memref_slice %run_scoped3A[%rem3A_226, %dma_wait3A_312, %dma_wait3A_313] : memref<2x1x2048xi32, #tpu.memory_space<vmem>> -> memref<1x1x2048xi32, #tpu.memory_space<vmem>>
            %dma_wait3A_315 = tpu.memref_squeeze %dma_wait3A_314 : memref<1x1x2048xi32, #tpu.memory_space<vmem>> -> memref<1x2048xi32, #tpu.memory_space<vmem>>
            %dma_wait3A_316 = arith.constant 0 : i32
            %dma_wait3A_317 = tpu.memref_slice %dma_wait3A_315[%run_scoped3A_229, %dma_wait3A_316] : memref<1x2048xi32, #tpu.memory_space<vmem>> -> memref<1x2048xi32, #tpu.memory_space<vmem>>
            %dma_wait3A_318 = tpu.memref_squeeze %dma_wait3A_317 : memref<1x2048xi32, #tpu.memory_space<vmem>> -> memref<2048xi32, #tpu.memory_space<vmem>>
            %dma_wait3A_319 = arith.constant 0 : i32
            %dma_wait3A_320 = arith.constant 0 : i32
            %dma_wait3A_321 = tpu.memref_slice %arg2[%dma_wait3A_319, %dma_wait3A_320] : memref<3276800x16xf32, #tpu.memory_space<hbm>> -> memref<3276800x16xf32, #tpu.memory_space<hbm>>
            tpu.wait_indirect_dma semaphore(%run_scoped3A_294 : memref<!tpu.dma_semaphore, #tpu.memory_space<semaphore_mem>>) src(%dma_wait3A_321 : memref<3276800x16xf32, #tpu.memory_space<hbm>>) dst(%dma_wait3A_311 : memref<2048x16xf32, #tpu.memory_space<vmem>>)
            tpu.yield
          }) : () -> ()
          "tpu.trace_stop"() : () -> ()
          %ne3A_230 = arith.cmpi ne, %add3A_155, %add3A_173 : i32
          %or3A_231 = arith.constant false
          %or3A_232 = arith.ori %or3A_231, %ne3A_230 : i1
          %or3A_233 = arith.ori %or3A_232, %eq3A_154 : i1
          %convert_element_type3A_234 = arith.extui %or3A_233 : i1 to i32
          %cond3A_235 = arith.constant 0 : i32
          %cond3A_236 = arith.cmpi ne, %convert_element_type3A_234, %cond3A_235 : i32
          scf.if %cond3A_236 {
          } else {
          }
          %and3A_237 = arith.constant false
          %and3A_238 = arith.andi %or3A_233, %and3A_237 : i1
          %ne3A_239 = arith.cmpi ne, %add3A_155, %add3A_173 : i32
          %or3A_240 = arith.constant false
          %or3A_241 = arith.ori %or3A_240, %ne3A_239 : i1
          %or3A_242 = arith.constant false
          %or3A_243 = arith.ori %or3A_241, %or3A_242 : i1
          %or3A_244 = arith.ori %or3A_243, %eq3A_154 : i1
          %convert_element_type3A_245 = arith.extui %or3A_244 : i1 to i32
          %cond3A_246 = arith.constant 0 : i32
          %cond3A_247 = arith.cmpi ne, %convert_element_type3A_245, %cond3A_246 : i32
          scf.if %cond3A_247 {
            "tpu.trace_start"() <{level = 10 : i32, message = "ep_copy_out"}> : () -> ()
            %rem3A_294 = arith.constant 2 : i32
            %rem3A_295 = arith.remui %while3A_145, %rem3A_294 : i32
            %mul3A_296 = arith.constant 2048 : i32
            %mul3A_297 = arith.muli %mul3A_296, %add3A_155 : i32
            %dma_start3A_298 = arith.constant 0 : i32
            %dma_start3A_299 = arith.constant 0 : i32
            %dma_start3A_300 = tpu.memref_slice %run_scoped3A_18[%rem3A_295, %dma_start3A_298, %dma_start3A_299] : memref<2x2048x16xf32, #tpu.memory_space<vmem>> -> memref<1x2048x16xf32, #tpu.memory_space<vmem>>
            %dma_start3A_301 = tpu.memref_squeeze %dma_start3A_300 : memref<1x2048x16xf32, #tpu.memory_space<vmem>> -> memref<2048x16xf32, #tpu.memory_space<vmem>>
            %dma_start3A_302 = arith.constant 0 : i32
            %dma_start3A_303 = tpu.memref_slice %arg4[%mul3A_297, %dma_start3A_302] : memref<425984x16xf32, #tpu.memory_space<hbm>> -> memref<2048x16xf32, #tpu.memory_space<hbm>>
            %dma_start3A_304 = tpu.memref_slice %run_scoped3A_19[%rem3A_295] : memref<2x!tpu.dma_semaphore, #tpu.memory_space<semaphore_mem>> -> memref<1x!tpu.dma_semaphore, #tpu.memory_space<semaphore_mem>>
            %dma_start3A_305 = tpu.memref_squeeze %dma_start3A_304 : memref<1x!tpu.dma_semaphore, #tpu.memory_space<semaphore_mem>> -> memref<!tpu.dma_semaphore, #tpu.memory_space<semaphore_mem>>
            %dma_start3A_306 = arith.constant 0 : i32
            %dma_start3A_307 = tpu.memref_slice %arg4[%mul3A_297, %dma_start3A_306] : memref<425984x16xf32, #tpu.memory_space<hbm>> -> memref<2048x16xf32, #tpu.memory_space<hbm>>
            %dma_start3A_308 = arith.constant 0 : i32
            %dma_start3A_309 = arith.constant 0 : i32
            %dma_start3A_310 = tpu.memref_slice %run_scoped3A_18[%rem3A_295, %dma_start3A_308, %dma_start3A_309] : memref<2x2048x16xf32, #tpu.memory_space<vmem>> -> memref<1x2048x16xf32, #tpu.memory_space<vmem>>
            %dma_start3A_311 = tpu.memref_squeeze %dma_start3A_310 : memref<1x2048x16xf32, #tpu.memory_space<vmem>> -> memref<2048x16xf32, #tpu.memory_space<vmem>>
            tpu.enqueue_dma source(%dma_start3A_311 : memref<2048x16xf32, #tpu.memory_space<vmem>>) target(%dma_start3A_307 : memref<2048x16xf32, #tpu.memory_space<hbm>>) target_semaphore(%dma_start3A_305 : memref<!tpu.dma_semaphore, #tpu.memory_space<semaphore_mem>>)
            "tpu.trace_stop"() : () -> ()
          } else {
          }
          %and3A_248 = arith.constant true
          %and3A_249 = arith.andi %or3A_244, %and3A_248 : i1
          %add3A_250 = arith.constant 1 : i32
          %add3A_251 = arith.addi %while3A_145, %add3A_250 : i32
          %select_n3A_252 = arith.select %and3A_249, %add3A_251, %while3A_145 : i32
          %ne3A_253 = arith.cmpi ne, %add3A_155, %add3A_165 : i32
          %or3A_254 = arith.constant false
          %or3A_255 = arith.ori %or3A_254, %ne3A_253 : i1
          %not3A_256 = arith.constant true
          %not3A_257 = arith.xori %eq3A_151, %not3A_256 : i1
          %and3A_258 = arith.andi %or3A_255, %not3A_257 : i1
          %convert_element_type3A_259 = arith.extui %and3A_258 : i1 to i32
          %cond3A_260 = arith.constant 0 : i32
          %cond3A_261 = arith.cmpi ne, %convert_element_type3A_259, %cond3A_260 : i32
          scf.if %cond3A_261 {
          } else {
          }
          %and3A_262 = arith.constant false
          %and3A_263 = arith.andi %and3A_258, %and3A_262 : i1
          %ne3A_264 = arith.cmpi ne, %add3A_155, %add3A_165 : i32
          %or3A_265 = arith.constant false
          %or3A_266 = arith.ori %or3A_265, %ne3A_264 : i1
          %or3A_267 = arith.constant false
          %or3A_268 = arith.ori %or3A_266, %or3A_267 : i1
          %not3A_269 = arith.constant true
          %not3A_270 = arith.xori %eq3A_151, %not3A_269 : i1
          %and3A_271 = arith.andi %or3A_268, %not3A_270 : i1
          %convert_element_type3A_272 = arith.extui %and3A_271 : i1 to i32
          %cond3A_273 = arith.constant 0 : i32
          %cond3A_274 = arith.cmpi ne, %convert_element_type3A_272, %cond3A_273 : i32
          scf.if %cond3A_274 {
            "tpu.trace_start"() <{level = 10 : i32, message = "ep_wait_out"}> : () -> ()
            %rem3A_294 = arith.constant 2 : i32
            %rem3A_295 = arith.remui %while3A_146, %rem3A_294 : i32
            %mul3A_296 = arith.constant 2048 : i32
            %mul3A_297 = arith.muli %mul3A_296, %add3A_165 : i32
            %dma_wait3A = arith.constant 0 : i32
            %dma_wait3A_298 = arith.constant 0 : i32
            %dma_wait3A_299 = tpu.memref_slice %run_scoped3A_18[%rem3A_295, %dma_wait3A, %dma_wait3A_298] : memref<2x2048x16xf32, #tpu.memory_space<vmem>> -> memref<1x2048x16xf32, #tpu.memory_space<vmem>>
            %dma_wait3A_300 = tpu.memref_squeeze %dma_wait3A_299 : memref<1x2048x16xf32, #tpu.memory_space<vmem>> -> memref<2048x16xf32, #tpu.memory_space<vmem>>
            %dma_wait3A_301 = arith.constant 0 : i32
            %dma_wait3A_302 = tpu.memref_slice %arg4[%mul3A_297, %dma_wait3A_301] : memref<425984x16xf32, #tpu.memory_space<hbm>> -> memref<2048x16xf32, #tpu.memory_space<hbm>>
            %dma_wait3A_303 = tpu.memref_slice %run_scoped3A_19[%rem3A_295] : memref<2x!tpu.dma_semaphore, #tpu.memory_space<semaphore_mem>> -> memref<1x!tpu.dma_semaphore, #tpu.memory_space<semaphore_mem>>
            %dma_wait3A_304 = tpu.memref_squeeze %dma_wait3A_303 : memref<1x!tpu.dma_semaphore, #tpu.memory_space<semaphore_mem>> -> memref<!tpu.dma_semaphore, #tpu.memory_space<semaphore_mem>>
            %dma_wait3A_305 = arith.constant 0 : i32
            %dma_wait3A_306 = tpu.memref_slice %arg4[%mul3A_297, %dma_wait3A_305] : memref<425984x16xf32, #tpu.memory_space<hbm>> -> memref<2048x16xf32, #tpu.memory_space<hbm>>
            %dma_wait3A_307 = arith.constant 0 : i32
            %dma_wait3A_308 = arith.constant 0 : i32
            %dma_wait3A_309 = tpu.memref_slice %run_scoped3A_18[%rem3A_295, %dma_wait3A_307, %dma_wait3A_308] : memref<2x2048x16xf32, #tpu.memory_space<vmem>> -> memref<1x2048x16xf32, #tpu.memory_space<vmem>>
            %dma_wait3A_310 = tpu.memref_squeeze %dma_wait3A_309 : memref<1x2048x16xf32, #tpu.memory_space<vmem>> -> memref<2048x16xf32, #tpu.memory_space<vmem>>
            tpu.wait_dma2 semaphore(%dma_wait3A_304 : memref<!tpu.dma_semaphore, #tpu.memory_space<semaphore_mem>>) src(%dma_wait3A_310 : memref<2048x16xf32, #tpu.memory_space<vmem>>) dst(%dma_wait3A_306 : memref<2048x16xf32, #tpu.memory_space<hbm>>)
            "tpu.trace_stop"() : () -> ()
          } else {
          }
          %and3A_275 = arith.constant true
          %and3A_276 = arith.andi %and3A_271, %and3A_275 : i1
          %add3A_277 = arith.constant 1 : i32
          %add3A_278 = arith.addi %while3A_146, %add3A_277 : i32
          %select_n3A_279 = arith.select %and3A_276, %add3A_278, %while3A_146 : i32
          %ne3A_280 = arith.cmpi ne, %add3A_155, %add3A_173 : i32
          %or3A_281 = arith.constant false
          %or3A_282 = arith.ori %or3A_281, %ne3A_280 : i1
          %or3A_283 = arith.ori %or3A_282, %eq3A_154 : i1
          %add3A_284 = arith.constant 1 : i32
          %add3A_285 = arith.addi %while3A_144, %add3A_284 : i32
          %select_n3A_286 = arith.select %or3A_283, %add3A_285, %while3A_144 : i32
          %add3A_287 = arith.constant 1 : i32
          %add3A_288 = arith.addi %while3A_147, %add3A_287 : i32
          %select_n3A_289 = arith.constant true
          %select_n3A_290 = arith.select %select_n3A_289, %add3A_288, %while3A_147 : i32
          %eq3A_291 = arith.cmpi eq, %select_n3A_290, %select_n3A : i32
          %select_n3A_292 = arith.constant 0 : i32
          %select_n3A_293 = arith.select %eq3A_291, %select_n3A_292, %select_n3A_290 : i32
          scf.yield %select_n3A_195, %select_n3A_286, %select_n3A_252, %select_n3A_279, %select_n3A_293 : i32, i32, i32, i32, i32
        }
        %sub3A_91 = arith.constant 1 : i32
        %sub3A_92 = arith.subi %while3A_90#4, %sub3A_91 : i32
        %select_n3A_93 = arith.constant true
        %select_n3A_94 = arith.select %select_n3A_93, %sub3A_92, %while3A_90#4 : i32
        %eq3A_95 = arith.constant -1 : i32
        %eq3A_96 = arith.cmpi eq, %select_n3A_94, %eq3A_95 : i32
        %sub3A_97 = arith.constant 1 : i32
        %sub3A_98 = arith.subi %select_n3A, %sub3A_97 : i32
        %select_n3A_99 = arith.select %eq3A_96, %sub3A_98, %select_n3A_94 : i32
        %sub3A_100 = arith.constant 1 : i32
        %sub3A_101 = arith.subi %mul3A_16, %sub3A_100 : i32
        %mul3A_102 = arith.constant 1 : i32
        %mul3A_103 = arith.muli %mul3A_102, %select_n3A : i32
        %eq3A_104 = arith.constant 0 : i32
        %eq3A_105 = arith.cmpi eq, %sub3A_101, %eq3A_104 : i32
        %sub3A_106 = arith.constant 1 : i32
        %sub3A_107 = arith.subi %mul3A_103, %sub3A_106 : i32
        %eq3A_108 = arith.cmpi eq, %sub3A_101, %sub3A_107 : i32
        %add3A_109 = arith.addi %select_n3A_99, %select_n3A_14 : i32
        %sub3A_110 = arith.constant 1 : i32
        %sub3A_111 = arith.subi %select_n3A_99, %sub3A_110 : i32
        %select_n3A_112 = arith.constant true
        %select_n3A_113 = arith.select %select_n3A_112, %sub3A_111, %select_n3A_99 : i32
        %eq3A_114 = arith.constant -1 : i32
        %eq3A_115 = arith.cmpi eq, %select_n3A_113, %eq3A_114 : i32
        %sub3A_116 = arith.constant 1 : i32
        %sub3A_117 = arith.subi %select_n3A, %sub3A_116 : i32
        %select_n3A_118 = arith.select %eq3A_115, %sub3A_117, %select_n3A_113 : i32
        %add3A_119 = arith.addi %select_n3A_118, %select_n3A_14 : i32
        %add3A_120 = arith.constant 1 : i32
        %add3A_121 = arith.addi %select_n3A_99, %add3A_120 : i32
        %select_n3A_122 = arith.constant true
        %select_n3A_123 = arith.select %select_n3A_122, %add3A_121, %select_n3A_99 : i32
        %eq3A_124 = arith.cmpi eq, %select_n3A_123, %select_n3A : i32
        %select_n3A_125 = arith.constant 0 : i32
        %select_n3A_126 = arith.select %eq3A_124, %select_n3A_125, %select_n3A_123 : i32
        %add3A_127 = arith.addi %select_n3A_126, %select_n3A_14 : i32
        %add3A_128 = arith.constant 1 : i32
        %add3A_129 = arith.addi %select_n3A_126, %add3A_128 : i32
        %select_n3A_130 = arith.constant true
        %select_n3A_131 = arith.select %select_n3A_130, %add3A_129, %select_n3A_126 : i32
        %eq3A_132 = arith.cmpi eq, %select_n3A_131, %select_n3A : i32
        %select_n3A_133 = arith.constant 0 : i32
        %select_n3A_134 = arith.select %eq3A_132, %select_n3A_133, %select_n3A_131 : i32
        %add3A_135 = arith.addi %select_n3A_134, %select_n3A_14 : i32
        %convert_element_type3A_136 = arith.extui %eq3A_108 : i1 to i32
        %cond3A_137 = arith.constant 0 : i32
        %cond3A_138 = arith.cmpi ne, %convert_element_type3A_136, %cond3A_137 : i32
        scf.if %cond3A_138 {
        } else {
        }
        %convert_element_type3A_139 = arith.extui %eq3A_108 : i1 to i32
        %cond3A_140 = arith.constant 0 : i32
        %cond3A_141 = arith.cmpi ne, %convert_element_type3A_139, %cond3A_140 : i32
        scf.if %cond3A_141 {
          "tpu.trace_start"() <{level = 10 : i32, message = "ep_finalize"}> : () -> ()
          %rem3A_142 = arith.constant 2 : i32
          %rem3A_143 = arith.remui %while3A_90#3, %rem3A_142 : i32
          %mul3A_144 = arith.constant 2048 : i32
          %mul3A_145 = arith.muli %mul3A_144, %add3A_109 : i32
          %dma_wait3A = arith.constant 0 : i32
          %dma_wait3A_146 = arith.constant 0 : i32
          %dma_wait3A_147 = tpu.memref_slice %run_scoped3A_18[%rem3A_143, %dma_wait3A, %dma_wait3A_146] : memref<2x2048x16xf32, #tpu.memory_space<vmem>> -> memref<1x2048x16xf32, #tpu.memory_space<vmem>>
          %dma_wait3A_148 = tpu.memref_squeeze %dma_wait3A_147 : memref<1x2048x16xf32, #tpu.memory_space<vmem>> -> memref<2048x16xf32, #tpu.memory_space<vmem>>
          %dma_wait3A_149 = arith.constant 0 : i32
          %dma_wait3A_150 = tpu.memref_slice %arg4[%mul3A_145, %dma_wait3A_149] : memref<425984x16xf32, #tpu.memory_space<hbm>> -> memref<2048x16xf32, #tpu.memory_space<hbm>>
          %dma_wait3A_151 = tpu.memref_slice %run_scoped3A_19[%rem3A_143] : memref<2x!tpu.dma_semaphore, #tpu.memory_space<semaphore_mem>> -> memref<1x!tpu.dma_semaphore, #tpu.memory_space<semaphore_mem>>
          %dma_wait3A_152 = tpu.memref_squeeze %dma_wait3A_151 : memref<1x!tpu.dma_semaphore, #tpu.memory_space<semaphore_mem>> -> memref<!tpu.dma_semaphore, #tpu.memory_space<semaphore_mem>>
          %dma_wait3A_153 = arith.constant 0 : i32
          %dma_wait3A_154 = tpu.memref_slice %arg4[%mul3A_145, %dma_wait3A_153] : memref<425984x16xf32, #tpu.memory_space<hbm>> -> memref<2048x16xf32, #tpu.memory_space<hbm>>
          %dma_wait3A_155 = arith.constant 0 : i32
          %dma_wait3A_156 = arith.constant 0 : i32
          %dma_wait3A_157 = tpu.memref_slice %run_scoped3A_18[%rem3A_143, %dma_wait3A_155, %dma_wait3A_156] : memref<2x2048x16xf32, #tpu.memory_space<vmem>> -> memref<1x2048x16xf32, #tpu.memory_space<vmem>>
          %dma_wait3A_158 = tpu.memref_squeeze %dma_wait3A_157 : memref<1x2048x16xf32, #tpu.memory_space<vmem>> -> memref<2048x16xf32, #tpu.memory_space<vmem>>
          tpu.wait_dma2 semaphore(%dma_wait3A_152 : memref<!tpu.dma_semaphore, #tpu.memory_space<semaphore_mem>>) src(%dma_wait3A_158 : memref<2048x16xf32, #tpu.memory_space<vmem>>) dst(%dma_wait3A_154 : memref<2048x16xf32, #tpu.memory_space<hbm>>)
          "tpu.trace_stop"() : () -> ()
        } else {
        }
      } else {
      }
      tpu.yield
    }) : () -> ()
    return
  }
}

#map = affine_map<(d0, d1) -> (0)>
#map1 = affine_map<(d0, d1) -> (0, 0)>
module attributes {stable_mosaic.version = 14 : i64} {
  func.func @k(%arg0: i32, %arg1: i32, %arg2: memref<2662400xf32, #tpu.memory_space<hbm>>, %arg3: memref<100000x16xf32, #tpu.memory_space<hbm>>, %arg4: memref<1x425984xi32, #tpu.memory_space<hbm>>, %arg5: memref<1x491520xi32, #tpu.memory_space<hbm>>, %arg6: memref<425984xf32, #tpu.memory_space<hbm>>, %arg7: memref<491520x16xf32, #tpu.memory_space<hbm>>) attributes {dimension_semantics = [#tpu.dimension_semantics<core_parallel>, #tpu.dimension_semantics<subcore_parallel>], iteration_bounds = array<i64: 2, 16>, scalar_prefetch = 0 : i64, scratch_operands = 0 : i64, tpu.core_type = #tpu.core_type<sc_vector_subcore>, window_params = [{transform_indices = #map}, {transform_indices = #map1}, {transform_indices = #map1}, {transform_indices = #map1}, {transform_indices = #map}, {transform_indices = #map1}]} {
    %mul3A = arith.constant 1 : i32
    %mul3A_0 = arith.muli %arg1, %mul3A : i32
    %add3A = arith.constant 0 : i32
    %add3A_1 = arith.addi %add3A, %mul3A_0 : i32
    %mul3A_2 = arith.constant 16 : i32
    %mul3A_3 = arith.muli %arg0, %mul3A_2 : i32
    %add3A_4 = arith.addi %add3A_1, %mul3A_3 : i32
    %lt3A = arith.constant 16 : i32
    %lt3A_5 = arith.cmpi slt, %add3A_4, %lt3A : i32
    %jit3A = arith.constant 7 : i32
    %jit3A_6 = arith.constant 6 : i32
    %select_n3A = arith.select %lt3A_5, %jit3A, %jit3A_6 : i32
    %lt3A_7 = arith.constant 16 : i32
    %lt3A_8 = arith.cmpi slt, %add3A_4, %lt3A_7 : i32
    %mul3A_9 = arith.muli %add3A_4, %select_n3A : i32
    %mul3A_10 = arith.constant 6 : i32
    %mul3A_11 = arith.muli %add3A_4, %mul3A_10 : i32
    %add3A_12 = arith.constant 16 : i32
    %add3A_13 = arith.addi %mul3A_11, %add3A_12 : i32
    %select_n3A_14 = arith.select %lt3A_8, %mul3A_9, %add3A_13 : i32
    %mul3A_15 = arith.constant 1 : i32
    %mul3A_16 = arith.muli %mul3A_15, %select_n3A : i32
    "tpu.region"() ({
      %run_scoped3A = memref.alloca() : memref<2x1x2048xi32, #tpu.memory_space<vmem>>
      %run_scoped3A_26 = tpu.sem_alloc : memref<2x!tpu.dma_semaphore, #tpu.memory_space<semaphore_mem>>
      %run_scoped3A_27 = memref.alloca() : memref<4096xf32, #tpu.memory_space<vmem>>
      %run_scoped3A_28 = tpu.sem_alloc : memref<2x!tpu.dma_semaphore, #tpu.memory_space<semaphore_mem>>
      %gt3A = arith.constant 0 : i32
      %gt3A_29 = arith.cmpi sgt, %mul3A_16, %gt3A : i32
      %convert_element_type3A = arith.extui %gt3A_29 : i1 to i32
      %cond3A = arith.constant 0 : i32
      %cond3A_30 = arith.cmpi ne, %convert_element_type3A, %cond3A : i32
      scf.if %cond3A_30 {
        %mul3A_31 = arith.constant 1 : i32
        %mul3A_32 = arith.muli %mul3A_31, %select_n3A : i32
        %sub3A = arith.constant 1 : i32
        %sub3A_33 = arith.subi %mul3A_32, %sub3A : i32
        %eq3A = arith.constant 0 : i32
        %eq3A_34 = arith.cmpi eq, %sub3A_33, %eq3A : i32
        %add3A_35 = arith.constant 0 : i32
        %add3A_36 = arith.addi %add3A_35, %select_n3A_14 : i32
        %select_n3A_37 = arith.constant true
        %select_n3A_38 = arith.constant 0 : i32
        %select_n3A_39 = arith.constant -1 : i32
        %select_n3A_40 = arith.select %select_n3A_37, %select_n3A_39, %select_n3A_38 : i32
        %eq3A_41 = arith.constant -1 : i32
        %eq3A_42 = arith.cmpi eq, %select_n3A_40, %eq3A_41 : i32
        %sub3A_43 = arith.constant 1 : i32
        %sub3A_44 = arith.subi %select_n3A, %sub3A_43 : i32
        %select_n3A_45 = arith.select %eq3A_42, %sub3A_44, %select_n3A_40 : i32
        %add3A_46 = arith.addi %select_n3A_45, %select_n3A_14 : i32
        %select_n3A_47 = arith.constant true
        %select_n3A_48 = arith.constant 0 : i32
        %select_n3A_49 = arith.constant 1 : i32
        %select_n3A_50 = arith.select %select_n3A_47, %select_n3A_49, %select_n3A_48 : i32
        %eq3A_51 = arith.cmpi eq, %select_n3A_50, %select_n3A : i32
        %select_n3A_52 = arith.constant 0 : i32
        %select_n3A_53 = arith.select %eq3A_51, %select_n3A_52, %select_n3A_50 : i32
        %add3A_54 = arith.addi %select_n3A_53, %select_n3A_14 : i32
        %add3A_55 = arith.constant 1 : i32
        %add3A_56 = arith.addi %select_n3A_53, %add3A_55 : i32
        %select_n3A_57 = arith.constant true
        %select_n3A_58 = arith.select %select_n3A_57, %add3A_56, %select_n3A_53 : i32
        %eq3A_59 = arith.cmpi eq, %select_n3A_58, %select_n3A : i32
        %select_n3A_60 = arith.constant 0 : i32
        %select_n3A_61 = arith.select %eq3A_59, %select_n3A_60, %select_n3A_58 : i32
        %add3A_62 = arith.addi %select_n3A_61, %select_n3A_14 : i32
        "tpu.trace_start"() <{level = 10 : i32, message = "ep_initialize_0"}> : () -> ()
        %rem3A = arith.constant 0 : i32
        %rem3A_63 = arith.constant 2 : i32
        %rem3A_64 = arith.remui %rem3A, %rem3A_63 : i32
        %mul3A_65 = arith.constant 2048 : i32
        %mul3A_66 = arith.muli %mul3A_65, %add3A_36 : i32
        %dma_start3A = arith.constant 0 : i32
        %dma_start3A_67 = arith.constant 0 : i32
        %dma_start3A_68 = tpu.memref_slice %run_scoped3A[%rem3A_64, %dma_start3A, %dma_start3A_67] : memref<2x1x2048xi32, #tpu.memory_space<vmem>> -> memref<1x1x2048xi32, #tpu.memory_space<vmem>>
        %dma_start3A_69 = tpu.memref_squeeze %dma_start3A_68 : memref<1x1x2048xi32, #tpu.memory_space<vmem>> -> memref<1x2048xi32, #tpu.memory_space<vmem>>
        %dma_start3A_70 = arith.constant 0 : i32
        %dma_start3A_71 = tpu.memref_slice %arg4[%dma_start3A_70, %mul3A_66] : memref<1x425984xi32, #tpu.memory_space<hbm>> -> memref<1x2048xi32, #tpu.memory_space<hbm>>
        %dma_start3A_72 = tpu.memref_slice %run_scoped3A_26[%rem3A_64] : memref<2x!tpu.dma_semaphore, #tpu.memory_space<semaphore_mem>> -> memref<1x!tpu.dma_semaphore, #tpu.memory_space<semaphore_mem>>
        %dma_start3A_73 = tpu.memref_squeeze %dma_start3A_72 : memref<1x!tpu.dma_semaphore, #tpu.memory_space<semaphore_mem>> -> memref<!tpu.dma_semaphore, #tpu.memory_space<semaphore_mem>>
        %dma_start3A_74 = arith.constant 0 : i32
        %dma_start3A_75 = arith.constant 0 : i32
        %dma_start3A_76 = tpu.memref_slice %run_scoped3A[%rem3A_64, %dma_start3A_74, %dma_start3A_75] : memref<2x1x2048xi32, #tpu.memory_space<vmem>> -> memref<1x1x2048xi32, #tpu.memory_space<vmem>>
        %dma_start3A_77 = tpu.memref_squeeze %dma_start3A_76 : memref<1x1x2048xi32, #tpu.memory_space<vmem>> -> memref<1x2048xi32, #tpu.memory_space<vmem>>
        %dma_start3A_78 = arith.constant 0 : i32
        %dma_start3A_79 = tpu.memref_slice %arg4[%dma_start3A_78, %mul3A_66] : memref<1x425984xi32, #tpu.memory_space<hbm>> -> memref<1x2048xi32, #tpu.memory_space<hbm>>
        tpu.enqueue_dma source(%dma_start3A_79 : memref<1x2048xi32, #tpu.memory_space<hbm>>) target(%dma_start3A_77 : memref<1x2048xi32, #tpu.memory_space<vmem>>) target_semaphore(%dma_start3A_73 : memref<!tpu.dma_semaphore, #tpu.memory_space<semaphore_mem>>)
        %add3A_80 = arith.constant 0 : i32
        %add3A_81 = arith.constant 1 : i32
        %add3A_82 = arith.addi %add3A_80, %add3A_81 : i32
        %select_n3A_83 = arith.constant true
        %select_n3A_84 = arith.constant 0 : i32
        %select_n3A_85 = arith.select %select_n3A_83, %add3A_82, %select_n3A_84 : i32
        %while3A = arith.constant 0 : i32
        %while3A_86 = arith.constant 0 : i32
        %while3A_87 = arith.constant 0 : i32
        %while3A_88 = arith.constant 0 : i32
        %while3A_89 = arith.constant 0 : i32
        "tpu.trace_stop"() : () -> ()
        %while3A_90 = arith.subi %mul3A_16, %while3A : i32
        %while3A_91 = arith.addi %while3A, %while3A_90 : i32
        %while3A_92 = arith.constant 1 : i32
        %while3A_93 = arith.divsi %while3A_90, %while3A_92 : i32
        %while3A_94 = arith.muli %while3A_93, %while3A_92 : i32
        %while3A_95 = arith.addi %while3A, %while3A_94 : i32
        %while3A_96 = arith.constant 1 : i32
        %while3A_97:5 = scf.for %while3A_151 = %while3A to %while3A_95 step %while3A_96 iter_args(%while3A_152 = %select_n3A_85, %while3A_153 = %while3A_86, %while3A_154 = %while3A_87, %while3A_155 = %while3A_88, %while3A_156 = %while3A_89) -> (i32, i32, i32, i32, i32)  : i32 {
          %mul3A_157 = arith.constant 1 : i32
          %mul3A_158 = arith.muli %mul3A_157, %select_n3A : i32
          %eq3A_159 = arith.constant 0 : i32
          %eq3A_160 = arith.cmpi eq, %while3A_151, %eq3A_159 : i32
          %sub3A_161 = arith.constant 1 : i32
          %sub3A_162 = arith.subi %mul3A_158, %sub3A_161 : i32
          %eq3A_163 = arith.cmpi eq, %while3A_151, %sub3A_162 : i32
          %add3A_164 = arith.addi %while3A_156, %select_n3A_14 : i32
          %sub3A_165 = arith.constant 1 : i32
          %sub3A_166 = arith.subi %while3A_156, %sub3A_165 : i32
          %select_n3A_167 = arith.constant true
          %select_n3A_168 = arith.select %select_n3A_167, %sub3A_166, %while3A_156 : i32
          %eq3A_169 = arith.constant -1 : i32
          %eq3A_170 = arith.cmpi eq, %select_n3A_168, %eq3A_169 : i32
          %sub3A_171 = arith.constant 1 : i32
          %sub3A_172 = arith.subi %select_n3A, %sub3A_171 : i32
          %select_n3A_173 = arith.select %eq3A_170, %sub3A_172, %select_n3A_168 : i32
          %add3A_174 = arith.addi %select_n3A_173, %select_n3A_14 : i32
          %add3A_175 = arith.constant 1 : i32
          %add3A_176 = arith.addi %while3A_156, %add3A_175 : i32
          %select_n3A_177 = arith.constant true
          %select_n3A_178 = arith.select %select_n3A_177, %add3A_176, %while3A_156 : i32
          %eq3A_179 = arith.cmpi eq, %select_n3A_178, %select_n3A : i32
          %select_n3A_180 = arith.constant 0 : i32
          %select_n3A_181 = arith.select %eq3A_179, %select_n3A_180, %select_n3A_178 : i32
          %add3A_182 = arith.addi %select_n3A_181, %select_n3A_14 : i32
          %add3A_183 = arith.constant 1 : i32
          %add3A_184 = arith.addi %select_n3A_181, %add3A_183 : i32
          %select_n3A_185 = arith.constant true
          %select_n3A_186 = arith.select %select_n3A_185, %add3A_184, %select_n3A_181 : i32
          %eq3A_187 = arith.cmpi eq, %select_n3A_186, %select_n3A : i32
          %select_n3A_188 = arith.constant 0 : i32
          %select_n3A_189 = arith.select %eq3A_187, %select_n3A_188, %select_n3A_186 : i32
          %add3A_190 = arith.addi %select_n3A_189, %select_n3A_14 : i32
          %ne3A = arith.cmpi ne, %add3A_164, %add3A_182 : i32
          %or3A = arith.constant false
          %or3A_191 = arith.ori %or3A, %ne3A : i1
          %sub3A_192 = arith.constant 2 : i32
          %sub3A_193 = arith.subi %mul3A_158, %sub3A_192 : i32
          %add3A_194 = arith.constant 1 : i32
          %add3A_195 = arith.addi %sub3A_193, %add3A_194 : i32
          %ge3A = arith.cmpi sge, %while3A_151, %add3A_195 : i32
          %not3A = arith.constant true
          %not3A_196 = arith.xori %ge3A, %not3A : i1
          %and3A = arith.andi %or3A_191, %not3A_196 : i1
          %convert_element_type3A_197 = arith.extui %and3A : i1 to i32
          %cond3A_198 = arith.constant 0 : i32
          %cond3A_199 = arith.cmpi ne, %convert_element_type3A_197, %cond3A_198 : i32
          scf.if %cond3A_199 {
            "tpu.trace_start"() <{level = 10 : i32, message = "ep_copy_in"}> : () -> ()
            %rem3A_297 = arith.constant 2 : i32
            %rem3A_298 = arith.remui %while3A_152, %rem3A_297 : i32
            %mul3A_299 = arith.constant 2048 : i32
            %mul3A_300 = arith.muli %mul3A_299, %add3A_182 : i32
            %dma_start3A_301 = arith.constant 0 : i32
            %dma_start3A_302 = arith.constant 0 : i32
            %dma_start3A_303 = tpu.memref_slice %run_scoped3A[%rem3A_298, %dma_start3A_301, %dma_start3A_302] : memref<2x1x2048xi32, #tpu.memory_space<vmem>> -> memref<1x1x2048xi32, #tpu.memory_space<vmem>>
            %dma_start3A_304 = tpu.memref_squeeze %dma_start3A_303 : memref<1x1x2048xi32, #tpu.memory_space<vmem>> -> memref<1x2048xi32, #tpu.memory_space<vmem>>
            %dma_start3A_305 = arith.constant 0 : i32
            %dma_start3A_306 = tpu.memref_slice %arg4[%dma_start3A_305, %mul3A_300] : memref<1x425984xi32, #tpu.memory_space<hbm>> -> memref<1x2048xi32, #tpu.memory_space<hbm>>
            %dma_start3A_307 = tpu.memref_slice %run_scoped3A_26[%rem3A_298] : memref<2x!tpu.dma_semaphore, #tpu.memory_space<semaphore_mem>> -> memref<1x!tpu.dma_semaphore, #tpu.memory_space<semaphore_mem>>
            %dma_start3A_308 = tpu.memref_squeeze %dma_start3A_307 : memref<1x!tpu.dma_semaphore, #tpu.memory_space<semaphore_mem>> -> memref<!tpu.dma_semaphore, #tpu.memory_space<semaphore_mem>>
            %dma_start3A_309 = arith.constant 0 : i32
            %dma_start3A_310 = arith.constant 0 : i32
            %dma_start3A_311 = tpu.memref_slice %run_scoped3A[%rem3A_298, %dma_start3A_309, %dma_start3A_310] : memref<2x1x2048xi32, #tpu.memory_space<vmem>> -> memref<1x1x2048xi32, #tpu.memory_space<vmem>>
            %dma_start3A_312 = tpu.memref_squeeze %dma_start3A_311 : memref<1x1x2048xi32, #tpu.memory_space<vmem>> -> memref<1x2048xi32, #tpu.memory_space<vmem>>
            %dma_start3A_313 = arith.constant 0 : i32
            %dma_start3A_314 = tpu.memref_slice %arg4[%dma_start3A_313, %mul3A_300] : memref<1x425984xi32, #tpu.memory_space<hbm>> -> memref<1x2048xi32, #tpu.memory_space<hbm>>
            tpu.enqueue_dma source(%dma_start3A_314 : memref<1x2048xi32, #tpu.memory_space<hbm>>) target(%dma_start3A_312 : memref<1x2048xi32, #tpu.memory_space<vmem>>) target_semaphore(%dma_start3A_308 : memref<!tpu.dma_semaphore, #tpu.memory_space<semaphore_mem>>)
            "tpu.trace_stop"() : () -> ()
          } else {
          }
          %and3A_200 = arith.constant true
          %and3A_201 = arith.andi %and3A, %and3A_200 : i1
          %add3A_202 = arith.constant 1 : i32
          %add3A_203 = arith.addi %while3A_152, %add3A_202 : i32
          %select_n3A_204 = arith.select %and3A_201, %add3A_203, %while3A_152 : i32
          %ne3A_205 = arith.cmpi ne, %add3A_164, %add3A_182 : i32
          %or3A_206 = arith.constant false
          %or3A_207 = arith.ori %or3A_206, %ne3A_205 : i1
          %sub3A_208 = arith.constant 2 : i32
          %sub3A_209 = arith.subi %mul3A_158, %sub3A_208 : i32
          %add3A_210 = arith.constant 1 : i32
          %add3A_211 = arith.addi %sub3A_209, %add3A_210 : i32
          %ge3A_212 = arith.cmpi sge, %while3A_151, %add3A_211 : i32
          %not3A_213 = arith.constant true
          %not3A_214 = arith.xori %ge3A_212, %not3A_213 : i1
          %and3A_215 = arith.andi %or3A_207, %not3A_214 : i1
          %ne3A_216 = arith.cmpi ne, %add3A_164, %add3A_174 : i32
          %or3A_217 = arith.constant false
          %or3A_218 = arith.ori %or3A_217, %ne3A_216 : i1
          %or3A_219 = arith.ori %or3A_218, %eq3A_160 : i1
          %convert_element_type3A_220 = arith.extui %or3A_219 : i1 to i32
          %cond3A_221 = arith.constant 0 : i32
          %cond3A_222 = arith.cmpi ne, %convert_element_type3A_220, %cond3A_221 : i32
          scf.if %cond3A_222 {
            "tpu.trace_start"() <{level = 10 : i32, message = "ep_wait_in"}> : () -> ()
            %mul3A_297 = arith.constant 2048 : i32
            %mul3A_298 = arith.muli %mul3A_297, %add3A_164 : i32
            %rem3A_299 = arith.constant 2 : i32
            %rem3A_300 = arith.remui %while3A_153, %rem3A_299 : i32
            %dma_wait3A = arith.constant 0 : i32
            %dma_wait3A_301 = arith.constant 0 : i32
            %dma_wait3A_302 = tpu.memref_slice %run_scoped3A[%rem3A_300, %dma_wait3A, %dma_wait3A_301] : memref<2x1x2048xi32, #tpu.memory_space<vmem>> -> memref<1x1x2048xi32, #tpu.memory_space<vmem>>
            %dma_wait3A_303 = tpu.memref_squeeze %dma_wait3A_302 : memref<1x1x2048xi32, #tpu.memory_space<vmem>> -> memref<1x2048xi32, #tpu.memory_space<vmem>>
            %dma_wait3A_304 = arith.constant 0 : i32
            %dma_wait3A_305 = tpu.memref_slice %arg4[%dma_wait3A_304, %mul3A_298] : memref<1x425984xi32, #tpu.memory_space<hbm>> -> memref<1x2048xi32, #tpu.memory_space<hbm>>
            %dma_wait3A_306 = tpu.memref_slice %run_scoped3A_26[%rem3A_300] : memref<2x!tpu.dma_semaphore, #tpu.memory_space<semaphore_mem>> -> memref<1x!tpu.dma_semaphore, #tpu.memory_space<semaphore_mem>>
            %dma_wait3A_307 = tpu.memref_squeeze %dma_wait3A_306 : memref<1x!tpu.dma_semaphore, #tpu.memory_space<semaphore_mem>> -> memref<!tpu.dma_semaphore, #tpu.memory_space<semaphore_mem>>
            %dma_wait3A_308 = arith.constant 0 : i32
            %dma_wait3A_309 = arith.constant 0 : i32
            %dma_wait3A_310 = tpu.memref_slice %run_scoped3A[%rem3A_300, %dma_wait3A_308, %dma_wait3A_309] : memref<2x1x2048xi32, #tpu.memory_space<vmem>> -> memref<1x1x2048xi32, #tpu.memory_space<vmem>>
            %dma_wait3A_311 = tpu.memref_squeeze %dma_wait3A_310 : memref<1x1x2048xi32, #tpu.memory_space<vmem>> -> memref<1x2048xi32, #tpu.memory_space<vmem>>
            %dma_wait3A_312 = arith.constant 0 : i32
            %dma_wait3A_313 = tpu.memref_slice %arg4[%dma_wait3A_312, %mul3A_298] : memref<1x425984xi32, #tpu.memory_space<hbm>> -> memref<1x2048xi32, #tpu.memory_space<hbm>>
            tpu.wait_dma2 semaphore(%dma_wait3A_307 : memref<!tpu.dma_semaphore, #tpu.memory_space<semaphore_mem>>) src(%dma_wait3A_313 : memref<1x2048xi32, #tpu.memory_space<hbm>>) dst(%dma_wait3A_311 : memref<1x2048xi32, #tpu.memory_space<vmem>>)
            "tpu.trace_stop"() : () -> ()
          } else {
          }
          %ne3A_223 = arith.cmpi ne, %add3A_164, %add3A_174 : i32
          %or3A_224 = arith.constant false
          %or3A_225 = arith.ori %or3A_224, %ne3A_223 : i1
          %or3A_226 = arith.ori %or3A_225, %eq3A_160 : i1
          %convert_element_type3A_227 = arith.extui %or3A_226 : i1 to i32
          %cond3A_228 = arith.constant 0 : i32
          %cond3A_229 = arith.cmpi ne, %convert_element_type3A_227, %cond3A_228 : i32
          scf.if %cond3A_229 {
          } else {
          }
          %rem3A_230 = arith.constant 2 : i32
          %rem3A_231 = arith.remui %while3A_153, %rem3A_230 : i32
          %rem3A_232 = arith.constant 2 : i32
          %rem3A_233 = arith.remui %while3A_154, %rem3A_232 : i32
          %mul3A_234 = arith.constant 2048 : i32
          %mul3A_235 = arith.muli %rem3A_233, %mul3A_234 : i32
          %run_scoped3A_236 = arith.constant 0 : i32
          "tpu.trace_start"() <{level = 10 : i32, message = "ep_run_kernel"}> : () -> ()
          "tpu.region"() ({
            %run_scoped3A_297 = tpu.sem_alloc : memref<!tpu.dma_semaphore, #tpu.memory_space<semaphore_mem>>
            %dma_start3A_298 = tpu.memref_slice %run_scoped3A_27[%mul3A_235] : memref<4096xf32, #tpu.memory_space<vmem>> -> memref<2048xf32, #tpu.memory_space<vmem>>
            %dma_start3A_299 = arith.constant 0 : i32
            %dma_start3A_300 = arith.constant 0 : i32
            %dma_start3A_301 = tpu.memref_slice %run_scoped3A[%rem3A_231, %dma_start3A_299, %dma_start3A_300] : memref<2x1x2048xi32, #tpu.memory_space<vmem>> -> memref<1x1x2048xi32, #tpu.memory_space<vmem>>
            %dma_start3A_302 = tpu.memref_squeeze %dma_start3A_301 : memref<1x1x2048xi32, #tpu.memory_space<vmem>> -> memref<1x2048xi32, #tpu.memory_space<vmem>>
            %dma_start3A_303 = arith.constant 0 : i32
            %dma_start3A_304 = tpu.memref_slice %dma_start3A_302[%run_scoped3A_236, %dma_start3A_303] : memref<1x2048xi32, #tpu.memory_space<vmem>> -> memref<1x2048xi32, #tpu.memory_space<vmem>>
            %dma_start3A_305 = tpu.memref_squeeze %dma_start3A_304 : memref<1x2048xi32, #tpu.memory_space<vmem>> -> memref<2048xi32, #tpu.memory_space<vmem>>
            %dma_start3A_306 = arith.constant 0 : i32
            %dma_start3A_307 = tpu.memref_slice %arg2[%dma_start3A_306] : memref<2662400xf32, #tpu.memory_space<hbm>> -> memref<2662400xf32, #tpu.memory_space<hbm>>
            tpu.enqueue_indirect_dma source(%dma_start3A_307 : memref<2662400xf32, #tpu.memory_space<hbm>>) target(%dma_start3A_298 : memref<2048xf32, #tpu.memory_space<vmem>>) offsets(%dma_start3A_305 : memref<2048xi32, #tpu.memory_space<vmem>>) semaphore(%run_scoped3A_297 : memref<!tpu.dma_semaphore, #tpu.memory_space<semaphore_mem>>)
            %dma_wait3A = tpu.memref_slice %run_scoped3A_27[%mul3A_235] : memref<4096xf32, #tpu.memory_space<vmem>> -> memref<2048xf32, #tpu.memory_space<vmem>>
            %dma_wait3A_308 = arith.constant 0 : i32
            %dma_wait3A_309 = arith.constant 0 : i32
            %dma_wait3A_310 = tpu.memref_slice %run_scoped3A[%rem3A_231, %dma_wait3A_308, %dma_wait3A_309] : memref<2x1x2048xi32, #tpu.memory_space<vmem>> -> memref<1x1x2048xi32, #tpu.memory_space<vmem>>
            %dma_wait3A_311 = tpu.memref_squeeze %dma_wait3A_310 : memref<1x1x2048xi32, #tpu.memory_space<vmem>> -> memref<1x2048xi32, #tpu.memory_space<vmem>>
            %dma_wait3A_312 = arith.constant 0 : i32
            %dma_wait3A_313 = tpu.memref_slice %dma_wait3A_311[%run_scoped3A_236, %dma_wait3A_312] : memref<1x2048xi32, #tpu.memory_space<vmem>> -> memref<1x2048xi32, #tpu.memory_space<vmem>>
            %dma_wait3A_314 = tpu.memref_squeeze %dma_wait3A_313 : memref<1x2048xi32, #tpu.memory_space<vmem>> -> memref<2048xi32, #tpu.memory_space<vmem>>
            %dma_wait3A_315 = arith.constant 0 : i32
            %dma_wait3A_316 = tpu.memref_slice %arg2[%dma_wait3A_315] : memref<2662400xf32, #tpu.memory_space<hbm>> -> memref<2662400xf32, #tpu.memory_space<hbm>>
            tpu.wait_indirect_dma semaphore(%run_scoped3A_297 : memref<!tpu.dma_semaphore, #tpu.memory_space<semaphore_mem>>) src(%dma_wait3A_316 : memref<2662400xf32, #tpu.memory_space<hbm>>) dst(%dma_wait3A : memref<2048xf32, #tpu.memory_space<vmem>>)
            tpu.yield
          }) : () -> ()
          "tpu.trace_stop"() : () -> ()
          %ne3A_237 = arith.cmpi ne, %add3A_164, %add3A_182 : i32
          %or3A_238 = arith.constant false
          %or3A_239 = arith.ori %or3A_238, %ne3A_237 : i1
          %or3A_240 = arith.ori %or3A_239, %eq3A_163 : i1
          %convert_element_type3A_241 = arith.extui %or3A_240 : i1 to i32
          %cond3A_242 = arith.constant 0 : i32
          %cond3A_243 = arith.cmpi ne, %convert_element_type3A_241, %cond3A_242 : i32
          scf.if %cond3A_243 {
          } else {
          }
          %and3A_244 = arith.constant false
          %and3A_245 = arith.andi %or3A_240, %and3A_244 : i1
          %ne3A_246 = arith.cmpi ne, %add3A_164, %add3A_182 : i32
          %or3A_247 = arith.constant false
          %or3A_248 = arith.ori %or3A_247, %ne3A_246 : i1
          %or3A_249 = arith.ori %or3A_248, %eq3A_163 : i1
          %convert_element_type3A_250 = arith.extui %or3A_249 : i1 to i32
          %cond3A_251 = arith.constant 0 : i32
          %cond3A_252 = arith.cmpi ne, %convert_element_type3A_250, %cond3A_251 : i32
          scf.if %cond3A_252 {
            "tpu.trace_start"() <{level = 10 : i32, message = "ep_copy_out"}> : () -> ()
            %rem3A_297 = arith.constant 2 : i32
            %rem3A_298 = arith.remui %while3A_154, %rem3A_297 : i32
            %mul3A_299 = arith.constant 2048 : i32
            %mul3A_300 = arith.muli %mul3A_299, %add3A_164 : i32
            %mul3A_301 = arith.constant 2048 : i32
            %mul3A_302 = arith.muli %rem3A_298, %mul3A_301 : i32
            %add3A_303 = arith.constant 0 : i32
            %add3A_304 = arith.addi %mul3A_302, %add3A_303 : i32
            %dma_start3A_305 = tpu.memref_slice %run_scoped3A_27[%add3A_304] : memref<4096xf32, #tpu.memory_space<vmem>> -> memref<2048xf32, #tpu.memory_space<vmem>>
            %dma_start3A_306 = tpu.memref_slice %arg6[%mul3A_300] : memref<425984xf32, #tpu.memory_space<hbm>> -> memref<2048xf32, #tpu.memory_space<hbm>>
            %dma_start3A_307 = tpu.memref_slice %run_scoped3A_28[%rem3A_298] : memref<2x!tpu.dma_semaphore, #tpu.memory_space<semaphore_mem>> -> memref<1x!tpu.dma_semaphore, #tpu.memory_space<semaphore_mem>>
            %dma_start3A_308 = tpu.memref_squeeze %dma_start3A_307 : memref<1x!tpu.dma_semaphore, #tpu.memory_space<semaphore_mem>> -> memref<!tpu.dma_semaphore, #tpu.memory_space<semaphore_mem>>
            %dma_start3A_309 = tpu.memref_slice %arg6[%mul3A_300] : memref<425984xf32, #tpu.memory_space<hbm>> -> memref<2048xf32, #tpu.memory_space<hbm>>
            %dma_start3A_310 = tpu.memref_slice %run_scoped3A_27[%add3A_304] : memref<4096xf32, #tpu.memory_space<vmem>> -> memref<2048xf32, #tpu.memory_space<vmem>>
            tpu.enqueue_dma source(%dma_start3A_310 : memref<2048xf32, #tpu.memory_space<vmem>>) target(%dma_start3A_309 : memref<2048xf32, #tpu.memory_space<hbm>>) target_semaphore(%dma_start3A_308 : memref<!tpu.dma_semaphore, #tpu.memory_space<semaphore_mem>>)
            "tpu.trace_stop"() : () -> ()
          } else {
          }
          %and3A_253 = arith.constant true
          %and3A_254 = arith.andi %or3A_249, %and3A_253 : i1
          %add3A_255 = arith.constant 1 : i32
          %add3A_256 = arith.addi %while3A_154, %add3A_255 : i32
          %select_n3A_257 = arith.select %and3A_254, %add3A_256, %while3A_154 : i32
          %ne3A_258 = arith.cmpi ne, %add3A_164, %add3A_174 : i32
          %or3A_259 = arith.constant false
          %or3A_260 = arith.ori %or3A_259, %ne3A_258 : i1
          %not3A_261 = arith.constant true
          %not3A_262 = arith.xori %eq3A_160, %not3A_261 : i1
          %and3A_263 = arith.andi %or3A_260, %not3A_262 : i1
          %convert_element_type3A_264 = arith.extui %and3A_263 : i1 to i32
          %cond3A_265 = arith.constant 0 : i32
          %cond3A_266 = arith.cmpi ne, %convert_element_type3A_264, %cond3A_265 : i32
          scf.if %cond3A_266 {
          } else {
          }
          %and3A_267 = arith.constant false
          %and3A_268 = arith.andi %and3A_263, %and3A_267 : i1
          %ne3A_269 = arith.cmpi ne, %add3A_164, %add3A_174 : i32
          %or3A_270 = arith.constant false
          %or3A_271 = arith.ori %or3A_270, %ne3A_269 : i1
          %not3A_272 = arith.constant true
          %not3A_273 = arith.xori %eq3A_160, %not3A_272 : i1
          %and3A_274 = arith.andi %or3A_271, %not3A_273 : i1
          %convert_element_type3A_275 = arith.extui %and3A_274 : i1 to i32
          %cond3A_276 = arith.constant 0 : i32
          %cond3A_277 = arith.cmpi ne, %convert_element_type3A_275, %cond3A_276 : i32
          scf.if %cond3A_277 {
            "tpu.trace_start"() <{level = 10 : i32, message = "ep_wait_out"}> : () -> ()
            %rem3A_297 = arith.constant 2 : i32
            %rem3A_298 = arith.remui %while3A_155, %rem3A_297 : i32
            %mul3A_299 = arith.constant 2048 : i32
            %mul3A_300 = arith.muli %mul3A_299, %add3A_174 : i32
            %mul3A_301 = arith.constant 2048 : i32
            %mul3A_302 = arith.muli %rem3A_298, %mul3A_301 : i32
            %add3A_303 = arith.constant 0 : i32
            %add3A_304 = arith.addi %mul3A_302, %add3A_303 : i32
            %dma_wait3A = tpu.memref_slice %run_scoped3A_27[%add3A_304] : memref<4096xf32, #tpu.memory_space<vmem>> -> memref<2048xf32, #tpu.memory_space<vmem>>
            %dma_wait3A_305 = tpu.memref_slice %arg6[%mul3A_300] : memref<425984xf32, #tpu.memory_space<hbm>> -> memref<2048xf32, #tpu.memory_space<hbm>>
            %dma_wait3A_306 = tpu.memref_slice %run_scoped3A_28[%rem3A_298] : memref<2x!tpu.dma_semaphore, #tpu.memory_space<semaphore_mem>> -> memref<1x!tpu.dma_semaphore, #tpu.memory_space<semaphore_mem>>
            %dma_wait3A_307 = tpu.memref_squeeze %dma_wait3A_306 : memref<1x!tpu.dma_semaphore, #tpu.memory_space<semaphore_mem>> -> memref<!tpu.dma_semaphore, #tpu.memory_space<semaphore_mem>>
            %dma_wait3A_308 = tpu.memref_slice %arg6[%mul3A_300] : memref<425984xf32, #tpu.memory_space<hbm>> -> memref<2048xf32, #tpu.memory_space<hbm>>
            %dma_wait3A_309 = tpu.memref_slice %run_scoped3A_27[%add3A_304] : memref<4096xf32, #tpu.memory_space<vmem>> -> memref<2048xf32, #tpu.memory_space<vmem>>
            tpu.wait_dma2 semaphore(%dma_wait3A_307 : memref<!tpu.dma_semaphore, #tpu.memory_space<semaphore_mem>>) src(%dma_wait3A_309 : memref<2048xf32, #tpu.memory_space<vmem>>) dst(%dma_wait3A_308 : memref<2048xf32, #tpu.memory_space<hbm>>)
            "tpu.trace_stop"() : () -> ()
          } else {
          }
          %and3A_278 = arith.constant true
          %and3A_279 = arith.andi %and3A_274, %and3A_278 : i1
          %add3A_280 = arith.constant 1 : i32
          %add3A_281 = arith.addi %while3A_155, %add3A_280 : i32
          %select_n3A_282 = arith.select %and3A_279, %add3A_281, %while3A_155 : i32
          %ne3A_283 = arith.cmpi ne, %add3A_164, %add3A_182 : i32
          %or3A_284 = arith.constant false
          %or3A_285 = arith.ori %or3A_284, %ne3A_283 : i1
          %or3A_286 = arith.ori %or3A_285, %eq3A_163 : i1
          %add3A_287 = arith.constant 1 : i32
          %add3A_288 = arith.addi %while3A_153, %add3A_287 : i32
          %select_n3A_289 = arith.select %or3A_286, %add3A_288, %while3A_153 : i32
          %add3A_290 = arith.constant 1 : i32
          %add3A_291 = arith.addi %while3A_156, %add3A_290 : i32
          %select_n3A_292 = arith.constant true
          %select_n3A_293 = arith.select %select_n3A_292, %add3A_291, %while3A_156 : i32
          %eq3A_294 = arith.cmpi eq, %select_n3A_293, %select_n3A : i32
          %select_n3A_295 = arith.constant 0 : i32
          %select_n3A_296 = arith.select %eq3A_294, %select_n3A_295, %select_n3A_293 : i32
          scf.yield %select_n3A_204, %select_n3A_289, %select_n3A_257, %select_n3A_282, %select_n3A_296 : i32, i32, i32, i32, i32
        }
        %while3A_98 = arith.constant 1 : i32
        %while3A_99:5 = scf.for %while3A_151 = %while3A_95 to %while3A_91 step %while3A_98 iter_args(%while3A_152 = %while3A_97#0, %while3A_153 = %while3A_97#1, %while3A_154 = %while3A_97#2, %while3A_155 = %while3A_97#3, %while3A_156 = %while3A_97#4) -> (i32, i32, i32, i32, i32)  : i32 {
          %mul3A_157 = arith.constant 1 : i32
          %mul3A_158 = arith.muli %mul3A_157, %select_n3A : i32
          %eq3A_159 = arith.constant 0 : i32
          %eq3A_160 = arith.cmpi eq, %while3A_151, %eq3A_159 : i32
          %sub3A_161 = arith.constant 1 : i32
          %sub3A_162 = arith.subi %mul3A_158, %sub3A_161 : i32
          %eq3A_163 = arith.cmpi eq, %while3A_151, %sub3A_162 : i32
          %add3A_164 = arith.addi %while3A_156, %select_n3A_14 : i32
          %sub3A_165 = arith.constant 1 : i32
          %sub3A_166 = arith.subi %while3A_156, %sub3A_165 : i32
          %select_n3A_167 = arith.constant true
          %select_n3A_168 = arith.select %select_n3A_167, %sub3A_166, %while3A_156 : i32
          %eq3A_169 = arith.constant -1 : i32
          %eq3A_170 = arith.cmpi eq, %select_n3A_168, %eq3A_169 : i32
          %sub3A_171 = arith.constant 1 : i32
          %sub3A_172 = arith.subi %select_n3A, %sub3A_171 : i32
          %select_n3A_173 = arith.select %eq3A_170, %sub3A_172, %select_n3A_168 : i32
          %add3A_174 = arith.addi %select_n3A_173, %select_n3A_14 : i32
          %add3A_175 = arith.constant 1 : i32
          %add3A_176 = arith.addi %while3A_156, %add3A_175 : i32
          %select_n3A_177 = arith.constant true
          %select_n3A_178 = arith.select %select_n3A_177, %add3A_176, %while3A_156 : i32
          %eq3A_179 = arith.cmpi eq, %select_n3A_178, %select_n3A : i32
          %select_n3A_180 = arith.constant 0 : i32
          %select_n3A_181 = arith.select %eq3A_179, %select_n3A_180, %select_n3A_178 : i32
          %add3A_182 = arith.addi %select_n3A_181, %select_n3A_14 : i32
          %add3A_183 = arith.constant 1 : i32
          %add3A_184 = arith.addi %select_n3A_181, %add3A_183 : i32
          %select_n3A_185 = arith.constant true
          %select_n3A_186 = arith.select %select_n3A_185, %add3A_184, %select_n3A_181 : i32
          %eq3A_187 = arith.cmpi eq, %select_n3A_186, %select_n3A : i32
          %select_n3A_188 = arith.constant 0 : i32
          %select_n3A_189 = arith.select %eq3A_187, %select_n3A_188, %select_n3A_186 : i32
          %add3A_190 = arith.addi %select_n3A_189, %select_n3A_14 : i32
          %ne3A = arith.cmpi ne, %add3A_164, %add3A_182 : i32
          %or3A = arith.constant false
          %or3A_191 = arith.ori %or3A, %ne3A : i1
          %sub3A_192 = arith.constant 2 : i32
          %sub3A_193 = arith.subi %mul3A_158, %sub3A_192 : i32
          %add3A_194 = arith.constant 1 : i32
          %add3A_195 = arith.addi %sub3A_193, %add3A_194 : i32
          %ge3A = arith.cmpi sge, %while3A_151, %add3A_195 : i32
          %not3A = arith.constant true
          %not3A_196 = arith.xori %ge3A, %not3A : i1
          %and3A = arith.andi %or3A_191, %not3A_196 : i1
          %convert_element_type3A_197 = arith.extui %and3A : i1 to i32
          %cond3A_198 = arith.constant 0 : i32
          %cond3A_199 = arith.cmpi ne, %convert_element_type3A_197, %cond3A_198 : i32
          scf.if %cond3A_199 {
            "tpu.trace_start"() <{level = 10 : i32, message = "ep_copy_in"}> : () -> ()
            %rem3A_297 = arith.constant 2 : i32
            %rem3A_298 = arith.remui %while3A_152, %rem3A_297 : i32
            %mul3A_299 = arith.constant 2048 : i32
            %mul3A_300 = arith.muli %mul3A_299, %add3A_182 : i32
            %dma_start3A_301 = arith.constant 0 : i32
            %dma_start3A_302 = arith.constant 0 : i32
            %dma_start3A_303 = tpu.memref_slice %run_scoped3A[%rem3A_298, %dma_start3A_301, %dma_start3A_302] : memref<2x1x2048xi32, #tpu.memory_space<vmem>> -> memref<1x1x2048xi32, #tpu.memory_space<vmem>>
            %dma_start3A_304 = tpu.memref_squeeze %dma_start3A_303 : memref<1x1x2048xi32, #tpu.memory_space<vmem>> -> memref<1x2048xi32, #tpu.memory_space<vmem>>
            %dma_start3A_305 = arith.constant 0 : i32
            %dma_start3A_306 = tpu.memref_slice %arg4[%dma_start3A_305, %mul3A_300] : memref<1x425984xi32, #tpu.memory_space<hbm>> -> memref<1x2048xi32, #tpu.memory_space<hbm>>
            %dma_start3A_307 = tpu.memref_slice %run_scoped3A_26[%rem3A_298] : memref<2x!tpu.dma_semaphore, #tpu.memory_space<semaphore_mem>> -> memref<1x!tpu.dma_semaphore, #tpu.memory_space<semaphore_mem>>
            %dma_start3A_308 = tpu.memref_squeeze %dma_start3A_307 : memref<1x!tpu.dma_semaphore, #tpu.memory_space<semaphore_mem>> -> memref<!tpu.dma_semaphore, #tpu.memory_space<semaphore_mem>>
            %dma_start3A_309 = arith.constant 0 : i32
            %dma_start3A_310 = arith.constant 0 : i32
            %dma_start3A_311 = tpu.memref_slice %run_scoped3A[%rem3A_298, %dma_start3A_309, %dma_start3A_310] : memref<2x1x2048xi32, #tpu.memory_space<vmem>> -> memref<1x1x2048xi32, #tpu.memory_space<vmem>>
            %dma_start3A_312 = tpu.memref_squeeze %dma_start3A_311 : memref<1x1x2048xi32, #tpu.memory_space<vmem>> -> memref<1x2048xi32, #tpu.memory_space<vmem>>
            %dma_start3A_313 = arith.constant 0 : i32
            %dma_start3A_314 = tpu.memref_slice %arg4[%dma_start3A_313, %mul3A_300] : memref<1x425984xi32, #tpu.memory_space<hbm>> -> memref<1x2048xi32, #tpu.memory_space<hbm>>
            tpu.enqueue_dma source(%dma_start3A_314 : memref<1x2048xi32, #tpu.memory_space<hbm>>) target(%dma_start3A_312 : memref<1x2048xi32, #tpu.memory_space<vmem>>) target_semaphore(%dma_start3A_308 : memref<!tpu.dma_semaphore, #tpu.memory_space<semaphore_mem>>)
            "tpu.trace_stop"() : () -> ()
          } else {
          }
          %and3A_200 = arith.constant true
          %and3A_201 = arith.andi %and3A, %and3A_200 : i1
          %add3A_202 = arith.constant 1 : i32
          %add3A_203 = arith.addi %while3A_152, %add3A_202 : i32
          %select_n3A_204 = arith.select %and3A_201, %add3A_203, %while3A_152 : i32
          %ne3A_205 = arith.cmpi ne, %add3A_164, %add3A_182 : i32
          %or3A_206 = arith.constant false
          %or3A_207 = arith.ori %or3A_206, %ne3A_205 : i1
          %sub3A_208 = arith.constant 2 : i32
          %sub3A_209 = arith.subi %mul3A_158, %sub3A_208 : i32
          %add3A_210 = arith.constant 1 : i32
          %add3A_211 = arith.addi %sub3A_209, %add3A_210 : i32
          %ge3A_212 = arith.cmpi sge, %while3A_151, %add3A_211 : i32
          %not3A_213 = arith.constant true
          %not3A_214 = arith.xori %ge3A_212, %not3A_213 : i1
          %and3A_215 = arith.andi %or3A_207, %not3A_214 : i1
          %ne3A_216 = arith.cmpi ne, %add3A_164, %add3A_174 : i32
          %or3A_217 = arith.constant false
          %or3A_218 = arith.ori %or3A_217, %ne3A_216 : i1
          %or3A_219 = arith.ori %or3A_218, %eq3A_160 : i1
          %convert_element_type3A_220 = arith.extui %or3A_219 : i1 to i32
          %cond3A_221 = arith.constant 0 : i32
          %cond3A_222 = arith.cmpi ne, %convert_element_type3A_220, %cond3A_221 : i32
          scf.if %cond3A_222 {
            "tpu.trace_start"() <{level = 10 : i32, message = "ep_wait_in"}> : () -> ()
            %mul3A_297 = arith.constant 2048 : i32
            %mul3A_298 = arith.muli %mul3A_297, %add3A_164 : i32
            %rem3A_299 = arith.constant 2 : i32
            %rem3A_300 = arith.remui %while3A_153, %rem3A_299 : i32
            %dma_wait3A = arith.constant 0 : i32
            %dma_wait3A_301 = arith.constant 0 : i32
            %dma_wait3A_302 = tpu.memref_slice %run_scoped3A[%rem3A_300, %dma_wait3A, %dma_wait3A_301] : memref<2x1x2048xi32, #tpu.memory_space<vmem>> -> memref<1x1x2048xi32, #tpu.memory_space<vmem>>
            %dma_wait3A_303 = tpu.memref_squeeze %dma_wait3A_302 : memref<1x1x2048xi32, #tpu.memory_space<vmem>> -> memref<1x2048xi32, #tpu.memory_space<vmem>>
            %dma_wait3A_304 = arith.constant 0 : i32
            %dma_wait3A_305 = tpu.memref_slice %arg4[%dma_wait3A_304, %mul3A_298] : memref<1x425984xi32, #tpu.memory_space<hbm>> -> memref<1x2048xi32, #tpu.memory_space<hbm>>
            %dma_wait3A_306 = tpu.memref_slice %run_scoped3A_26[%rem3A_300] : memref<2x!tpu.dma_semaphore, #tpu.memory_space<semaphore_mem>> -> memref<1x!tpu.dma_semaphore, #tpu.memory_space<semaphore_mem>>
            %dma_wait3A_307 = tpu.memref_squeeze %dma_wait3A_306 : memref<1x!tpu.dma_semaphore, #tpu.memory_space<semaphore_mem>> -> memref<!tpu.dma_semaphore, #tpu.memory_space<semaphore_mem>>
            %dma_wait3A_308 = arith.constant 0 : i32
            %dma_wait3A_309 = arith.constant 0 : i32
            %dma_wait3A_310 = tpu.memref_slice %run_scoped3A[%rem3A_300, %dma_wait3A_308, %dma_wait3A_309] : memref<2x1x2048xi32, #tpu.memory_space<vmem>> -> memref<1x1x2048xi32, #tpu.memory_space<vmem>>
            %dma_wait3A_311 = tpu.memref_squeeze %dma_wait3A_310 : memref<1x1x2048xi32, #tpu.memory_space<vmem>> -> memref<1x2048xi32, #tpu.memory_space<vmem>>
            %dma_wait3A_312 = arith.constant 0 : i32
            %dma_wait3A_313 = tpu.memref_slice %arg4[%dma_wait3A_312, %mul3A_298] : memref<1x425984xi32, #tpu.memory_space<hbm>> -> memref<1x2048xi32, #tpu.memory_space<hbm>>
            tpu.wait_dma2 semaphore(%dma_wait3A_307 : memref<!tpu.dma_semaphore, #tpu.memory_space<semaphore_mem>>) src(%dma_wait3A_313 : memref<1x2048xi32, #tpu.memory_space<hbm>>) dst(%dma_wait3A_311 : memref<1x2048xi32, #tpu.memory_space<vmem>>)
            "tpu.trace_stop"() : () -> ()
          } else {
          }
          %ne3A_223 = arith.cmpi ne, %add3A_164, %add3A_174 : i32
          %or3A_224 = arith.constant false
          %or3A_225 = arith.ori %or3A_224, %ne3A_223 : i1
          %or3A_226 = arith.ori %or3A_225, %eq3A_160 : i1
          %convert_element_type3A_227 = arith.extui %or3A_226 : i1 to i32
          %cond3A_228 = arith.constant 0 : i32
          %cond3A_229 = arith.cmpi ne, %convert_element_type3A_227, %cond3A_228 : i32
          scf.if %cond3A_229 {
          } else {
          }
          %rem3A_230 = arith.constant 2 : i32
          %rem3A_231 = arith.remui %while3A_153, %rem3A_230 : i32
          %rem3A_232 = arith.constant 2 : i32
          %rem3A_233 = arith.remui %while3A_154, %rem3A_232 : i32
          %mul3A_234 = arith.constant 2048 : i32
          %mul3A_235 = arith.muli %rem3A_233, %mul3A_234 : i32
          %run_scoped3A_236 = arith.constant 0 : i32
          "tpu.trace_start"() <{level = 10 : i32, message = "ep_run_kernel"}> : () -> ()
          "tpu.region"() ({
            %run_scoped3A_297 = tpu.sem_alloc : memref<!tpu.dma_semaphore, #tpu.memory_space<semaphore_mem>>
            %dma_start3A_298 = tpu.memref_slice %run_scoped3A_27[%mul3A_235] : memref<4096xf32, #tpu.memory_space<vmem>> -> memref<2048xf32, #tpu.memory_space<vmem>>
            %dma_start3A_299 = arith.constant 0 : i32
            %dma_start3A_300 = arith.constant 0 : i32
            %dma_start3A_301 = tpu.memref_slice %run_scoped3A[%rem3A_231, %dma_start3A_299, %dma_start3A_300] : memref<2x1x2048xi32, #tpu.memory_space<vmem>> -> memref<1x1x2048xi32, #tpu.memory_space<vmem>>
            %dma_start3A_302 = tpu.memref_squeeze %dma_start3A_301 : memref<1x1x2048xi32, #tpu.memory_space<vmem>> -> memref<1x2048xi32, #tpu.memory_space<vmem>>
            %dma_start3A_303 = arith.constant 0 : i32
            %dma_start3A_304 = tpu.memref_slice %dma_start3A_302[%run_scoped3A_236, %dma_start3A_303] : memref<1x2048xi32, #tpu.memory_space<vmem>> -> memref<1x2048xi32, #tpu.memory_space<vmem>>
            %dma_start3A_305 = tpu.memref_squeeze %dma_start3A_304 : memref<1x2048xi32, #tpu.memory_space<vmem>> -> memref<2048xi32, #tpu.memory_space<vmem>>
            %dma_start3A_306 = arith.constant 0 : i32
            %dma_start3A_307 = tpu.memref_slice %arg2[%dma_start3A_306] : memref<2662400xf32, #tpu.memory_space<hbm>> -> memref<2662400xf32, #tpu.memory_space<hbm>>
            tpu.enqueue_indirect_dma source(%dma_start3A_307 : memref<2662400xf32, #tpu.memory_space<hbm>>) target(%dma_start3A_298 : memref<2048xf32, #tpu.memory_space<vmem>>) offsets(%dma_start3A_305 : memref<2048xi32, #tpu.memory_space<vmem>>) semaphore(%run_scoped3A_297 : memref<!tpu.dma_semaphore, #tpu.memory_space<semaphore_mem>>)
            %dma_wait3A = tpu.memref_slice %run_scoped3A_27[%mul3A_235] : memref<4096xf32, #tpu.memory_space<vmem>> -> memref<2048xf32, #tpu.memory_space<vmem>>
            %dma_wait3A_308 = arith.constant 0 : i32
            %dma_wait3A_309 = arith.constant 0 : i32
            %dma_wait3A_310 = tpu.memref_slice %run_scoped3A[%rem3A_231, %dma_wait3A_308, %dma_wait3A_309] : memref<2x1x2048xi32, #tpu.memory_space<vmem>> -> memref<1x1x2048xi32, #tpu.memory_space<vmem>>
            %dma_wait3A_311 = tpu.memref_squeeze %dma_wait3A_310 : memref<1x1x2048xi32, #tpu.memory_space<vmem>> -> memref<1x2048xi32, #tpu.memory_space<vmem>>
            %dma_wait3A_312 = arith.constant 0 : i32
            %dma_wait3A_313 = tpu.memref_slice %dma_wait3A_311[%run_scoped3A_236, %dma_wait3A_312] : memref<1x2048xi32, #tpu.memory_space<vmem>> -> memref<1x2048xi32, #tpu.memory_space<vmem>>
            %dma_wait3A_314 = tpu.memref_squeeze %dma_wait3A_313 : memref<1x2048xi32, #tpu.memory_space<vmem>> -> memref<2048xi32, #tpu.memory_space<vmem>>
            %dma_wait3A_315 = arith.constant 0 : i32
            %dma_wait3A_316 = tpu.memref_slice %arg2[%dma_wait3A_315] : memref<2662400xf32, #tpu.memory_space<hbm>> -> memref<2662400xf32, #tpu.memory_space<hbm>>
            tpu.wait_indirect_dma semaphore(%run_scoped3A_297 : memref<!tpu.dma_semaphore, #tpu.memory_space<semaphore_mem>>) src(%dma_wait3A_316 : memref<2662400xf32, #tpu.memory_space<hbm>>) dst(%dma_wait3A : memref<2048xf32, #tpu.memory_space<vmem>>)
            tpu.yield
          }) : () -> ()
          "tpu.trace_stop"() : () -> ()
          %ne3A_237 = arith.cmpi ne, %add3A_164, %add3A_182 : i32
          %or3A_238 = arith.constant false
          %or3A_239 = arith.ori %or3A_238, %ne3A_237 : i1
          %or3A_240 = arith.ori %or3A_239, %eq3A_163 : i1
          %convert_element_type3A_241 = arith.extui %or3A_240 : i1 to i32
          %cond3A_242 = arith.constant 0 : i32
          %cond3A_243 = arith.cmpi ne, %convert_element_type3A_241, %cond3A_242 : i32
          scf.if %cond3A_243 {
          } else {
          }
          %and3A_244 = arith.constant false
          %and3A_245 = arith.andi %or3A_240, %and3A_244 : i1
          %ne3A_246 = arith.cmpi ne, %add3A_164, %add3A_182 : i32
          %or3A_247 = arith.constant false
          %or3A_248 = arith.ori %or3A_247, %ne3A_246 : i1
          %or3A_249 = arith.ori %or3A_248, %eq3A_163 : i1
          %convert_element_type3A_250 = arith.extui %or3A_249 : i1 to i32
          %cond3A_251 = arith.constant 0 : i32
          %cond3A_252 = arith.cmpi ne, %convert_element_type3A_250, %cond3A_251 : i32
          scf.if %cond3A_252 {
            "tpu.trace_start"() <{level = 10 : i32, message = "ep_copy_out"}> : () -> ()
            %rem3A_297 = arith.constant 2 : i32
            %rem3A_298 = arith.remui %while3A_154, %rem3A_297 : i32
            %mul3A_299 = arith.constant 2048 : i32
            %mul3A_300 = arith.muli %mul3A_299, %add3A_164 : i32
            %mul3A_301 = arith.constant 2048 : i32
            %mul3A_302 = arith.muli %rem3A_298, %mul3A_301 : i32
            %add3A_303 = arith.constant 0 : i32
            %add3A_304 = arith.addi %mul3A_302, %add3A_303 : i32
            %dma_start3A_305 = tpu.memref_slice %run_scoped3A_27[%add3A_304] : memref<4096xf32, #tpu.memory_space<vmem>> -> memref<2048xf32, #tpu.memory_space<vmem>>
            %dma_start3A_306 = tpu.memref_slice %arg6[%mul3A_300] : memref<425984xf32, #tpu.memory_space<hbm>> -> memref<2048xf32, #tpu.memory_space<hbm>>
            %dma_start3A_307 = tpu.memref_slice %run_scoped3A_28[%rem3A_298] : memref<2x!tpu.dma_semaphore, #tpu.memory_space<semaphore_mem>> -> memref<1x!tpu.dma_semaphore, #tpu.memory_space<semaphore_mem>>
            %dma_start3A_308 = tpu.memref_squeeze %dma_start3A_307 : memref<1x!tpu.dma_semaphore, #tpu.memory_space<semaphore_mem>> -> memref<!tpu.dma_semaphore, #tpu.memory_space<semaphore_mem>>
            %dma_start3A_309 = tpu.memref_slice %arg6[%mul3A_300] : memref<425984xf32, #tpu.memory_space<hbm>> -> memref<2048xf32, #tpu.memory_space<hbm>>
            %dma_start3A_310 = tpu.memref_slice %run_scoped3A_27[%add3A_304] : memref<4096xf32, #tpu.memory_space<vmem>> -> memref<2048xf32, #tpu.memory_space<vmem>>
            tpu.enqueue_dma source(%dma_start3A_310 : memref<2048xf32, #tpu.memory_space<vmem>>) target(%dma_start3A_309 : memref<2048xf32, #tpu.memory_space<hbm>>) target_semaphore(%dma_start3A_308 : memref<!tpu.dma_semaphore, #tpu.memory_space<semaphore_mem>>)
            "tpu.trace_stop"() : () -> ()
          } else {
          }
          %and3A_253 = arith.constant true
          %and3A_254 = arith.andi %or3A_249, %and3A_253 : i1
          %add3A_255 = arith.constant 1 : i32
          %add3A_256 = arith.addi %while3A_154, %add3A_255 : i32
          %select_n3A_257 = arith.select %and3A_254, %add3A_256, %while3A_154 : i32
          %ne3A_258 = arith.cmpi ne, %add3A_164, %add3A_174 : i32
          %or3A_259 = arith.constant false
          %or3A_260 = arith.ori %or3A_259, %ne3A_258 : i1
          %not3A_261 = arith.constant true
          %not3A_262 = arith.xori %eq3A_160, %not3A_261 : i1
          %and3A_263 = arith.andi %or3A_260, %not3A_262 : i1
          %convert_element_type3A_264 = arith.extui %and3A_263 : i1 to i32
          %cond3A_265 = arith.constant 0 : i32
          %cond3A_266 = arith.cmpi ne, %convert_element_type3A_264, %cond3A_265 : i32
          scf.if %cond3A_266 {
          } else {
          }
          %and3A_267 = arith.constant false
          %and3A_268 = arith.andi %and3A_263, %and3A_267 : i1
          %ne3A_269 = arith.cmpi ne, %add3A_164, %add3A_174 : i32
          %or3A_270 = arith.constant false
          %or3A_271 = arith.ori %or3A_270, %ne3A_269 : i1
          %not3A_272 = arith.constant true
          %not3A_273 = arith.xori %eq3A_160, %not3A_272 : i1
          %and3A_274 = arith.andi %or3A_271, %not3A_273 : i1
          %convert_element_type3A_275 = arith.extui %and3A_274 : i1 to i32
          %cond3A_276 = arith.constant 0 : i32
          %cond3A_277 = arith.cmpi ne, %convert_element_type3A_275, %cond3A_276 : i32
          scf.if %cond3A_277 {
            "tpu.trace_start"() <{level = 10 : i32, message = "ep_wait_out"}> : () -> ()
            %rem3A_297 = arith.constant 2 : i32
            %rem3A_298 = arith.remui %while3A_155, %rem3A_297 : i32
            %mul3A_299 = arith.constant 2048 : i32
            %mul3A_300 = arith.muli %mul3A_299, %add3A_174 : i32
            %mul3A_301 = arith.constant 2048 : i32
            %mul3A_302 = arith.muli %rem3A_298, %mul3A_301 : i32
            %add3A_303 = arith.constant 0 : i32
            %add3A_304 = arith.addi %mul3A_302, %add3A_303 : i32
            %dma_wait3A = tpu.memref_slice %run_scoped3A_27[%add3A_304] : memref<4096xf32, #tpu.memory_space<vmem>> -> memref<2048xf32, #tpu.memory_space<vmem>>
            %dma_wait3A_305 = tpu.memref_slice %arg6[%mul3A_300] : memref<425984xf32, #tpu.memory_space<hbm>> -> memref<2048xf32, #tpu.memory_space<hbm>>
            %dma_wait3A_306 = tpu.memref_slice %run_scoped3A_28[%rem3A_298] : memref<2x!tpu.dma_semaphore, #tpu.memory_space<semaphore_mem>> -> memref<1x!tpu.dma_semaphore, #tpu.memory_space<semaphore_mem>>
            %dma_wait3A_307 = tpu.memref_squeeze %dma_wait3A_306 : memref<1x!tpu.dma_semaphore, #tpu.memory_space<semaphore_mem>> -> memref<!tpu.dma_semaphore, #tpu.memory_space<semaphore_mem>>
            %dma_wait3A_308 = tpu.memref_slice %arg6[%mul3A_300] : memref<425984xf32, #tpu.memory_space<hbm>> -> memref<2048xf32, #tpu.memory_space<hbm>>
            %dma_wait3A_309 = tpu.memref_slice %run_scoped3A_27[%add3A_304] : memref<4096xf32, #tpu.memory_space<vmem>> -> memref<2048xf32, #tpu.memory_space<vmem>>
            tpu.wait_dma2 semaphore(%dma_wait3A_307 : memref<!tpu.dma_semaphore, #tpu.memory_space<semaphore_mem>>) src(%dma_wait3A_309 : memref<2048xf32, #tpu.memory_space<vmem>>) dst(%dma_wait3A_308 : memref<2048xf32, #tpu.memory_space<hbm>>)
            "tpu.trace_stop"() : () -> ()
          } else {
          }
          %and3A_278 = arith.constant true
          %and3A_279 = arith.andi %and3A_274, %and3A_278 : i1
          %add3A_280 = arith.constant 1 : i32
          %add3A_281 = arith.addi %while3A_155, %add3A_280 : i32
          %select_n3A_282 = arith.select %and3A_279, %add3A_281, %while3A_155 : i32
          %ne3A_283 = arith.cmpi ne, %add3A_164, %add3A_182 : i32
          %or3A_284 = arith.constant false
          %or3A_285 = arith.ori %or3A_284, %ne3A_283 : i1
          %or3A_286 = arith.ori %or3A_285, %eq3A_163 : i1
          %add3A_287 = arith.constant 1 : i32
          %add3A_288 = arith.addi %while3A_153, %add3A_287 : i32
          %select_n3A_289 = arith.select %or3A_286, %add3A_288, %while3A_153 : i32
          %add3A_290 = arith.constant 1 : i32
          %add3A_291 = arith.addi %while3A_156, %add3A_290 : i32
          %select_n3A_292 = arith.constant true
          %select_n3A_293 = arith.select %select_n3A_292, %add3A_291, %while3A_156 : i32
          %eq3A_294 = arith.cmpi eq, %select_n3A_293, %select_n3A : i32
          %select_n3A_295 = arith.constant 0 : i32
          %select_n3A_296 = arith.select %eq3A_294, %select_n3A_295, %select_n3A_293 : i32
          scf.yield %select_n3A_204, %select_n3A_289, %select_n3A_257, %select_n3A_282, %select_n3A_296 : i32, i32, i32, i32, i32
        }
        %sub3A_100 = arith.constant 1 : i32
        %sub3A_101 = arith.subi %while3A_99#4, %sub3A_100 : i32
        %select_n3A_102 = arith.constant true
        %select_n3A_103 = arith.select %select_n3A_102, %sub3A_101, %while3A_99#4 : i32
        %eq3A_104 = arith.constant -1 : i32
        %eq3A_105 = arith.cmpi eq, %select_n3A_103, %eq3A_104 : i32
        %sub3A_106 = arith.constant 1 : i32
        %sub3A_107 = arith.subi %select_n3A, %sub3A_106 : i32
        %select_n3A_108 = arith.select %eq3A_105, %sub3A_107, %select_n3A_103 : i32
        %sub3A_109 = arith.constant 1 : i32
        %sub3A_110 = arith.subi %mul3A_16, %sub3A_109 : i32
        %mul3A_111 = arith.constant 1 : i32
        %mul3A_112 = arith.muli %mul3A_111, %select_n3A : i32
        %eq3A_113 = arith.constant 0 : i32
        %eq3A_114 = arith.cmpi eq, %sub3A_110, %eq3A_113 : i32
        %sub3A_115 = arith.constant 1 : i32
        %sub3A_116 = arith.subi %mul3A_112, %sub3A_115 : i32
        %eq3A_117 = arith.cmpi eq, %sub3A_110, %sub3A_116 : i32
        %add3A_118 = arith.addi %select_n3A_108, %select_n3A_14 : i32
        %sub3A_119 = arith.constant 1 : i32
        %sub3A_120 = arith.subi %select_n3A_108, %sub3A_119 : i32
        %select_n3A_121 = arith.constant true
        %select_n3A_122 = arith.select %select_n3A_121, %sub3A_120, %select_n3A_108 : i32
        %eq3A_123 = arith.constant -1 : i32
        %eq3A_124 = arith.cmpi eq, %select_n3A_122, %eq3A_123 : i32
        %sub3A_125 = arith.constant 1 : i32
        %sub3A_126 = arith.subi %select_n3A, %sub3A_125 : i32
        %select_n3A_127 = arith.select %eq3A_124, %sub3A_126, %select_n3A_122 : i32
        %add3A_128 = arith.addi %select_n3A_127, %select_n3A_14 : i32
        %add3A_129 = arith.constant 1 : i32
        %add3A_130 = arith.addi %select_n3A_108, %add3A_129 : i32
        %select_n3A_131 = arith.constant true
        %select_n3A_132 = arith.select %select_n3A_131, %add3A_130, %select_n3A_108 : i32
        %eq3A_133 = arith.cmpi eq, %select_n3A_132, %select_n3A : i32
        %select_n3A_134 = arith.constant 0 : i32
        %select_n3A_135 = arith.select %eq3A_133, %select_n3A_134, %select_n3A_132 : i32
        %add3A_136 = arith.addi %select_n3A_135, %select_n3A_14 : i32
        %add3A_137 = arith.constant 1 : i32
        %add3A_138 = arith.addi %select_n3A_135, %add3A_137 : i32
        %select_n3A_139 = arith.constant true
        %select_n3A_140 = arith.select %select_n3A_139, %add3A_138, %select_n3A_135 : i32
        %eq3A_141 = arith.cmpi eq, %select_n3A_140, %select_n3A : i32
        %select_n3A_142 = arith.constant 0 : i32
        %select_n3A_143 = arith.select %eq3A_141, %select_n3A_142, %select_n3A_140 : i32
        %add3A_144 = arith.addi %select_n3A_143, %select_n3A_14 : i32
        %convert_element_type3A_145 = arith.extui %eq3A_117 : i1 to i32
        %cond3A_146 = arith.constant 0 : i32
        %cond3A_147 = arith.cmpi ne, %convert_element_type3A_145, %cond3A_146 : i32
        scf.if %cond3A_147 {
        } else {
        }
        %convert_element_type3A_148 = arith.extui %eq3A_117 : i1 to i32
        %cond3A_149 = arith.constant 0 : i32
        %cond3A_150 = arith.cmpi ne, %convert_element_type3A_148, %cond3A_149 : i32
        scf.if %cond3A_150 {
          "tpu.trace_start"() <{level = 10 : i32, message = "ep_finalize"}> : () -> ()
          %rem3A_151 = arith.constant 2 : i32
          %rem3A_152 = arith.remui %while3A_99#3, %rem3A_151 : i32
          %mul3A_153 = arith.constant 2048 : i32
          %mul3A_154 = arith.muli %mul3A_153, %add3A_118 : i32
          %mul3A_155 = arith.constant 2048 : i32
          %mul3A_156 = arith.muli %rem3A_152, %mul3A_155 : i32
          %add3A_157 = arith.constant 0 : i32
          %add3A_158 = arith.addi %mul3A_156, %add3A_157 : i32
          %dma_wait3A = tpu.memref_slice %run_scoped3A_27[%add3A_158] : memref<4096xf32, #tpu.memory_space<vmem>> -> memref<2048xf32, #tpu.memory_space<vmem>>
          %dma_wait3A_159 = tpu.memref_slice %arg6[%mul3A_154] : memref<425984xf32, #tpu.memory_space<hbm>> -> memref<2048xf32, #tpu.memory_space<hbm>>
          %dma_wait3A_160 = tpu.memref_slice %run_scoped3A_28[%rem3A_152] : memref<2x!tpu.dma_semaphore, #tpu.memory_space<semaphore_mem>> -> memref<1x!tpu.dma_semaphore, #tpu.memory_space<semaphore_mem>>
          %dma_wait3A_161 = tpu.memref_squeeze %dma_wait3A_160 : memref<1x!tpu.dma_semaphore, #tpu.memory_space<semaphore_mem>> -> memref<!tpu.dma_semaphore, #tpu.memory_space<semaphore_mem>>
          %dma_wait3A_162 = tpu.memref_slice %arg6[%mul3A_154] : memref<425984xf32, #tpu.memory_space<hbm>> -> memref<2048xf32, #tpu.memory_space<hbm>>
          %dma_wait3A_163 = tpu.memref_slice %run_scoped3A_27[%add3A_158] : memref<4096xf32, #tpu.memory_space<vmem>> -> memref<2048xf32, #tpu.memory_space<vmem>>
          tpu.wait_dma2 semaphore(%dma_wait3A_161 : memref<!tpu.dma_semaphore, #tpu.memory_space<semaphore_mem>>) src(%dma_wait3A_163 : memref<2048xf32, #tpu.memory_space<vmem>>) dst(%dma_wait3A_162 : memref<2048xf32, #tpu.memory_space<hbm>>)
          "tpu.trace_stop"() : () -> ()
        } else {
        }
      } else {
      }
      tpu.yield
    }) : () -> ()
    %mul3A_17 = arith.constant 1 : i32
    %mul3A_18 = arith.muli %arg1, %mul3A_17 : i32
    %add3A_19 = arith.constant 0 : i32
    %add3A_20 = arith.addi %add3A_19, %mul3A_18 : i32
    %mul3A_21 = arith.constant 16 : i32
    %mul3A_22 = arith.muli %arg0, %mul3A_21 : i32
    %add3A_23 = arith.addi %add3A_20, %mul3A_22 : i32
    %mul3A_24 = arith.constant 6 : i32
    %mul3A_25 = arith.muli %add3A_23, %mul3A_24 : i32
    "tpu.region"() ({
      %run_scoped3A = memref.alloca() : memref<2x1x2560xi32, #tpu.memory_space<vmem>>
      %run_scoped3A_26 = tpu.sem_alloc : memref<2x!tpu.dma_semaphore, #tpu.memory_space<semaphore_mem>>
      %run_scoped3A_27 = memref.alloca() : memref<2x2560x16xf32, #tpu.memory_space<vmem>>
      %run_scoped3A_28 = tpu.sem_alloc : memref<2x!tpu.dma_semaphore, #tpu.memory_space<semaphore_mem>>
      %add3A_29 = arith.constant 0 : i32
      %add3A_30 = arith.addi %add3A_29, %mul3A_25 : i32
      %select_n3A_31 = arith.constant true
      %select_n3A_32 = arith.constant 0 : i32
      %select_n3A_33 = arith.constant -1 : i32
      %select_n3A_34 = arith.select %select_n3A_31, %select_n3A_33, %select_n3A_32 : i32
      %eq3A = arith.constant -1 : i32
      %eq3A_35 = arith.cmpi eq, %select_n3A_34, %eq3A : i32
      %select_n3A_36 = arith.constant 5 : i32
      %select_n3A_37 = arith.select %eq3A_35, %select_n3A_36, %select_n3A_34 : i32
      %add3A_38 = arith.addi %select_n3A_37, %mul3A_25 : i32
      %select_n3A_39 = arith.constant true
      %select_n3A_40 = arith.constant 0 : i32
      %select_n3A_41 = arith.constant 1 : i32
      %select_n3A_42 = arith.select %select_n3A_39, %select_n3A_41, %select_n3A_40 : i32
      %eq3A_43 = arith.constant 6 : i32
      %eq3A_44 = arith.cmpi eq, %select_n3A_42, %eq3A_43 : i32
      %select_n3A_45 = arith.constant 0 : i32
      %select_n3A_46 = arith.select %eq3A_44, %select_n3A_45, %select_n3A_42 : i32
      %add3A_47 = arith.addi %select_n3A_46, %mul3A_25 : i32
      %add3A_48 = arith.constant 1 : i32
      %add3A_49 = arith.addi %select_n3A_46, %add3A_48 : i32
      %select_n3A_50 = arith.constant true
      %select_n3A_51 = arith.select %select_n3A_50, %add3A_49, %select_n3A_46 : i32
      %eq3A_52 = arith.constant 6 : i32
      %eq3A_53 = arith.cmpi eq, %select_n3A_51, %eq3A_52 : i32
      %select_n3A_54 = arith.constant 0 : i32
      %select_n3A_55 = arith.select %eq3A_53, %select_n3A_54, %select_n3A_51 : i32
      %add3A_56 = arith.addi %select_n3A_55, %mul3A_25 : i32
      "tpu.trace_start"() <{level = 10 : i32, message = "ep_initialize_0"}> : () -> ()
      %rem3A = arith.constant 0 : i32
      %rem3A_57 = arith.constant 2 : i32
      %rem3A_58 = arith.remui %rem3A, %rem3A_57 : i32
      %mul3A_59 = arith.constant 2560 : i32
      %mul3A_60 = arith.muli %mul3A_59, %add3A_30 : i32
      %dma_start3A = arith.constant 0 : i32
      %dma_start3A_61 = arith.constant 0 : i32
      %dma_start3A_62 = tpu.memref_slice %run_scoped3A[%rem3A_58, %dma_start3A, %dma_start3A_61] : memref<2x1x2560xi32, #tpu.memory_space<vmem>> -> memref<1x1x2560xi32, #tpu.memory_space<vmem>>
      %dma_start3A_63 = tpu.memref_squeeze %dma_start3A_62 : memref<1x1x2560xi32, #tpu.memory_space<vmem>> -> memref<1x2560xi32, #tpu.memory_space<vmem>>
      %dma_start3A_64 = arith.constant 0 : i32
      %dma_start3A_65 = tpu.memref_slice %arg5[%dma_start3A_64, %mul3A_60] : memref<1x491520xi32, #tpu.memory_space<hbm>> -> memref<1x2560xi32, #tpu.memory_space<hbm>>
      %dma_start3A_66 = tpu.memref_slice %run_scoped3A_26[%rem3A_58] : memref<2x!tpu.dma_semaphore, #tpu.memory_space<semaphore_mem>> -> memref<1x!tpu.dma_semaphore, #tpu.memory_space<semaphore_mem>>
      %dma_start3A_67 = tpu.memref_squeeze %dma_start3A_66 : memref<1x!tpu.dma_semaphore, #tpu.memory_space<semaphore_mem>> -> memref<!tpu.dma_semaphore, #tpu.memory_space<semaphore_mem>>
      %dma_start3A_68 = arith.constant 0 : i32
      %dma_start3A_69 = arith.constant 0 : i32
      %dma_start3A_70 = tpu.memref_slice %run_scoped3A[%rem3A_58, %dma_start3A_68, %dma_start3A_69] : memref<2x1x2560xi32, #tpu.memory_space<vmem>> -> memref<1x1x2560xi32, #tpu.memory_space<vmem>>
      %dma_start3A_71 = tpu.memref_squeeze %dma_start3A_70 : memref<1x1x2560xi32, #tpu.memory_space<vmem>> -> memref<1x2560xi32, #tpu.memory_space<vmem>>
      %dma_start3A_72 = arith.constant 0 : i32
      %dma_start3A_73 = tpu.memref_slice %arg5[%dma_start3A_72, %mul3A_60] : memref<1x491520xi32, #tpu.memory_space<hbm>> -> memref<1x2560xi32, #tpu.memory_space<hbm>>
      tpu.enqueue_dma source(%dma_start3A_73 : memref<1x2560xi32, #tpu.memory_space<hbm>>) target(%dma_start3A_71 : memref<1x2560xi32, #tpu.memory_space<vmem>>) target_semaphore(%dma_start3A_67 : memref<!tpu.dma_semaphore, #tpu.memory_space<semaphore_mem>>)
      %add3A_74 = arith.constant 0 : i32
      %add3A_75 = arith.constant 1 : i32
      %add3A_76 = arith.addi %add3A_74, %add3A_75 : i32
      %select_n3A_77 = arith.constant true
      %select_n3A_78 = arith.constant 0 : i32
      %select_n3A_79 = arith.select %select_n3A_77, %add3A_76, %select_n3A_78 : i32
      "tpu.trace_stop"() : () -> ()
      %scan3A = arith.constant 0 : i32
      %scan3A_80 = arith.constant 0 : i32
      %scan3A_81 = arith.constant 0 : i32
      %scan3A_82 = arith.constant 0 : i32
      %scan3A_83 = arith.constant 0 : i32
      %scan3A_84 = arith.constant 6 : i32
      %scan3A_85 = arith.addi %scan3A_83, %scan3A_84 : i32
      %scan3A_86 = arith.constant 1 : i32
      %scan3A_87:5 = scf.for %scan3A_141 = %scan3A_83 to %scan3A_85 step %scan3A_86 iter_args(%scan3A_142 = %select_n3A_79, %scan3A_143 = %scan3A, %scan3A_144 = %scan3A_80, %scan3A_145 = %scan3A_81, %scan3A_146 = %scan3A_82) -> (i32, i32, i32, i32, i32)  : i32 {
        %eq3A_147 = arith.constant 0 : i32
        %eq3A_148 = arith.cmpi eq, %scan3A_141, %eq3A_147 : i32
        %eq3A_149 = arith.constant 5 : i32
        %eq3A_150 = arith.cmpi eq, %scan3A_141, %eq3A_149 : i32
        %add3A_151 = arith.addi %scan3A_146, %mul3A_25 : i32
        %sub3A_152 = arith.constant 1 : i32
        %sub3A_153 = arith.subi %scan3A_146, %sub3A_152 : i32
        %select_n3A_154 = arith.constant true
        %select_n3A_155 = arith.select %select_n3A_154, %sub3A_153, %scan3A_146 : i32
        %eq3A_156 = arith.constant -1 : i32
        %eq3A_157 = arith.cmpi eq, %select_n3A_155, %eq3A_156 : i32
        %select_n3A_158 = arith.constant 5 : i32
        %select_n3A_159 = arith.select %eq3A_157, %select_n3A_158, %select_n3A_155 : i32
        %add3A_160 = arith.addi %select_n3A_159, %mul3A_25 : i32
        %add3A_161 = arith.constant 1 : i32
        %add3A_162 = arith.addi %scan3A_146, %add3A_161 : i32
        %select_n3A_163 = arith.constant true
        %select_n3A_164 = arith.select %select_n3A_163, %add3A_162, %scan3A_146 : i32
        %eq3A_165 = arith.constant 6 : i32
        %eq3A_166 = arith.cmpi eq, %select_n3A_164, %eq3A_165 : i32
        %select_n3A_167 = arith.constant 0 : i32
        %select_n3A_168 = arith.select %eq3A_166, %select_n3A_167, %select_n3A_164 : i32
        %add3A_169 = arith.addi %select_n3A_168, %mul3A_25 : i32
        %add3A_170 = arith.constant 1 : i32
        %add3A_171 = arith.addi %select_n3A_168, %add3A_170 : i32
        %select_n3A_172 = arith.constant true
        %select_n3A_173 = arith.select %select_n3A_172, %add3A_171, %select_n3A_168 : i32
        %eq3A_174 = arith.constant 6 : i32
        %eq3A_175 = arith.cmpi eq, %select_n3A_173, %eq3A_174 : i32
        %select_n3A_176 = arith.constant 0 : i32
        %select_n3A_177 = arith.select %eq3A_175, %select_n3A_176, %select_n3A_173 : i32
        %add3A_178 = arith.addi %select_n3A_177, %mul3A_25 : i32
        %ne3A = arith.cmpi ne, %add3A_151, %add3A_169 : i32
        %or3A = arith.constant false
        %or3A_179 = arith.ori %or3A, %ne3A : i1
        %ge3A = arith.constant 5 : i32
        %ge3A_180 = arith.cmpi sge, %scan3A_141, %ge3A : i32
        %not3A = arith.constant true
        %not3A_181 = arith.xori %ge3A_180, %not3A : i1
        %and3A = arith.andi %or3A_179, %not3A_181 : i1
        %convert_element_type3A = arith.extui %and3A : i1 to i32
        %cond3A = arith.constant 0 : i32
        %cond3A_182 = arith.cmpi ne, %convert_element_type3A, %cond3A : i32
        scf.if %cond3A_182 {
          "tpu.trace_start"() <{level = 10 : i32, message = "ep_copy_in"}> : () -> ()
          %rem3A_284 = arith.constant 2 : i32
          %rem3A_285 = arith.remui %scan3A_142, %rem3A_284 : i32
          %mul3A_286 = arith.constant 2560 : i32
          %mul3A_287 = arith.muli %mul3A_286, %add3A_169 : i32
          %dma_start3A_288 = arith.constant 0 : i32
          %dma_start3A_289 = arith.constant 0 : i32
          %dma_start3A_290 = tpu.memref_slice %run_scoped3A[%rem3A_285, %dma_start3A_288, %dma_start3A_289] : memref<2x1x2560xi32, #tpu.memory_space<vmem>> -> memref<1x1x2560xi32, #tpu.memory_space<vmem>>
          %dma_start3A_291 = tpu.memref_squeeze %dma_start3A_290 : memref<1x1x2560xi32, #tpu.memory_space<vmem>> -> memref<1x2560xi32, #tpu.memory_space<vmem>>
          %dma_start3A_292 = arith.constant 0 : i32
          %dma_start3A_293 = tpu.memref_slice %arg5[%dma_start3A_292, %mul3A_287] : memref<1x491520xi32, #tpu.memory_space<hbm>> -> memref<1x2560xi32, #tpu.memory_space<hbm>>
          %dma_start3A_294 = tpu.memref_slice %run_scoped3A_26[%rem3A_285] : memref<2x!tpu.dma_semaphore, #tpu.memory_space<semaphore_mem>> -> memref<1x!tpu.dma_semaphore, #tpu.memory_space<semaphore_mem>>
          %dma_start3A_295 = tpu.memref_squeeze %dma_start3A_294 : memref<1x!tpu.dma_semaphore, #tpu.memory_space<semaphore_mem>> -> memref<!tpu.dma_semaphore, #tpu.memory_space<semaphore_mem>>
          %dma_start3A_296 = arith.constant 0 : i32
          %dma_start3A_297 = arith.constant 0 : i32
          %dma_start3A_298 = tpu.memref_slice %run_scoped3A[%rem3A_285, %dma_start3A_296, %dma_start3A_297] : memref<2x1x2560xi32, #tpu.memory_space<vmem>> -> memref<1x1x2560xi32, #tpu.memory_space<vmem>>
          %dma_start3A_299 = tpu.memref_squeeze %dma_start3A_298 : memref<1x1x2560xi32, #tpu.memory_space<vmem>> -> memref<1x2560xi32, #tpu.memory_space<vmem>>
          %dma_start3A_300 = arith.constant 0 : i32
          %dma_start3A_301 = tpu.memref_slice %arg5[%dma_start3A_300, %mul3A_287] : memref<1x491520xi32, #tpu.memory_space<hbm>> -> memref<1x2560xi32, #tpu.memory_space<hbm>>
          tpu.enqueue_dma source(%dma_start3A_301 : memref<1x2560xi32, #tpu.memory_space<hbm>>) target(%dma_start3A_299 : memref<1x2560xi32, #tpu.memory_space<vmem>>) target_semaphore(%dma_start3A_295 : memref<!tpu.dma_semaphore, #tpu.memory_space<semaphore_mem>>)
          "tpu.trace_stop"() : () -> ()
        } else {
        }
        %and3A_183 = arith.constant true
        %and3A_184 = arith.andi %and3A, %and3A_183 : i1
        %add3A_185 = arith.constant 1 : i32
        %add3A_186 = arith.addi %scan3A_142, %add3A_185 : i32
        %select_n3A_187 = arith.select %and3A_184, %add3A_186, %scan3A_142 : i32
        %ne3A_188 = arith.cmpi ne, %add3A_151, %add3A_169 : i32
        %or3A_189 = arith.constant false
        %or3A_190 = arith.ori %or3A_189, %ne3A_188 : i1
        %or3A_191 = arith.constant false
        %or3A_192 = arith.ori %or3A_190, %or3A_191 : i1
        %ge3A_193 = arith.constant 5 : i32
        %ge3A_194 = arith.cmpi sge, %scan3A_141, %ge3A_193 : i32
        %not3A_195 = arith.constant true
        %not3A_196 = arith.xori %ge3A_194, %not3A_195 : i1
        %and3A_197 = arith.andi %or3A_192, %not3A_196 : i1
        %ne3A_198 = arith.cmpi ne, %add3A_151, %add3A_160 : i32
        %or3A_199 = arith.constant false
        %or3A_200 = arith.ori %or3A_199, %ne3A_198 : i1
        %or3A_201 = arith.ori %or3A_200, %eq3A_148 : i1
        %convert_element_type3A_202 = arith.extui %or3A_201 : i1 to i32
        %cond3A_203 = arith.constant 0 : i32
        %cond3A_204 = arith.cmpi ne, %convert_element_type3A_202, %cond3A_203 : i32
        scf.if %cond3A_204 {
          "tpu.trace_start"() <{level = 10 : i32, message = "ep_wait_in"}> : () -> ()
          %mul3A_284 = arith.constant 2560 : i32
          %mul3A_285 = arith.muli %mul3A_284, %add3A_151 : i32
          %rem3A_286 = arith.constant 2 : i32
          %rem3A_287 = arith.remui %scan3A_143, %rem3A_286 : i32
          %dma_wait3A_288 = arith.constant 0 : i32
          %dma_wait3A_289 = arith.constant 0 : i32
          %dma_wait3A_290 = tpu.memref_slice %run_scoped3A[%rem3A_287, %dma_wait3A_288, %dma_wait3A_289] : memref<2x1x2560xi32, #tpu.memory_space<vmem>> -> memref<1x1x2560xi32, #tpu.memory_space<vmem>>
          %dma_wait3A_291 = tpu.memref_squeeze %dma_wait3A_290 : memref<1x1x2560xi32, #tpu.memory_space<vmem>> -> memref<1x2560xi32, #tpu.memory_space<vmem>>
          %dma_wait3A_292 = arith.constant 0 : i32
          %dma_wait3A_293 = tpu.memref_slice %arg5[%dma_wait3A_292, %mul3A_285] : memref<1x491520xi32, #tpu.memory_space<hbm>> -> memref<1x2560xi32, #tpu.memory_space<hbm>>
          %dma_wait3A_294 = tpu.memref_slice %run_scoped3A_26[%rem3A_287] : memref<2x!tpu.dma_semaphore, #tpu.memory_space<semaphore_mem>> -> memref<1x!tpu.dma_semaphore, #tpu.memory_space<semaphore_mem>>
          %dma_wait3A_295 = tpu.memref_squeeze %dma_wait3A_294 : memref<1x!tpu.dma_semaphore, #tpu.memory_space<semaphore_mem>> -> memref<!tpu.dma_semaphore, #tpu.memory_space<semaphore_mem>>
          %dma_wait3A_296 = arith.constant 0 : i32
          %dma_wait3A_297 = arith.constant 0 : i32
          %dma_wait3A_298 = tpu.memref_slice %run_scoped3A[%rem3A_287, %dma_wait3A_296, %dma_wait3A_297] : memref<2x1x2560xi32, #tpu.memory_space<vmem>> -> memref<1x1x2560xi32, #tpu.memory_space<vmem>>
          %dma_wait3A_299 = tpu.memref_squeeze %dma_wait3A_298 : memref<1x1x2560xi32, #tpu.memory_space<vmem>> -> memref<1x2560xi32, #tpu.memory_space<vmem>>
          %dma_wait3A_300 = arith.constant 0 : i32
          %dma_wait3A_301 = tpu.memref_slice %arg5[%dma_wait3A_300, %mul3A_285] : memref<1x491520xi32, #tpu.memory_space<hbm>> -> memref<1x2560xi32, #tpu.memory_space<hbm>>
          tpu.wait_dma2 semaphore(%dma_wait3A_295 : memref<!tpu.dma_semaphore, #tpu.memory_space<semaphore_mem>>) src(%dma_wait3A_301 : memref<1x2560xi32, #tpu.memory_space<hbm>>) dst(%dma_wait3A_299 : memref<1x2560xi32, #tpu.memory_space<vmem>>)
          "tpu.trace_stop"() : () -> ()
        } else {
        }
        %ne3A_205 = arith.cmpi ne, %add3A_151, %add3A_160 : i32
        %or3A_206 = arith.constant false
        %or3A_207 = arith.ori %or3A_206, %ne3A_205 : i1
        %or3A_208 = arith.constant false
        %or3A_209 = arith.ori %or3A_207, %or3A_208 : i1
        %or3A_210 = arith.ori %or3A_209, %eq3A_148 : i1
        %convert_element_type3A_211 = arith.extui %or3A_210 : i1 to i32
        %cond3A_212 = arith.constant 0 : i32
        %cond3A_213 = arith.cmpi ne, %convert_element_type3A_211, %cond3A_212 : i32
        scf.if %cond3A_213 {
        } else {
        }
        %rem3A_214 = arith.constant 2 : i32
        %rem3A_215 = arith.remui %scan3A_143, %rem3A_214 : i32
        %rem3A_216 = arith.constant 2 : i32
        %rem3A_217 = arith.remui %scan3A_144, %rem3A_216 : i32
        %run_scoped3A_218 = arith.constant 0 : i32
        "tpu.trace_start"() <{level = 10 : i32, message = "ep_run_kernel"}> : () -> ()
        "tpu.region"() ({
          %run_scoped3A_284 = tpu.sem_alloc : memref<!tpu.dma_semaphore, #tpu.memory_space<semaphore_mem>>
          %dma_start3A_285 = arith.constant 0 : i32
          %dma_start3A_286 = arith.constant 0 : i32
          %dma_start3A_287 = tpu.memref_slice %run_scoped3A_27[%rem3A_217, %dma_start3A_285, %dma_start3A_286] : memref<2x2560x16xf32, #tpu.memory_space<vmem>> -> memref<1x2560x16xf32, #tpu.memory_space<vmem>>
          %dma_start3A_288 = tpu.memref_squeeze %dma_start3A_287 : memref<1x2560x16xf32, #tpu.memory_space<vmem>> -> memref<2560x16xf32, #tpu.memory_space<vmem>>
          %dma_start3A_289 = arith.constant 0 : i32
          %dma_start3A_290 = arith.constant 0 : i32
          %dma_start3A_291 = tpu.memref_slice %run_scoped3A[%rem3A_215, %dma_start3A_289, %dma_start3A_290] : memref<2x1x2560xi32, #tpu.memory_space<vmem>> -> memref<1x1x2560xi32, #tpu.memory_space<vmem>>
          %dma_start3A_292 = tpu.memref_squeeze %dma_start3A_291 : memref<1x1x2560xi32, #tpu.memory_space<vmem>> -> memref<1x2560xi32, #tpu.memory_space<vmem>>
          %dma_start3A_293 = arith.constant 0 : i32
          %dma_start3A_294 = tpu.memref_slice %dma_start3A_292[%run_scoped3A_218, %dma_start3A_293] : memref<1x2560xi32, #tpu.memory_space<vmem>> -> memref<1x2560xi32, #tpu.memory_space<vmem>>
          %dma_start3A_295 = tpu.memref_squeeze %dma_start3A_294 : memref<1x2560xi32, #tpu.memory_space<vmem>> -> memref<2560xi32, #tpu.memory_space<vmem>>
          %dma_start3A_296 = arith.constant 0 : i32
          %dma_start3A_297 = arith.constant 0 : i32
          %dma_start3A_298 = tpu.memref_slice %arg3[%dma_start3A_296, %dma_start3A_297] : memref<100000x16xf32, #tpu.memory_space<hbm>> -> memref<100000x16xf32, #tpu.memory_space<hbm>>
          tpu.enqueue_indirect_dma source(%dma_start3A_298 : memref<100000x16xf32, #tpu.memory_space<hbm>>) target(%dma_start3A_288 : memref<2560x16xf32, #tpu.memory_space<vmem>>) offsets(%dma_start3A_295 : memref<2560xi32, #tpu.memory_space<vmem>>) semaphore(%run_scoped3A_284 : memref<!tpu.dma_semaphore, #tpu.memory_space<semaphore_mem>>)
          %dma_wait3A_299 = arith.constant 0 : i32
          %dma_wait3A_300 = arith.constant 0 : i32
          %dma_wait3A_301 = tpu.memref_slice %run_scoped3A_27[%rem3A_217, %dma_wait3A_299, %dma_wait3A_300] : memref<2x2560x16xf32, #tpu.memory_space<vmem>> -> memref<1x2560x16xf32, #tpu.memory_space<vmem>>
          %dma_wait3A_302 = tpu.memref_squeeze %dma_wait3A_301 : memref<1x2560x16xf32, #tpu.memory_space<vmem>> -> memref<2560x16xf32, #tpu.memory_space<vmem>>
          %dma_wait3A_303 = arith.constant 0 : i32
          %dma_wait3A_304 = arith.constant 0 : i32
          %dma_wait3A_305 = tpu.memref_slice %run_scoped3A[%rem3A_215, %dma_wait3A_303, %dma_wait3A_304] : memref<2x1x2560xi32, #tpu.memory_space<vmem>> -> memref<1x1x2560xi32, #tpu.memory_space<vmem>>
          %dma_wait3A_306 = tpu.memref_squeeze %dma_wait3A_305 : memref<1x1x2560xi32, #tpu.memory_space<vmem>> -> memref<1x2560xi32, #tpu.memory_space<vmem>>
          %dma_wait3A_307 = arith.constant 0 : i32
          %dma_wait3A_308 = tpu.memref_slice %dma_wait3A_306[%run_scoped3A_218, %dma_wait3A_307] : memref<1x2560xi32, #tpu.memory_space<vmem>> -> memref<1x2560xi32, #tpu.memory_space<vmem>>
          %dma_wait3A_309 = tpu.memref_squeeze %dma_wait3A_308 : memref<1x2560xi32, #tpu.memory_space<vmem>> -> memref<2560xi32, #tpu.memory_space<vmem>>
          %dma_wait3A_310 = arith.constant 0 : i32
          %dma_wait3A_311 = arith.constant 0 : i32
          %dma_wait3A_312 = tpu.memref_slice %arg3[%dma_wait3A_310, %dma_wait3A_311] : memref<100000x16xf32, #tpu.memory_space<hbm>> -> memref<100000x16xf32, #tpu.memory_space<hbm>>
          tpu.wait_indirect_dma semaphore(%run_scoped3A_284 : memref<!tpu.dma_semaphore, #tpu.memory_space<semaphore_mem>>) src(%dma_wait3A_312 : memref<100000x16xf32, #tpu.memory_space<hbm>>) dst(%dma_wait3A_302 : memref<2560x16xf32, #tpu.memory_space<vmem>>)
          tpu.yield
        }) : () -> ()
        "tpu.trace_stop"() : () -> ()
        %ne3A_219 = arith.cmpi ne, %add3A_151, %add3A_169 : i32
        %or3A_220 = arith.constant false
        %or3A_221 = arith.ori %or3A_220, %ne3A_219 : i1
        %or3A_222 = arith.ori %or3A_221, %eq3A_150 : i1
        %convert_element_type3A_223 = arith.extui %or3A_222 : i1 to i32
        %cond3A_224 = arith.constant 0 : i32
        %cond3A_225 = arith.cmpi ne, %convert_element_type3A_223, %cond3A_224 : i32
        scf.if %cond3A_225 {
        } else {
        }
        %and3A_226 = arith.constant false
        %and3A_227 = arith.andi %or3A_222, %and3A_226 : i1
        %ne3A_228 = arith.cmpi ne, %add3A_151, %add3A_169 : i32
        %or3A_229 = arith.constant false
        %or3A_230 = arith.ori %or3A_229, %ne3A_228 : i1
        %or3A_231 = arith.constant false
        %or3A_232 = arith.ori %or3A_230, %or3A_231 : i1
        %or3A_233 = arith.ori %or3A_232, %eq3A_150 : i1
        %convert_element_type3A_234 = arith.extui %or3A_233 : i1 to i32
        %cond3A_235 = arith.constant 0 : i32
        %cond3A_236 = arith.cmpi ne, %convert_element_type3A_234, %cond3A_235 : i32
        scf.if %cond3A_236 {
          "tpu.trace_start"() <{level = 10 : i32, message = "ep_copy_out"}> : () -> ()
          %rem3A_284 = arith.constant 2 : i32
          %rem3A_285 = arith.remui %scan3A_144, %rem3A_284 : i32
          %mul3A_286 = arith.constant 2560 : i32
          %mul3A_287 = arith.muli %mul3A_286, %add3A_151 : i32
          %dma_start3A_288 = arith.constant 0 : i32
          %dma_start3A_289 = arith.constant 0 : i32
          %dma_start3A_290 = tpu.memref_slice %run_scoped3A_27[%rem3A_285, %dma_start3A_288, %dma_start3A_289] : memref<2x2560x16xf32, #tpu.memory_space<vmem>> -> memref<1x2560x16xf32, #tpu.memory_space<vmem>>
          %dma_start3A_291 = tpu.memref_squeeze %dma_start3A_290 : memref<1x2560x16xf32, #tpu.memory_space<vmem>> -> memref<2560x16xf32, #tpu.memory_space<vmem>>
          %dma_start3A_292 = arith.constant 0 : i32
          %dma_start3A_293 = tpu.memref_slice %arg7[%mul3A_287, %dma_start3A_292] : memref<491520x16xf32, #tpu.memory_space<hbm>> -> memref<2560x16xf32, #tpu.memory_space<hbm>>
          %dma_start3A_294 = tpu.memref_slice %run_scoped3A_28[%rem3A_285] : memref<2x!tpu.dma_semaphore, #tpu.memory_space<semaphore_mem>> -> memref<1x!tpu.dma_semaphore, #tpu.memory_space<semaphore_mem>>
          %dma_start3A_295 = tpu.memref_squeeze %dma_start3A_294 : memref<1x!tpu.dma_semaphore, #tpu.memory_space<semaphore_mem>> -> memref<!tpu.dma_semaphore, #tpu.memory_space<semaphore_mem>>
          %dma_start3A_296 = arith.constant 0 : i32
          %dma_start3A_297 = tpu.memref_slice %arg7[%mul3A_287, %dma_start3A_296] : memref<491520x16xf32, #tpu.memory_space<hbm>> -> memref<2560x16xf32, #tpu.memory_space<hbm>>
          %dma_start3A_298 = arith.constant 0 : i32
          %dma_start3A_299 = arith.constant 0 : i32
          %dma_start3A_300 = tpu.memref_slice %run_scoped3A_27[%rem3A_285, %dma_start3A_298, %dma_start3A_299] : memref<2x2560x16xf32, #tpu.memory_space<vmem>> -> memref<1x2560x16xf32, #tpu.memory_space<vmem>>
          %dma_start3A_301 = tpu.memref_squeeze %dma_start3A_300 : memref<1x2560x16xf32, #tpu.memory_space<vmem>> -> memref<2560x16xf32, #tpu.memory_space<vmem>>
          tpu.enqueue_dma source(%dma_start3A_301 : memref<2560x16xf32, #tpu.memory_space<vmem>>) target(%dma_start3A_297 : memref<2560x16xf32, #tpu.memory_space<hbm>>) target_semaphore(%dma_start3A_295 : memref<!tpu.dma_semaphore, #tpu.memory_space<semaphore_mem>>)
          "tpu.trace_stop"() : () -> ()
        } else {
        }
        %and3A_237 = arith.constant true
        %and3A_238 = arith.andi %or3A_233, %and3A_237 : i1
        %add3A_239 = arith.constant 1 : i32
        %add3A_240 = arith.addi %scan3A_144, %add3A_239 : i32
        %select_n3A_241 = arith.select %and3A_238, %add3A_240, %scan3A_144 : i32
        %ne3A_242 = arith.cmpi ne, %add3A_151, %add3A_160 : i32
        %or3A_243 = arith.constant false
        %or3A_244 = arith.ori %or3A_243, %ne3A_242 : i1
        %not3A_245 = arith.constant true
        %not3A_246 = arith.xori %eq3A_148, %not3A_245 : i1
        %and3A_247 = arith.andi %or3A_244, %not3A_246 : i1
        %convert_element_type3A_248 = arith.extui %and3A_247 : i1 to i32
        %cond3A_249 = arith.constant 0 : i32
        %cond3A_250 = arith.cmpi ne, %convert_element_type3A_248, %cond3A_249 : i32
        scf.if %cond3A_250 {
        } else {
        }
        %and3A_251 = arith.constant false
        %and3A_252 = arith.andi %and3A_247, %and3A_251 : i1
        %ne3A_253 = arith.cmpi ne, %add3A_151, %add3A_160 : i32
        %or3A_254 = arith.constant false
        %or3A_255 = arith.ori %or3A_254, %ne3A_253 : i1
        %or3A_256 = arith.constant false
        %or3A_257 = arith.ori %or3A_255, %or3A_256 : i1
        %not3A_258 = arith.constant true
        %not3A_259 = arith.xori %eq3A_148, %not3A_258 : i1
        %and3A_260 = arith.andi %or3A_257, %not3A_259 : i1
        %convert_element_type3A_261 = arith.extui %and3A_260 : i1 to i32
        %cond3A_262 = arith.constant 0 : i32
        %cond3A_263 = arith.cmpi ne, %convert_element_type3A_261, %cond3A_262 : i32
        scf.if %cond3A_263 {
          "tpu.trace_start"() <{level = 10 : i32, message = "ep_wait_out"}> : () -> ()
          %rem3A_284 = arith.constant 2 : i32
          %rem3A_285 = arith.remui %scan3A_145, %rem3A_284 : i32
          %mul3A_286 = arith.constant 2560 : i32
          %mul3A_287 = arith.muli %mul3A_286, %add3A_160 : i32
          %dma_wait3A_288 = arith.constant 0 : i32
          %dma_wait3A_289 = arith.constant 0 : i32
          %dma_wait3A_290 = tpu.memref_slice %run_scoped3A_27[%rem3A_285, %dma_wait3A_288, %dma_wait3A_289] : memref<2x2560x16xf32, #tpu.memory_space<vmem>> -> memref<1x2560x16xf32, #tpu.memory_space<vmem>>
          %dma_wait3A_291 = tpu.memref_squeeze %dma_wait3A_290 : memref<1x2560x16xf32, #tpu.memory_space<vmem>> -> memref<2560x16xf32, #tpu.memory_space<vmem>>
          %dma_wait3A_292 = arith.constant 0 : i32
          %dma_wait3A_293 = tpu.memref_slice %arg7[%mul3A_287, %dma_wait3A_292] : memref<491520x16xf32, #tpu.memory_space<hbm>> -> memref<2560x16xf32, #tpu.memory_space<hbm>>
          %dma_wait3A_294 = tpu.memref_slice %run_scoped3A_28[%rem3A_285] : memref<2x!tpu.dma_semaphore, #tpu.memory_space<semaphore_mem>> -> memref<1x!tpu.dma_semaphore, #tpu.memory_space<semaphore_mem>>
          %dma_wait3A_295 = tpu.memref_squeeze %dma_wait3A_294 : memref<1x!tpu.dma_semaphore, #tpu.memory_space<semaphore_mem>> -> memref<!tpu.dma_semaphore, #tpu.memory_space<semaphore_mem>>
          %dma_wait3A_296 = arith.constant 0 : i32
          %dma_wait3A_297 = tpu.memref_slice %arg7[%mul3A_287, %dma_wait3A_296] : memref<491520x16xf32, #tpu.memory_space<hbm>> -> memref<2560x16xf32, #tpu.memory_space<hbm>>
          %dma_wait3A_298 = arith.constant 0 : i32
          %dma_wait3A_299 = arith.constant 0 : i32
          %dma_wait3A_300 = tpu.memref_slice %run_scoped3A_27[%rem3A_285, %dma_wait3A_298, %dma_wait3A_299] : memref<2x2560x16xf32, #tpu.memory_space<vmem>> -> memref<1x2560x16xf32, #tpu.memory_space<vmem>>
          %dma_wait3A_301 = tpu.memref_squeeze %dma_wait3A_300 : memref<1x2560x16xf32, #tpu.memory_space<vmem>> -> memref<2560x16xf32, #tpu.memory_space<vmem>>
          tpu.wait_dma2 semaphore(%dma_wait3A_295 : memref<!tpu.dma_semaphore, #tpu.memory_space<semaphore_mem>>) src(%dma_wait3A_301 : memref<2560x16xf32, #tpu.memory_space<vmem>>) dst(%dma_wait3A_297 : memref<2560x16xf32, #tpu.memory_space<hbm>>)
          "tpu.trace_stop"() : () -> ()
        } else {
        }
        %and3A_264 = arith.constant true
        %and3A_265 = arith.andi %and3A_260, %and3A_264 : i1
        %add3A_266 = arith.constant 1 : i32
        %add3A_267 = arith.addi %scan3A_145, %add3A_266 : i32
        %select_n3A_268 = arith.select %and3A_265, %add3A_267, %scan3A_145 : i32
        %ne3A_269 = arith.cmpi ne, %add3A_151, %add3A_169 : i32
        %or3A_270 = arith.constant false
        %or3A_271 = arith.ori %or3A_270, %ne3A_269 : i1
        %or3A_272 = arith.ori %or3A_271, %eq3A_150 : i1
        %add3A_273 = arith.constant 1 : i32
        %add3A_274 = arith.addi %scan3A_143, %add3A_273 : i32
        %select_n3A_275 = arith.select %or3A_272, %add3A_274, %scan3A_143 : i32
        %add3A_276 = arith.constant 1 : i32
        %add3A_277 = arith.addi %scan3A_146, %add3A_276 : i32
        %select_n3A_278 = arith.constant true
        %select_n3A_279 = arith.select %select_n3A_278, %add3A_277, %scan3A_146 : i32
        %eq3A_280 = arith.constant 6 : i32
        %eq3A_281 = arith.cmpi eq, %select_n3A_279, %eq3A_280 : i32
        %select_n3A_282 = arith.constant 0 : i32
        %select_n3A_283 = arith.select %eq3A_281, %select_n3A_282, %select_n3A_279 : i32
        scf.yield %select_n3A_187, %select_n3A_275, %select_n3A_241, %select_n3A_268, %select_n3A_283 : i32, i32, i32, i32, i32
      }
      %scan3A_88 = arith.constant 6 : i32
      %sub3A = arith.constant 1 : i32
      %sub3A_89 = arith.subi %scan3A_87#4, %sub3A : i32
      %select_n3A_90 = arith.constant true
      %select_n3A_91 = arith.select %select_n3A_90, %sub3A_89, %scan3A_87#4 : i32
      %eq3A_92 = arith.constant -1 : i32
      %eq3A_93 = arith.cmpi eq, %select_n3A_91, %eq3A_92 : i32
      %select_n3A_94 = arith.constant 5 : i32
      %select_n3A_95 = arith.select %eq3A_93, %select_n3A_94, %select_n3A_91 : i32
      %add3A_96 = arith.addi %select_n3A_95, %mul3A_25 : i32
      %sub3A_97 = arith.constant 1 : i32
      %sub3A_98 = arith.subi %select_n3A_95, %sub3A_97 : i32
      %select_n3A_99 = arith.constant true
      %select_n3A_100 = arith.select %select_n3A_99, %sub3A_98, %select_n3A_95 : i32
      %eq3A_101 = arith.constant -1 : i32
      %eq3A_102 = arith.cmpi eq, %select_n3A_100, %eq3A_101 : i32
      %select_n3A_103 = arith.constant 5 : i32
      %select_n3A_104 = arith.select %eq3A_102, %select_n3A_103, %select_n3A_100 : i32
      %add3A_105 = arith.addi %select_n3A_104, %mul3A_25 : i32
      %add3A_106 = arith.constant 1 : i32
      %add3A_107 = arith.addi %select_n3A_95, %add3A_106 : i32
      %select_n3A_108 = arith.constant true
      %select_n3A_109 = arith.select %select_n3A_108, %add3A_107, %select_n3A_95 : i32
      %eq3A_110 = arith.constant 6 : i32
      %eq3A_111 = arith.cmpi eq, %select_n3A_109, %eq3A_110 : i32
      %select_n3A_112 = arith.constant 0 : i32
      %select_n3A_113 = arith.select %eq3A_111, %select_n3A_112, %select_n3A_109 : i32
      %add3A_114 = arith.addi %select_n3A_113, %mul3A_25 : i32
      %add3A_115 = arith.constant 1 : i32
      %add3A_116 = arith.addi %select_n3A_113, %add3A_115 : i32
      %select_n3A_117 = arith.constant true
      %select_n3A_118 = arith.select %select_n3A_117, %add3A_116, %select_n3A_113 : i32
      %eq3A_119 = arith.constant 6 : i32
      %eq3A_120 = arith.cmpi eq, %select_n3A_118, %eq3A_119 : i32
      %select_n3A_121 = arith.constant 0 : i32
      %select_n3A_122 = arith.select %eq3A_120, %select_n3A_121, %select_n3A_118 : i32
      %add3A_123 = arith.addi %select_n3A_122, %mul3A_25 : i32
      "tpu.trace_start"() <{level = 10 : i32, message = "ep_finalize"}> : () -> ()
      %rem3A_124 = arith.constant 2 : i32
      %rem3A_125 = arith.remui %scan3A_87#3, %rem3A_124 : i32
      %mul3A_126 = arith.constant 2560 : i32
      %mul3A_127 = arith.muli %mul3A_126, %add3A_96 : i32
      %dma_wait3A = arith.constant 0 : i32
      %dma_wait3A_128 = arith.constant 0 : i32
      %dma_wait3A_129 = tpu.memref_slice %run_scoped3A_27[%rem3A_125, %dma_wait3A, %dma_wait3A_128] : memref<2x2560x16xf32, #tpu.memory_space<vmem>> -> memref<1x2560x16xf32, #tpu.memory_space<vmem>>
      %dma_wait3A_130 = tpu.memref_squeeze %dma_wait3A_129 : memref<1x2560x16xf32, #tpu.memory_space<vmem>> -> memref<2560x16xf32, #tpu.memory_space<vmem>>
      %dma_wait3A_131 = arith.constant 0 : i32
      %dma_wait3A_132 = tpu.memref_slice %arg7[%mul3A_127, %dma_wait3A_131] : memref<491520x16xf32, #tpu.memory_space<hbm>> -> memref<2560x16xf32, #tpu.memory_space<hbm>>
      %dma_wait3A_133 = tpu.memref_slice %run_scoped3A_28[%rem3A_125] : memref<2x!tpu.dma_semaphore, #tpu.memory_space<semaphore_mem>> -> memref<1x!tpu.dma_semaphore, #tpu.memory_space<semaphore_mem>>
      %dma_wait3A_134 = tpu.memref_squeeze %dma_wait3A_133 : memref<1x!tpu.dma_semaphore, #tpu.memory_space<semaphore_mem>> -> memref<!tpu.dma_semaphore, #tpu.memory_space<semaphore_mem>>
      %dma_wait3A_135 = arith.constant 0 : i32
      %dma_wait3A_136 = tpu.memref_slice %arg7[%mul3A_127, %dma_wait3A_135] : memref<491520x16xf32, #tpu.memory_space<hbm>> -> memref<2560x16xf32, #tpu.memory_space<hbm>>
      %dma_wait3A_137 = arith.constant 0 : i32
      %dma_wait3A_138 = arith.constant 0 : i32
      %dma_wait3A_139 = tpu.memref_slice %run_scoped3A_27[%rem3A_125, %dma_wait3A_137, %dma_wait3A_138] : memref<2x2560x16xf32, #tpu.memory_space<vmem>> -> memref<1x2560x16xf32, #tpu.memory_space<vmem>>
      %dma_wait3A_140 = tpu.memref_squeeze %dma_wait3A_139 : memref<1x2560x16xf32, #tpu.memory_space<vmem>> -> memref<2560x16xf32, #tpu.memory_space<vmem>>
      tpu.wait_dma2 semaphore(%dma_wait3A_134 : memref<!tpu.dma_semaphore, #tpu.memory_space<semaphore_mem>>) src(%dma_wait3A_140 : memref<2560x16xf32, #tpu.memory_space<vmem>>) dst(%dma_wait3A_136 : memref<2560x16xf32, #tpu.memory_space<hbm>>)
      "tpu.trace_stop"() : () -> ()
      tpu.yield
    }) : () -> ()
    return
  }
}

module attributes {stable_mosaic.version = 14 : i64} {
  func.func @_tc_table_body(%arg0: i32, %arg1: i32, %arg2: memref<8x16x12800xf32, #tpu.memory_space<vmem>>, %arg3: memref<128x128xf32, #tpu.memory_space<vmem>>, %arg4: memref<1x12800x128xf32, #tpu.memory_space<vmem>>) attributes {dimension_semantics = [#tpu.dimension_semantics<arbitrary>, #tpu.dimension_semantics<arbitrary>], iteration_bounds = array<i64: 4, 8>, scalar_prefetch = 0 : i64, scratch_operands = 0 : i64, tpu.core_type = #tpu.core_type<tc>, window_params = [{transform_indices = @transform_0, window_bounds = array<i64: 8, 16, 12800>}, {pipeline_mode = #tpu.pipeline_mode<synchronous>, transform_indices = @transform_1, window_bounds = array<i64: 128, 128>}, {transform_indices = @transform_2, window_bounds = array<i64: 1, 12800, 128>}]} {
    %get3A = arith.constant 0 : index
    %get3A_0 = arith.constant 0 : index
    %get3A_1 = arith.constant 0 : index
    %get3A_2 = vector.load %arg2[%get3A, %get3A_0, %get3A_1] : memref<8x16x12800xf32, #tpu.memory_space<vmem>>, vector<8x16x12800xf32>
    %reshape3A = vector.shape_cast %get3A_2 : vector<8x16x12800xf32> to vector<128x12800xf32>
    %get3A_3 = arith.constant 0 : index
    %get3A_4 = arith.constant 0 : index
    %get3A_5 = vector.load %arg3[%get3A_3, %get3A_4] : memref<128x128xf32, #tpu.memory_space<vmem>>, vector<128x128xf32>
    %dot_general3A = arith.constant dense<0.000000e+00> : vector<12800x128xf32>
    %dot_general3A_6 = tpu.matmul %reshape3A, %get3A_5, %dot_general3A {dimension_numbers = #tpu.dot_dimension_numbers<[0], [0], [1], [1], [0, 1, 1, 1], [], []>, transpose_lhs_hint = false} : vector<128x12800xf32>, vector<128x128xf32>, vector<12800x128xf32> -> vector<12800x128xf32>
    %swap3A = arith.constant 0 : index
    %swap3A_7 = arith.constant 0 : index
    %swap3A_8 = arith.constant 0 : index
    %swap3A_9 = vector.load %arg4[%swap3A, %swap3A_7, %swap3A_8] : memref<1x12800x128xf32, #tpu.memory_space<vmem>>, vector<1x12800x128xf32>
    %swap3A_10 = vector.shape_cast %swap3A_9 : vector<1x12800x128xf32> to vector<12800x128xf32>
    %swap3A_11 = vector.shape_cast %dot_general3A_6 : vector<12800x128xf32> to vector<1x12800x128xf32>
    tpu.vector_store %arg4[%swap3A, %swap3A_7, %swap3A_8], %swap3A_11 {strides = array<i32>} : memref<1x12800x128xf32, #tpu.memory_space<vmem>>, vector<1x12800x128xf32>,
    return
  }
  func.func @transform_0(%arg0: i32, %arg1: i32) -> (i32, i32, i32) {
    %c0_i32 = arith.constant 0 : i32
    %c0_i32_0 = arith.constant 0 : i32
    return %arg0, %c0_i32, %arg1 : i32, i32, i32
  }
  func.func @transform_1(%arg0: i32, %arg1: i32) -> (i32, i32) {
    %c0_i32 = arith.constant 0 : i32
    %c0_i32_0 = arith.constant 0 : i32
    %c0_i32_1 = arith.constant 0 : i32
    return %c0_i32, %c0_i32_0 : i32, i32
  }
  func.func @transform_2(%arg0: i32, %arg1: i32) -> (i32, i32, i32) {
    %c0_i32 = arith.constant 0 : i32
    %c0_i32_0 = arith.constant 0 : i32
    return %arg0, %arg1, %c0_i32 : i32, i32, i32
  }
}

module attributes {stable_mosaic.version = 14 : i64} {
  func.func @_tc_fm1_body(%arg0: i32, %arg1: memref<1x1x100000xf32, #tpu.memory_space<vmem>>, %arg2: memref<102400xf32, #tpu.memory_space<vmem>>) attributes {dimension_semantics = [#tpu.dimension_semantics<arbitrary>], iteration_bounds = array<i64: 26>, scalar_prefetch = 0 : i64, scratch_operands = 0 : i64, tpu.core_type = #tpu.core_type<tc>, window_params = [{transform_indices = @transform_0, window_bounds = array<i64: 1, 1, 100000>}, {transform_indices = @transform_1, window_bounds = array<i64: 102400>}]} {
    %get3A = arith.constant 0 : index
    %get3A_0 = arith.constant 0 : index
    %get3A_1 = arith.constant 0 : index
    %get3A_2 = vector.load %arg1[%get3A, %get3A_0, %get3A_1] : memref<1x1x100000xf32, #tpu.memory_space<vmem>>, vector<1x1x100000xf32>
    %get3A_3 = vector.shape_cast %get3A_2 : vector<1x1x100000xf32> to vector<100000xf32>
    %swap3A = arith.constant 0 : index
    %swap3A_4 = vector.load %arg2[%swap3A] : memref<102400xf32, #tpu.memory_space<vmem>>, vector<100000xf32>
    tpu.vector_store %arg2[%swap3A], %get3A_3 {strides = array<i32>} : memref<102400xf32, #tpu.memory_space<vmem>>, vector<100000xf32>,
    return
  }
  func.func @transform_0(%arg0: i32) -> (i32, i32, i32) {
    %c0_i32 = arith.constant 0 : i32
    %c0_i32_0 = arith.constant 0 : i32
    %c0_i32_1 = arith.constant 0 : i32
    return %arg0, %c0_i32, %c0_i32_0 : i32, i32, i32
  }
  func.func @transform_1(%arg0: i32) -> i32 {
    %c0_i32 = arith.constant 0 : i32
    return %arg0 : i32
  }
}

module attributes {stable_mosaic.version = 14 : i64} {
  func.func @_tc_body(%arg0: i32, %arg1: memref<1024x416xf32, #tpu.memory_space<vmem>>, %arg2: memref<1024x26xf32, #tpu.memory_space<vmem>>, %arg3: memref<1024x480xf32, #tpu.memory_space<vmem>>, %arg4: memref<1024x26xf32, #tpu.memory_space<vmem>>, %arg5: memref<1024x128xf32, #tpu.memory_space<vmem>>, %arg6: memref<1024x128xf32, #tpu.memory_space<vmem>>, %arg7: memref<128x16xf32, #tpu.memory_space<vmem>>, %arg8: memref<1x16xf32, #tpu.memory_space<vmem>>, %arg9: memref<128x16xf32, #tpu.memory_space<vmem>>, %arg10: memref<1x16xf32, #tpu.memory_space<vmem>>, %arg11: memref<464x32xf32, #tpu.memory_space<vmem>>, %arg12: memref<1x32xf32, #tpu.memory_space<vmem>>, %arg13: memref<32x32xf32, #tpu.memory_space<vmem>>, %arg14: memref<1x32xf32, #tpu.memory_space<vmem>>, %arg15: memref<1x1xf32, #tpu.memory_space<vmem>>, %arg16: memref<26x416xf32, #tpu.memory_space<vmem>>, %arg17: memref<416x16xf32, #tpu.memory_space<vmem>>, %arg18: memref<480x16xf32, #tpu.memory_space<vmem>>, %arg19: memref<1024x1xf32, #tpu.memory_space<vmem>>) attributes {dimension_semantics = [#tpu.dimension_semantics<arbitrary>], iteration_bounds = array<i64: 16>, scalar_prefetch = 0 : i64, scratch_operands = 0 : i64, tpu.core_type = #tpu.core_type<tc>, window_params = [{transform_indices = @transform_0, window_bounds = array<i64: 1024, 416>}, {transform_indices = @transform_1, window_bounds = array<i64: 1024, 26>}, {transform_indices = @transform_2, window_bounds = array<i64: 1024, 480>}, {transform_indices = @transform_3, window_bounds = array<i64: 1024, 26>}, {transform_indices = @transform_4, window_bounds = array<i64: 1024, 128>}, {transform_indices = @transform_5, window_bounds = array<i64: 1024, 128>}, {pipeline_mode = #tpu.pipeline_mode<synchronous>, transform_indices = @transform_6, window_bounds = array<i64: 128, 16>}, {pipeline_mode = #tpu.pipeline_mode<synchronous>, transform_indices = @transform_7, window_bounds = array<i64: 1, 16>}, {pipeline_mode = #tpu.pipeline_mode<synchronous>, transform_indices = @transform_8, window_bounds = array<i64: 128, 16>}, {pipeline_mode = #tpu.pipeline_mode<synchronous>, transform_indices = @transform_9, window_bounds = array<i64: 1, 16>}, {pipeline_mode = #tpu.pipeline_mode<synchronous>, transform_indices = @transform_10, window_bounds = array<i64: 464, 32>}, {pipeline_mode = #tpu.pipeline_mode<synchronous>, transform_indices = @transform_11, window_bounds = array<i64: 1, 32>}, {pipeline_mode = #tpu.pipeline_mode<synchronous>, transform_indices = @transform_12, window_bounds = array<i64: 32, 32>}, {pipeline_mode = #tpu.pipeline_mode<synchronous>, transform_indices = @transform_13, window_bounds = array<i64: 1, 32>}, {pipeline_mode = #tpu.pipeline_mode<synchronous>, transform_indices = @transform_14, window_bounds = array<i64: 1, 1>}, {pipeline_mode = #tpu.pipeline_mode<synchronous>, transform_indices = @transform_15, window_bounds = array<i64: 26, 416>}, {pipeline_mode = #tpu.pipeline_mode<synchronous>, transform_indices = @transform_16, window_bounds = array<i64: 416, 16>}, {pipeline_mode = #tpu.pipeline_mode<synchronous>, transform_indices = @transform_17, window_bounds = array<i64: 480, 16>}, {transform_indices = @transform_18, window_bounds = array<i64: 1024, 1>}]} {
    %get3A = arith.constant 0 : index
    %get3A_0 = arith.constant 0 : index
    %get3A_1 = vector.load %arg1[%get3A, %get3A_0] : memref<1024x416xf32, #tpu.memory_space<vmem>>, vector<1024x416xf32>
    %get3A_2 = arith.constant 0 : index
    %get3A_3 = arith.constant 0 : index
    %get3A_4 = vector.load %arg4[%get3A_2, %get3A_3] : memref<1024x26xf32, #tpu.memory_space<vmem>>, vector<1024x26xf32>
    %get3A_5 = arith.constant 0 : index
    %get3A_6 = arith.constant 0 : index
    %get3A_7 = vector.load %arg16[%get3A_5, %get3A_6] : memref<26x416xf32, #tpu.memory_space<vmem>>, vector<26x416xf32>
    %dot_general3A = arith.constant dense<0.000000e+00> : vector<1024x416xf32>
    %dot_general3A_8 = tpu.matmul %get3A_4, %get3A_7, %dot_general3A {dimension_numbers = #tpu.dot_dimension_numbers<[1], [0], [0], [1], [0, 0, 1, 1], [], []>, transpose_lhs_hint = false} : vector<1024x26xf32>, vector<26x416xf32>, vector<1024x416xf32> -> vector<1024x416xf32>
    %mul3A = arith.mulf %get3A_1, %dot_general3A_8 : vector<1024x416xf32>
    %get3A_9 = arith.constant 0 : index
    %get3A_10 = arith.constant 0 : index
    %get3A_11 = vector.load %arg3[%get3A_9, %get3A_10] : memref<1024x480xf32, #tpu.memory_space<vmem>>, vector<1024x480xf32>
    %get3A_12 = arith.constant 0 : index
    %get3A_13 = arith.constant 0 : index
    %get3A_14 = vector.load %arg18[%get3A_12, %get3A_13] : memref<480x16xf32, #tpu.memory_space<vmem>>, vector<480x16xf32>
    %dot_general3A_15 = arith.constant dense<0.000000e+00> : vector<1024x16xf32>
    %dot_general3A_16 = tpu.matmul %get3A_11, %get3A_14, %dot_general3A_15 {dimension_numbers = #tpu.dot_dimension_numbers<[1], [0], [0], [1], [0, 0, 1, 1], [], []>, transpose_lhs_hint = false} : vector<1024x480xf32>, vector<480x16xf32>, vector<1024x16xf32> -> vector<1024x16xf32>
    %mul3A_17 = arith.constant 0.0333333351 : f32
    %mul3A_18 = vector.broadcast %mul3A_17 : f32 to vector<1024x16xf32>
    %mul3A_19 = arith.mulf %dot_general3A_16, %mul3A_18 : vector<1024x16xf32>
    %get3A_20 = arith.constant 0 : index
    %get3A_21 = arith.constant 0 : index
    %get3A_22 = vector.load %arg5[%get3A_20, %get3A_21] : memref<1024x128xf32, #tpu.memory_space<vmem>>, vector<1024x128xf32>
    %get3A_23 = arith.constant 0 : index
    %get3A_24 = arith.constant 0 : index
    %get3A_25 = vector.load %arg7[%get3A_23, %get3A_24] : memref<128x16xf32, #tpu.memory_space<vmem>>, vector<128x16xf32>
    %dot_general3A_26 = arith.constant dense<0.000000e+00> : vector<1024x16xf32>
    %dot_general3A_27 = tpu.matmul %get3A_22, %get3A_25, %dot_general3A_26 {dimension_numbers = #tpu.dot_dimension_numbers<[1], [0], [0], [1], [0, 0, 1, 1], [], []>, transpose_lhs_hint = false} : vector<1024x128xf32>, vector<128x16xf32>, vector<1024x16xf32> -> vector<1024x16xf32>
    %get3A_28 = arith.constant 0 : index
    %get3A_29 = arith.constant 0 : index
    %get3A_30 = vector.load %arg8[%get3A_28, %get3A_29] : memref<1x16xf32, #tpu.memory_space<vmem>>, vector<1x16xf32>
    %add3A = vector.broadcast %get3A_30 : vector<1x16xf32> to vector<1024x16xf32>
    %add3A_31 = arith.addf %dot_general3A_27, %add3A : vector<1024x16xf32>
    %get3A_32 = arith.constant 0 : index
    %get3A_33 = arith.constant 0 : index
    %get3A_34 = vector.load %arg6[%get3A_32, %get3A_33] : memref<1024x128xf32, #tpu.memory_space<vmem>>, vector<1024x128xf32>
    %get3A_35 = arith.constant 0 : index
    %get3A_36 = arith.constant 0 : index
    %get3A_37 = vector.load %arg9[%get3A_35, %get3A_36] : memref<128x16xf32, #tpu.memory_space<vmem>>, vector<128x16xf32>
    %dot_general3A_38 = arith.constant dense<0.000000e+00> : vector<1024x16xf32>
    %dot_general3A_39 = tpu.matmul %get3A_34, %get3A_37, %dot_general3A_38 {dimension_numbers = #tpu.dot_dimension_numbers<[1], [0], [0], [1], [0, 0, 1, 1], [], []>, transpose_lhs_hint = false} : vector<1024x128xf32>, vector<128x16xf32>, vector<1024x16xf32> -> vector<1024x16xf32>
    %get3A_40 = arith.constant 0 : index
    %get3A_41 = arith.constant 0 : index
    %get3A_42 = vector.load %arg10[%get3A_40, %get3A_41] : memref<1x16xf32, #tpu.memory_space<vmem>>, vector<1x16xf32>
    %add3A_43 = vector.broadcast %get3A_42 : vector<1x16xf32> to vector<1024x16xf32>
    %add3A_44 = arith.addf %dot_general3A_39, %add3A_43 : vector<1024x16xf32>
    %get3A_45 = arith.constant 0 : index
    %get3A_46 = arith.constant 0 : index
    %get3A_47 = vector.load %arg17[%get3A_45, %get3A_46] : memref<416x16xf32, #tpu.memory_space<vmem>>, vector<416x16xf32>
    %dot_general3A_48 = arith.constant dense<0.000000e+00> : vector<1024x16xf32>
    %dot_general3A_49 = tpu.matmul %mul3A, %get3A_47, %dot_general3A_48 {dimension_numbers = #tpu.dot_dimension_numbers<[1], [0], [0], [1], [0, 0, 1, 1], [], []>, transpose_lhs_hint = false} : vector<1024x416xf32>, vector<416x16xf32>, vector<1024x16xf32> -> vector<1024x16xf32>
    %add3A_50 = arith.addf %dot_general3A_49, %mul3A_19 : vector<1024x16xf32>
    %add3A_51 = arith.addf %add3A_50, %add3A_31 : vector<1024x16xf32>
    %add3A_52 = arith.addf %add3A_51, %add3A_44 : vector<1024x16xf32>
    %mul3A_53 = arith.mulf %mul3A, %mul3A : vector<1024x416xf32>
    %reduce_sum3A = arith.constant dense<0.000000e+00> : vector<1024xf32>
    %reduce_sum3A_54 = vector.multi_reduction <add>, %mul3A_53, %reduce_sum3A [1] : vector<1024x416xf32> to vector<1024xf32>
    %mul3A_55 = arith.mulf %mul3A_19, %mul3A_19 : vector<1024x16xf32>
    %reduce_sum3A_56 = arith.constant dense<0.000000e+00> : vector<1024xf32>
    %reduce_sum3A_57 = vector.multi_reduction <add>, %mul3A_55, %reduce_sum3A_56 [1] : vector<1024x16xf32> to vector<1024xf32>
    %add3A_58 = arith.addf %reduce_sum3A_54, %reduce_sum3A_57 : vector<1024xf32>
    %mul3A_59 = arith.mulf %add3A_31, %add3A_31 : vector<1024x16xf32>
    %reduce_sum3A_60 = arith.constant dense<0.000000e+00> : vector<1024xf32>
    %reduce_sum3A_61 = vector.multi_reduction <add>, %mul3A_59, %reduce_sum3A_60 [1] : vector<1024x16xf32> to vector<1024xf32>
    %add3A_62 = arith.addf %add3A_58, %reduce_sum3A_61 : vector<1024xf32>
    %mul3A_63 = arith.mulf %add3A_44, %add3A_44 : vector<1024x16xf32>
    %reduce_sum3A_64 = arith.constant dense<0.000000e+00> : vector<1024xf32>
    %reduce_sum3A_65 = vector.multi_reduction <add>, %mul3A_63, %reduce_sum3A_64 [1] : vector<1024x16xf32> to vector<1024xf32>
    %add3A_66 = arith.addf %add3A_62, %reduce_sum3A_65 : vector<1024xf32>
    %mul3A_67 = arith.mulf %add3A_52, %add3A_52 : vector<1024x16xf32>
    %reduce_sum3A_68 = arith.constant dense<0.000000e+00> : vector<1024xf32>
    %reduce_sum3A_69 = vector.multi_reduction <add>, %mul3A_67, %reduce_sum3A_68 [1] : vector<1024x16xf32> to vector<1024xf32>
    %sub3A = arith.subf %reduce_sum3A_69, %add3A_66 : vector<1024xf32>
    %mul3A_70 = arith.constant 5.000000e-01 : f32
    %mul3A_71 = vector.broadcast %mul3A_70 : f32 to vector<1024xf32>
    %mul3A_72 = arith.mulf %mul3A_71, %sub3A : vector<1024xf32>
    %get3A_73 = arith.constant 0 : index
    %get3A_74 = arith.constant 0 : index
    %get3A_75 = vector.load %arg11[%get3A_73, %get3A_74] : memref<464x32xf32, #tpu.memory_space<vmem>>, vector<464x32xf32>
    %slice3A = vector.extract_strided_slice %get3A_75 {offsets = [0, 0], sizes = [416, 32], strides = [1, 1]} : vector<464x32xf32> to vector<416x32xf32>
    %dot_general3A_76 = arith.constant dense<0.000000e+00> : vector<1024x32xf32>
    %dot_general3A_77 = tpu.matmul %mul3A, %slice3A, %dot_general3A_76 {dimension_numbers = #tpu.dot_dimension_numbers<[1], [0], [0], [1], [0, 0, 1, 1], [], []>, transpose_lhs_hint = false} : vector<1024x416xf32>, vector<416x32xf32>, vector<1024x32xf32> -> vector<1024x32xf32>
    %slice3A_78 = vector.extract_strided_slice %get3A_75 {offsets = [416, 0], sizes = [16, 32], strides = [1, 1]} : vector<464x32xf32> to vector<16x32xf32>
    %dot_general3A_79 = arith.constant dense<0.000000e+00> : vector<1024x32xf32>
    %dot_general3A_80 = tpu.matmul %mul3A_19, %slice3A_78, %dot_general3A_79 {dimension_numbers = #tpu.dot_dimension_numbers<[1], [0], [0], [1], [0, 0, 1, 1], [], []>, transpose_lhs_hint = false} : vector<1024x16xf32>, vector<16x32xf32>, vector<1024x32xf32> -> vector<1024x32xf32>
    %add3A_81 = arith.addf %dot_general3A_77, %dot_general3A_80 : vector<1024x32xf32>
    %slice3A_82 = vector.extract_strided_slice %get3A_75 {offsets = [432, 0], sizes = [16, 32], strides = [1, 1]} : vector<464x32xf32> to vector<16x32xf32>
    %dot_general3A_83 = arith.constant dense<0.000000e+00> : vector<1024x32xf32>
    %dot_general3A_84 = tpu.matmul %add3A_31, %slice3A_82, %dot_general3A_83 {dimension_numbers = #tpu.dot_dimension_numbers<[1], [0], [0], [1], [0, 0, 1, 1], [], []>, transpose_lhs_hint = false} : vector<1024x16xf32>, vector<16x32xf32>, vector<1024x32xf32> -> vector<1024x32xf32>
    %add3A_85 = arith.addf %add3A_81, %dot_general3A_84 : vector<1024x32xf32>
    %slice3A_86 = vector.extract_strided_slice %get3A_75 {offsets = [448, 0], sizes = [16, 32], strides = [1, 1]} : vector<464x32xf32> to vector<16x32xf32>
    %dot_general3A_87 = arith.constant dense<0.000000e+00> : vector<1024x32xf32>
    %dot_general3A_88 = tpu.matmul %add3A_44, %slice3A_86, %dot_general3A_87 {dimension_numbers = #tpu.dot_dimension_numbers<[1], [0], [0], [1], [0, 0, 1, 1], [], []>, transpose_lhs_hint = false} : vector<1024x16xf32>, vector<16x32xf32>, vector<1024x32xf32> -> vector<1024x32xf32>
    %add3A_89 = arith.addf %add3A_85, %dot_general3A_88 : vector<1024x32xf32>
    %get3A_90 = arith.constant 0 : index
    %get3A_91 = arith.constant 0 : index
    %get3A_92 = vector.load %arg12[%get3A_90, %get3A_91] : memref<1x32xf32, #tpu.memory_space<vmem>>, vector<1x32xf32>
    %add3A_93 = vector.broadcast %get3A_92 : vector<1x32xf32> to vector<1024x32xf32>
    %add3A_94 = arith.addf %add3A_89, %add3A_93 : vector<1024x32xf32>
    %max3A = arith.constant 0.000000e+00 : f32
    %max3A_95 = vector.broadcast %max3A : f32 to vector<1024x32xf32>
    %max3A_96 = arith.maximumf %add3A_94, %max3A_95 : vector<1024x32xf32>
    %get3A_97 = arith.constant 0 : index
    %get3A_98 = arith.constant 0 : index
    %get3A_99 = vector.load %arg13[%get3A_97, %get3A_98] : memref<32x32xf32, #tpu.memory_space<vmem>>, vector<32x32xf32>
    %dot_general3A_100 = arith.constant dense<0.000000e+00> : vector<1024x32xf32>
    %dot_general3A_101 = tpu.matmul %max3A_96, %get3A_99, %dot_general3A_100 {dimension_numbers = #tpu.dot_dimension_numbers<[1], [0], [0], [1], [0, 0, 1, 1], [], []>, transpose_lhs_hint = false} : vector<1024x32xf32>, vector<32x32xf32>, vector<1024x32xf32> -> vector<1024x32xf32>
    %get3A_102 = arith.constant 0 : index
    %get3A_103 = arith.constant 0 : index
    %get3A_104 = vector.load %arg14[%get3A_102, %get3A_103] : memref<1x32xf32, #tpu.memory_space<vmem>>, vector<1x32xf32>
    %add3A_105 = vector.broadcast %get3A_104 : vector<1x32xf32> to vector<1024x32xf32>
    %add3A_106 = arith.addf %dot_general3A_101, %add3A_105 : vector<1024x32xf32>
    %max3A_107 = arith.constant 0.000000e+00 : f32
    %max3A_108 = vector.broadcast %max3A_107 : f32 to vector<1024x32xf32>
    %max3A_109 = arith.maximumf %add3A_106, %max3A_108 : vector<1024x32xf32>
    %get3A_110 = arith.constant 0 : index
    %get3A_111 = arith.constant 0 : index
    %get3A_112 = vector.load %arg2[%get3A_110, %get3A_111] : memref<1024x26xf32, #tpu.memory_space<vmem>>, vector<1024x26xf32>
    %mul3A_113 = arith.mulf %get3A_112, %get3A_4 : vector<1024x26xf32>
    %reduce_sum3A_114 = arith.constant dense<0.000000e+00> : vector<1024xf32>
    %reduce_sum3A_115 = vector.multi_reduction <add>, %mul3A_113, %reduce_sum3A_114 [1] : vector<1024x26xf32> to vector<1024xf32>
    %get3A_116 = arith.constant 0 : index
    %get3A_117 = arith.constant 0 : index
    %get3A_118 = vector.load %arg15[%get3A_116, %get3A_117] : memref<1x1xf32, #tpu.memory_space<vmem>>, vector<1x1xf32>
    %get3A_119 = vector.extract %get3A_118[0, 0] : f32 from vector<1x1xf32>
    %add3A_120 = vector.broadcast %get3A_119 : f32 to vector<1024xf32>
    %add3A_121 = arith.addf %add3A_120, %reduce_sum3A_115 : vector<1024xf32>
    %add3A_122 = arith.addf %add3A_121, %mul3A_72 : vector<1024xf32>
    %reduce_sum3A_123 = arith.constant dense<0.000000e+00> : vector<1024xf32>
    %reduce_sum3A_124 = vector.multi_reduction <add>, %max3A_109, %reduce_sum3A_123 [1] : vector<1024x32xf32> to vector<1024xf32>
    %add3A_125 = arith.addf %add3A_122, %reduce_sum3A_124 : vector<1024xf32>
    %broadcast_in_dim3A = vector.shape_cast %add3A_125 : vector<1024xf32> to vector<1024x1xf32>
    %swap3A = arith.constant 0 : index
    %swap3A_126 = arith.constant 0 : index
    %swap3A_127 = vector.load %arg19[%swap3A, %swap3A_126] : memref<1024x1xf32, #tpu.memory_space<vmem>>, vector<1024x1xf32>
    tpu.vector_store %arg19[%swap3A, %swap3A_126], %broadcast_in_dim3A {strides = array<i32>} : memref<1024x1xf32, #tpu.memory_space<vmem>>, vector<1024x1xf32>,
    return
  }
  func.func @transform_0(%arg0: i32) -> (i32, i32) {
    %c0_i32 = arith.constant 0 : i32
    %c0_i32_0 = arith.constant 0 : i32
    return %arg0, %c0_i32 : i32, i32
  }
  func.func @transform_1(%arg0: i32) -> (i32, i32) {
    %c0_i32 = arith.constant 0 : i32
    %c0_i32_0 = arith.constant 0 : i32
    return %arg0, %c0_i32 : i32, i32
  }
  func.func @transform_2(%arg0: i32) -> (i32, i32) {
    %c0_i32 = arith.constant 0 : i32
    %c0_i32_0 = arith.constant 0 : i32
    return %arg0, %c0_i32 : i32, i32
  }
  func.func @transform_3(%arg0: i32) -> (i32, i32) {
    %c0_i32 = arith.constant 0 : i32
    %c0_i32_0 = arith.constant 0 : i32
    return %arg0, %c0_i32 : i32, i32
  }
  func.func @transform_4(%arg0: i32) -> (i32, i32) {
    %c0_i32 = arith.constant 0 : i32
    %c0_i32_0 = arith.constant 0 : i32
    return %arg0, %c0_i32 : i32, i32
  }
  func.func @transform_5(%arg0: i32) -> (i32, i32) {
    %c0_i32 = arith.constant 0 : i32
    %c0_i32_0 = arith.constant 0 : i32
    return %arg0, %c0_i32 : i32, i32
  }
  func.func @transform_6(%arg0: i32) -> (i32, i32) {
    %c0_i32 = arith.constant 0 : i32
    %c0_i32_0 = arith.constant 0 : i32
    %c0_i32_1 = arith.constant 0 : i32
    return %c0_i32, %c0_i32_0 : i32, i32
  }
  func.func @transform_7(%arg0: i32) -> (i32, i32) {
    %c0_i32 = arith.constant 0 : i32
    %c0_i32_0 = arith.constant 0 : i32
    %c0_i32_1 = arith.constant 0 : i32
    return %c0_i32, %c0_i32_0 : i32, i32
  }
  func.func @transform_8(%arg0: i32) -> (i32, i32) {
    %c0_i32 = arith.constant 0 : i32
    %c0_i32_0 = arith.constant 0 : i32
    %c0_i32_1 = arith.constant 0 : i32
    return %c0_i32, %c0_i32_0 : i32, i32
  }
  func.func @transform_9(%arg0: i32) -> (i32, i32) {
    %c0_i32 = arith.constant 0 : i32
    %c0_i32_0 = arith.constant 0 : i32
    %c0_i32_1 = arith.constant 0 : i32
    return %c0_i32, %c0_i32_0 : i32, i32
  }
  func.func @transform_10(%arg0: i32) -> (i32, i32) {
    %c0_i32 = arith.constant 0 : i32
    %c0_i32_0 = arith.constant 0 : i32
    %c0_i32_1 = arith.constant 0 : i32
    return %c0_i32, %c0_i32_0 : i32, i32
  }
  func.func @transform_11(%arg0: i32) -> (i32, i32) {
    %c0_i32 = arith.constant 0 : i32
    %c0_i32_0 = arith.constant 0 : i32
    %c0_i32_1 = arith.constant 0 : i32
    return %c0_i32, %c0_i32_0 : i32, i32
  }
  func.func @transform_12(%arg0: i32) -> (i32, i32) {
    %c0_i32 = arith.constant 0 : i32
    %c0_i32_0 = arith.constant 0 : i32
    %c0_i32_1 = arith.constant 0 : i32
    return %c0_i32, %c0_i32_0 : i32, i32
  }
  func.func @transform_13(%arg0: i32) -> (i32, i32) {
    %c0_i32 = arith.constant 0 : i32
    %c0_i32_0 = arith.constant 0 : i32
    %c0_i32_1 = arith.constant 0 : i32
    return %c0_i32, %c0_i32_0 : i32, i32
  }
  func.func @transform_14(%arg0: i32) -> (i32, i32) {
    %c0_i32 = arith.constant 0 : i32
    %c0_i32_0 = arith.constant 0 : i32
    %c0_i32_1 = arith.constant 0 : i32
    return %c0_i32, %c0_i32_0 : i32, i32
  }
  func.func @transform_15(%arg0: i32) -> (i32, i32) {
    %c0_i32 = arith.constant 0 : i32
    %c0_i32_0 = arith.constant 0 : i32
    %c0_i32_1 = arith.constant 0 : i32
    return %c0_i32, %c0_i32_0 : i32, i32
  }
  func.func @transform_16(%arg0: i32) -> (i32, i32) {
    %c0_i32 = arith.constant 0 : i32
    %c0_i32_0 = arith.constant 0 : i32
    %c0_i32_1 = arith.constant 0 : i32
    return %c0_i32, %c0_i32_0 : i32, i32
  }
  func.func @transform_17(%arg0: i32) -> (i32, i32) {
    %c0_i32 = arith.constant 0 : i32
    %c0_i32_0 = arith.constant 0 : i32
    %c0_i32_1 = arith.constant 0 : i32
    return %c0_i32, %c0_i32_0 : i32, i32
  }
  func.func @transform_18(%arg0: i32) -> (i32, i32) {
    %c0_i32 = arith.constant 0 : i32
    %c0_i32_0 = arith.constant 0 : i32
    return %arg0, %c0_i32 : i32, i32
  }
}

</mosaic_0001>

<sc_bundles>
// kernel: kernel.10.cloned.1.call-start
scs
__scs_entry_jumppad:
0x0: {  	(pc) =	sbr.rel $0x88, $3  }
0x1: {  	(tag) =	ssettag $0x0;
	lr =	simm.s32 $0x1  }
0x2: {  	[smem:$0x3F90] =	sst lr;
	_ =	strace $0xD0000000  }
0x3: {  	_ = 	snop  }
0x4: {  	_ = 	snop  }
0x5: {  	_ = 	snop  }
0x6: {  	_ = 	snop  }
0x7: {  	_ = 	snop  }
__scs_overlays_trampoline_lowered:
0x8: {  	[smem:$0x3F9F] =	sst s0  }
0x9: {  	[smem:$0x3FA0] =	sst s1  }
0xa: {  	[smem:$0x3FA1] =	sst s2  }
0xb: {  	[smem:$0x3FA2] =	sst s3  }
0xc: {  	[smem:$0x3FA3] =	sst s4  }
0xd: {  	[smem:$0x3FA4] =	sst s5  }
0xe: {  	[smem:$0x3FA5] =	sst s6  }
0xf: {  	[smem:$0x3FA6] =	sst s7  }
0x10: {  	[smem:$0x3FA7] =	sst s8  }
0x11: {  	[smem:$0x3FA8] =	sst s9;
	s0 =	simm.s32 @!p0 $0x0  }
0x12: {  	s1 =	sld [smem:$0x3F8E];
	s0 =	simm.s32 @p0 $0x1  }
0x13: {  	[smem:$0x3FA9] =	sst s0;
	s0 =	simm.s32 @!p1 $0x0  }
0x14: {  	s2 =	sld [smem:$0x3F8D];
	s0 =	simm.s32 @p1 $0x1  }
0x15: {  	[smem:$0x3FAA] =	sst s0;
	s0 =	simm.s32 @!p2 $0x0  }
0x16: {  	s3 =	sld [smem:$0x3FDB];
	s0 =	simm.s32 @p2 $0x1  }
0x17: {  	s4 =	simm.s32 $0x1BF5;
	[smem:$0x3FAC] =	sst s0  }
0x18: {  	s0 =	sld [smem:$0x3F8F];
	_ =	swait.ge [sflag:s4], $0x0  }
0x19: {  	s7 =	sld [smem:$0x3F90]  }
0x1a: {  	s8 =	sadd.s32 $0xFFFFE003, lr  }
0x1b: {  	s9 =	sadd.s32 $0xFFFFFEF7, lr;
	s5 =	simm.s32 $0xFFFFFFFF;
	p2 =	slt.u32 s8, $0xFFFFF086  }
0x1c: {  	p1 =	slt.u32 s9, $0xF7A;
	s5 =	simm.s32 @!p2 $0x0  }
0x1d: {  	s5 =	simm.s32 @p1 $0x1;
	p0 =	seq.s32 s7, s2  }
0x1e: {  	s7 =	smul.u32 @!p0 $0xF7A, s2;
	p2 =	seq.s32 @!p0 s5, $0x0  }
0x1f: {  	s9 =	smul.u32 $0xF7A, s1;
	s8 =	simm.s32 @!p0 $0x1BF5;
	p2 =	por !p2, p0  }
0x20: {  	[sflag:s8] =	ssyncset.s32 @!p0 $0xFFFFF086;
	s6 =	sadd.s32 @!p0 s3, s7;
	s7 =	simm.s32 @!p0 $0x108  }
0x21: {  	s3 =	sadd.s32 s3, s9;
	s6 =	sadd.s32 @!p0 $0x88, s6;
	s7 =	simm.s32 @p2 $0x1082  }
0x22: {  	[simem:s7], [sflag:s8] =	dma.local @!p0 [hbm:s6], $0xF7A  }
0x23: {  	s9 =	sor.u32 $0xD0000000, s2;
	s6 =	simm.s32 $0x108;
	_ =	swait.ge @!p0 [sflag:s8], $0x0  }
0x24: {  	s3 =	sadd.s32 $0x88, s3;
	s6 =	simm.s32 @!p1 $0x1082;
	[sflag:s4] =	ssyncset.s32 $0xFFFFF086  }
0x25: {  	[simem:s6], [sflag:s4] =	dma.local [hbm:s3], $0xF7A  }
0x26: {  	[smem:$0x3F90] =	sst s1;
	(tag) =	ssettag s2;
	_ =	strace s9  }
0x27: {  	s1 =	sld [smem:$0x3FA0]  }
0x28: {  	s2 =	sld [smem:$0x3FA1]  }
0x29: {  	s4 =	sld [smem:$0x3FA3]  }
0x2a: {  	p0 =	seq.s32 s5, $0x0;
	s5 =	sld [smem:$0x3FA4]  }
0x2b: {  	s6 =	sld [smem:$0x3FA5]  }
0x2c: {  	s7 =	sld [smem:$0x3FA6]  }
0x2d: {  	s3 =	simm.s32 $0x108;
	s8 =	sld [smem:$0x3FA7]  }
0x2e: {  	s3 =	simm.s32 @!p0 $0x1082;
	s9 =	sld [smem:$0x3FA8]  }
0x2f: {  	lr =	sadd.s32 s0, s3;
	s0 =	sld [smem:$0x3F9F]  }
0x30: {  	s3 =	sld [smem:$0x3FA2]  }
0x31: {  	[smem:$0x3FAB] =	sst s10  }
0x32: {  	s10 =	sld [smem:$0x3FA9];
	_ =	sdelay $0x3  }
0x33: {  	p0 =	seq.s32 s10, $0x1;
	s10 =	sld [smem:$0x3FAB];
	_ =	sdelay $0x3  }
0x34: {  	[smem:$0x3FAB] =	sst s10  }
0x35: {  	s10 =	sld [smem:$0x3FAA];
	_ =	sdelay $0x3  }
0x36: {  	p1 =	seq.s32 s10, $0x1;
	s10 =	sld [smem:$0x3FAB];
	_ =	sdelay $0x3  }
0x37: {  	[smem:$0x3FAB] =	sst s10  }
0x38: {  	s10 =	sld [smem:$0x3FAC]  }
0x39: {  	_ = 	snop;
	(pc) =	sbr.ind lr, $3  }
0x3a: {  	_ = 	snop  }
0x3b: {  	_ = 	snop  }
0x3c: {  	p2 =	seq.s32 s10, $0x1;
	s10 =	sld [smem:$0x3FAB]  }
0x3d: {  	_ =	shalt  }
0x3e: {  	_ =	shalt  }
0x3f: {  	_ =	shalt  }
0x40: {  	_ =	shalt  }
0x41: {  	_ =	shalt  }
0x42: {  	_ =	shalt  }
0x43: {  	_ =	shalt  }
0x44: {  	_ =	shalt  }
0x45: {  	_ =	shalt  }
0x46: {  	_ =	shalt  }
0x47: {  	_ =	shalt  }
0x48: {  	_ =	shalt  }
0x49: {  	_ =	shalt  }
0x4a: {  	_ =	shalt  }
0x4b: {  	_ =	shalt  }
0x4c: {  	_ =	shalt  }
0x4d: {  	_ =	shalt  }
0x4e: {  	_ =	shalt  }
0x4f: {  	_ =	shalt  }
0x50: {  	_ =	shalt  }
0x51: {  	_ =	shalt  }
0x52: {  	_ =	shalt  }
0x53: {  	_ =	shalt  }
0x54: {  	_ =	shalt  }
0x55: {  	_ =	shalt  }
0x56: {  	_ =	shalt  }
0x57: {  	_ =	shalt  }
0x58: {  	_ =	shalt  }
0x59: {  	_ =	shalt  }
0x5a: {  	_ =	shalt  }
0x5b: {  	_ =	shalt  }
0x5c: {  	_ =	shalt  }
0x5d: {  	_ =	shalt  }
0x5e: {  	_ =	shalt  }
0x5f: {  	_ =	shalt  }
0x60: {  	_ =	shalt  }
0x61: {  	_ =	shalt  }
0x62: {  	_ =	shalt  }
0x63: {  	_ =	shalt  }
0x64: {  	_ =	shalt  }
0x65: {  	_ =	shalt  }
0x66: {  	_ =	shalt  }
0x67: {  	_ =	shalt  }
0x68: {  	_ =	shalt  }
0x69: {  	_ =	shalt  }
0x6a: {  	_ =	shalt  }
0x6b: {  	_ =	shalt  }
0x6c: {  	_ =	shalt  }
0x6d: {  	_ =	shalt  }
0x6e: {  	_ =	shalt  }
0x6f: {  	_ =	shalt  }
0x70: {  	_ =	shalt  }
0x71: {  	_ =	shalt  }
0x72: {  	_ =	shalt  }
0x73: {  	_ =	shalt  }
0x74: {  	_ =	shalt  }
0x75: {  	_ =	shalt  }
0x76: {  	_ =	shalt  }
0x77: {  	_ =	shalt  }
0x78: {  	_ =	shalt  }
0x79: {  	_ =	shalt  }
0x7a: {  	_ =	shalt  }
0x7b: {  	_ =	shalt  }
0x7c: {  	_ =	shalt  }
0x7d: {  	_ =	shalt  }
0x7e: {  	_ =	shalt  }
0x7f: {  	_ =	shalt  }
0x80: {  	_ =	shalt  }
0x81: {  	_ =	shalt  }
0x82: {  	_ =	shalt  }
0x83: {  	_ =	shalt  }
0x84: {  	_ =	shalt  }
0x85: {  	_ =	shalt  }
0x86: {  	_ =	shalt  }
0x87: {  	_ =	shalt  }
.Lfunc_end0:
.L_simem_size_0:
called_computation.1_lowered:
.L_overlay_start_0:
0x88: {  	s2 =	sld [smem:$0x3FD9]  }
0x89: {  	s3 =	sld [smem:$0x3FFE];
	_ =	sdelay $0x1  }
0x8a: {  	s1 =	srdreg.scid  }
0x8b: {  	s0 =	sand.u32 $0x1, s1  }
0x8c: {  	s16 =	sshll.u32 s0, $0xA;
	s2 =	sadd.s32 s3, s2  }
0x8d: {  	s2 =	sadd.s32 s2, s16  }
0x8e: {  	[smem:$0x3FB7] =	sst s2  }
0x8f: {  	_ = 	snop  }
0x90: {  	(tm) =	ssettm $0x1  }
0x91: {  	s17 =	sld [smem:$0x3FFB];
	_ =	sdelay $0x3  }
0x92: {  	_ =	strace s17  }
0x93: {  	s2 =	sld [smem:$0x3FFC];
	_ =	sdelay $0x3  }
0x94: {  	_ =	strace s2  }
0x95: {  	s2 =	sld [smem:$0x3FFD];
	_ =	sdelay $0x3  }
0x96: {  	_ =	strace s2  }
0x97: {  	_ =	strace $0x8FFFFFFF  }
0x98: {  	s18 =	sld [smem:$0x3FDB];
	_ =	sdelay $0x1  }
0x99: {  	s19 =	simm.s32 $_scs_section_size  }
0x9a: {  	s4 =	simm.s32 $_size__tile_overlayer_lowered;
	s5 =	simm.s32 $_tile_overlayer_lowered  }
0x9b: {  	s22 =	simm.s32 $0x1BFF;
	s21 =	sshll.u32 s5, $0x1;
	s2 =	sadd.s32 s19, s18  }
0x9c: {  	s6 =	simm.s32 $0x0;
	s20 =	sshll.u32 s4, $0x1;
	s4 =	sadd.s32 s21, s2  }
0x9d: {  	[timem:s6], [sflag:s22] =	dma.local [hbm:s4], s20  }
0x9e: {  	_ =	swait.ge [sflag:s22], s20  }
0x9f: {  	s3 =	ssub.s32 $0x0, s20;
	[sflag:s22] =	ssyncset.done $0x0  }
0xa0: {  	[sflag:s22] =	ssyncadd.s32 s3;
	_ =	sdelay $0x1  }
0xa1: {  	s23 =	simm.s32 $0x1B8B  }
0xa2: {  	_ =	swait.ge [sflag:s23], $0x1  }
0xa3: {  	[sflag:s23] =	ssyncset.done $0x0  }
0xa4: {  	s25 =	simm.s32 $0x1B8E;
	s24 =	sld [smem:$0x3FFE];
	[sflag:s23] =	ssyncadd.s32 $0xFFFFFFFF  }
0xa5: {  	s26 =	simm.s32 $execute0_lowered;
	[smem:$0x3FD2] =	sst s25  }
0xa6: {  	s4 =	sshll.u32 s26, $0x1;
	_ =	strace $0x80000046;
	[dreg:$0x1] =	wrdreg $0xFFFFFFFF  }
0xa7: {  	s28 =	simm.s32 $_size_execute0_lowered;
	s2 =	sadd.s32 s2, s4;
	[dreg:$0x0] =	wrdreg $0x0  }
0xa8: {  	s4 =	sshll.u32 s28, $0x1;
	[dreg:$0x2] =	wrdreg s2  }
0xa9: {  	[dreg:$0x3] =	wrdreg s4  }
0xaa: {  	[dreg:$0x4] =	wrdreg $0xC0  }
0xab: {  	_ =	task [dreg:s6], $0x5FFFF  }
0xac: {  	[dreg:$0x1] =	wrdreg $0xFFFFFFFF  }
0xad: {  	[dreg:$0x0] =	wrdreg $0x60  }
0xae: {  	[dreg:$0x2] =	wrdreg s24  }
0xaf: {  	[dreg:$0x3] =	wrdreg $0xA  }
0xb0: {  	_ =	task.clear_ibuf [dreg:s6], $0x4FFFF;
	_ =	strace $0x90000046  }
0xb1: {  	s29 =	simm.s32 $0xA;
	_ =	strace $0x8000004F  }
0xb2: {  	_ =	swait.ge [sflag:s29], $0x1  }
0xb3: {  	[sflag:s29] =	ssyncadd.s32 $0xFFFFFFFF  }
0xb4: {  	_ =	strace $0x9000004F  }
0xb5: {  	_ =	sfence  }
0xb6: {  	s30 =	sld [smem:$0x0];
	_ =	sdelay $0x2  }
0xb7: {  	s31 =	sshll.u32 s1, $0xD;
	s1 =	sshrl.u32 s1, $0x2  }
0xb8: {  	s3 =	sand.u32 $0x4000, s31;
	s1 =	sadd.s32 s1, s30  }
0xb9: {  	s0 =	sor.u32 s3, s0;
	s1 =	sshll.u32 s1, $0x11  }
0xba: {  	s0 =	sor.u32 s1, s0  }
0xbb: {  	s0 =	sadd.s32 $0x8F2B, s0  }
0xbc: {  	[sflag:s0] =	ssyncadd.remote.s32 $0x1  }
0xbd: {  	_ =	sfence.sel $0xFFFF  }
0xbe: {  	[dreg:$0x0] =	wrdreg $0xFFFFFFFF;
	(pc) =	sbr.abs _section_cstart, $3  }
0xbf: {  	[dreg:$0x1] =	wrdreg $0xFFFFFFFF  }
0xc0: {  	_ =	task.clear_ibuf [dreg:s6], $0x2FFFF;
	_ =	strace $0x9FFFFFFF  }
0xc1: {  	(tm) =	ssettm $0x7FFFFFFF  }
tec
execute0_lowered:
.L_overlay_start_1:
0x0: {  	(tag) =	ssettag $0x1  }
0x1: {  	s0 =	srdreg.scid  }
0x2: {  	s5 =	rddreg [dreg:$0x0];
	s1 =	stileid.u32;
	s2 =	simm.s32 $0x0  }
0x3: {  	s10 =	simm.s32 $0x800;
	s7 =	sand.u32 $0x1, s0;
	s0 =	rddreg [dreg:$0x1]  }
0x4: {  	s11 =	simm.s32 $0x0;
	[smem:$0x7FF] =	sst s2;
	s3 =	sshll.u32 s7, $0x4  }
0x5: {  	s6 =	sadd.s32 $0x1F800, s5;
	_ =	strace $0x80000047;
	s3 =	sor.u32 s1, s3  }
0x6: {  	[dreg:$0x2] =	wrdreg s6;
	p0 =	seq.s32 s7, $0x0;
	s4 =	smul.u32 $0x6, s3  }
0x7: {  	s29 =	ssub.s32 $0x2, s7;
	[dreg:$0x3] =	wrdreg s10;
	s8 =	smul.u32 $0x7, s3  }
0x8: {  	s10 =	simm.s32 $0x5;
	s30 =	sshrl.u32 s29, $0x1;
	s3 =	sadd.s32 $0x10, s4  }
0x9: {  	s4 =	sadd.s32 $0x12800, s5;
	s5 =	sadd.s32 $0x65F800, s5;
	s3 =	smov.u32 @p0 s8  }
0xa: {  	[dreg:$0x4] =	wrdreg s5;
	s8 =	ssub.s32 s29, s30;
	s9 =	sshll.u32 s3, $0x8  }
0xb: {  	s5 =	sxor.u32 $0x7, s7;
	s7 =	ssub.s32 $0x6, s7;
	s31 =	sand.u32 $0x1FFFFF00, s9  }
0xc: {  	s8 =	smax.u32 s8, $0x1;
	s9 =	simm.s32 $0x1;
	s6 =	sadd.s32 s4, s31  }
.LBB2_1:
0xd: {  	_ =	strace $0x80000048;
	p2 =	sne.s32 s5, $0x1  }
.Ltmp0:
0xe: {  	p0 =	seq.s32 s5, $0x1;
	s13 =	simm.s32 $0x1;
	(pc) =	sbr.rel @!p2 .LBB2_2-.Ltmp0, $4  }
0xf: {  	[tilespmem:s2], [sflag:$0x1] =	stream.linear.gather [hbm4b:s6+s2], $0x800, $0x200038;
	[tilespmem:$0x11000] =	vst v63  }
0x10: {  	s12 =	simm.s32 $0x1;
	p1 =	por $0x1, $0x1;
	s13 =	simm.s32 @p0 $0x0  }
0x11: {  	p6 =	sgt.u32 s7, $0x0;
	p4 =	por p1, p1;
	p3 =	sne.s32 s13, $0x0  }
0x12: {  	_ =	strace $0x90000048;
	p5 =	por !p6, !p3;
	p6 =	por $0x0, $0x0  }
0x13: {  	p2 =	por !p5, !p5  }
0x14: {  	s21 =	sand.u32 $0x1, s2;
	s19 =	simm.s32 $0x2;
	s14 =	sadd.s32 @p2 s3, s13  }
0x15: {  	p1 =	por p3, p3;
	s15 =	sand.u32 @p2 $0x1, s9;
	s14 =	sshll.u32 @p2 s14, $0x8  }
0x16: {  	_ =	strace @p2 $0x80000049;
	s17 =	simm.s32 @p2 $0x0;
	s14 =	sand.u32 @p2 $0x1FFFFF00, s14  }
0x17: {  	s16 =	sshll.u32 @p2 s15, $0xB;
	s15 =	sadd.s32 @p2 $0x1, s15;
	s14 =	sadd.s32 @p2 s4, s14  }
0x18: {  	[tilespmem:s16], [sflag:s15] =	stream.linear.gather @p2 [hbm4b:s14+s17], $0x800, $0x200038;
	[tilespmem:$0x11000] =	vst v63  }
0x19: {  	s30 =	simm.s32 $0x0;
	p6 =	por $0x0, $0x0;
	_ =	strace @p2 $0x90000049  }
0x1a: {  	p0 =	sne.s32 s5, $0x2;
	s29 =	sadd.s32 $0x1, s21;
	_ =	strace $0x8000004A  }
0x1b: {  	s24 =	sadd.s32 $0x0, s3;
	p5 =	sgt.u32 s7, $0x1;
	_ =	swait.ge [sflag:s29], $0x800  }
0x1c: {  	s23 =	simm.s32 $0x1;
	s22 =	sshll.u32 s21, $0xF;
	[sflag:s29] =	ssyncset.done $0x0  }
0x1d: {  	s22 =	sor.u32 $0x1000, s22;
	s16 =	sand.u32 @!p4 $0x1, s2;
	[sflag:s29] =	ssyncadd.s32 $0xFFFFF800  }
0x1e: {  	s15 =	simm.s32 $0x1;
	s17 =	sadd.s32 $0x1, s13;
	_ =	strace $0x9000004A  }
0x1f: {  	s14 =	sand.u32 $0x800, s30;
	s15 =	simm.s32 @!p2 $0x0;
	_ =	strace $0x8000004B  }
0x20: {  	p2 =	por p4, p4;
	p4 =	por p6, p6;
	s20 =	rddreg [dreg:$0x3]  }
0x21: {  	p3 =	seq.s32 s17, s5;
	p6 =	seq.s32 s7, $0x0;
	s31 =	rddreg [dreg:$0x2]  }
0x22: {  	[tilespmem:s22], [sflag:$0x5] =	stream.indirect.gather [hbm4b:s31+s20], $0x10, s14, s20, $0x2000b8;
	[tilespmem:$0x11000] =	vst v63  }
.Ltmp1:
0x23: {  	s18 =	sadd.s32 $0x1, s15;
	s17 =	simm.s32 @p3 $0x0;
	(pc) =	sbr.rel @!p0 .LBB2_4-.Ltmp1, $4  }
0x24: {  	p1 =	por p6, p1;
	p6 =	por $0x0, $0x0;
	_ =	swait.ge [sflag:s10], $0x8000  }
0x25: {  	s15 =	simm.s32 $0x0;
	p3 =	sne.s32 s13, s17;
	[sflag:s10] =	ssyncset.done $0x0  }
0x26: {  	s23 =	simm.s32 @!p6 $0x0;
	p5 =	por !p5, !p3;
	[sflag:s10] =	ssyncadd.s32 $0xFFFF8000  }
0x27: {  	s14 =	simm.s32 $0x0;
	s20 =	simm.s32 $0x0;
	_ =	strace $0x9000004B  }
.LBB2_5:
0x28: {  	_ =	strace @p1 $0x8000004C;
	s14 =	sadd.s32 s23, s14;
	s23 =	smov.u32 s12  }
0x29: {  	s12 =	smov.u32 s19;
	s19 =	sadd.s32 $0x1, s19;
	p0 =	por p3, p3  }
0x2a: {  	s29 =	sshll.u32 @p1 s24, $0xC;
	s21 =	sadd.s32 @p1 $0x3, s21;
	s25 =	simm.s32 @!p0 $0x0  }
0x2b: {  	s26 =	rddreg [dreg:$0x4];
	s29 =	sand.u32 @p1 $0x1FFFF000, s29;
	s25 =	simm.s32 @p0 $0x1  }
0x2c: {  	s26 =	sadd.s32 @p1 s26, s29;
	s29 =	simm.s32 @p1 $0x0;
	p0 =	sne.s32 s5, s19  }
0x2d: {  	[hbm4b:s26+s29] =	stream.linear.scatter @p1 [tilespmem:s22], [sflag:s21], $0x8000, $0x200038;
	[tilespmem:$0x11000] =	vst v63  }
0x2e: {  	s21 =	sadd.s32 @!p2 $0x3, s16;
	s16 =	simm.s32 @!p0 $0x0  }
0x2f: {  	s28 =	simm.s32 $0x1;
	[smem:$0x7FC] =	sst s25;
	s16 =	simm.s32 @p0 $0x1  }
0x30: {  	s28 =	simm.s32 @!p1 $0x0;
	_ =	strace @p1 $0x9000004C;
	[smem:$0x7FD] =	sst s16  }
0x31: {  	s20 =	sadd.s32 s28, s20;
	s25 =	sand.u32 @!p4 $0x1, s14;
	_ =	strace @!p2 $0x8000004D  }
0x32: {  	p1 =	por !p5, !p5;
	s16 =	smov.u32 s25;
	_ =	swait.ge @!p2 [sflag:s21], $0x8000  }
0x33: {  	s22 =	sand.u32 @p1 $0x1, s18;
	s25 =	sadd.s32 @p1 s3, s17;
	[sflag:s21] =	ssyncset.done @!p2 $0x0  }
0x34: {  	s26 =	sshll.u32 @p1 s22, $0xB;
	s25 =	sshll.u32 @p1 s25, $0x8;
	[sflag:s21] =	ssyncadd.s32 @!p2 $0xFFFF8000  }
0x35: {  	s21 =	sadd.s32 @p1 $0x1, s22;
	s22 =	sand.u32 @p1 $0x1FFFFF00, s25;
	_ =	strace @!p2 $0x9000004D  }
0x36: {  	s25 =	simm.s32 @p1 $0x0;
	s22 =	sadd.s32 @p1 s4, s22;
	_ =	strace @p1 $0x80000049  }
0x37: {  	[tilespmem:s26], [sflag:s21] =	stream.linear.gather @p1 [hbm4b:s22+s25], $0x800, $0x200038;
	[tilespmem:$0x11000] =	vst v63  }
0x38: {  	s15 =	sadd.s32 s28, s15;
	s28 =	sand.u32 $0x1, s20;
	_ =	strace @p1 $0x90000049  }
0x39: {  	s28 =	sadd.s32 $0x1, s28;
	_ =	strace $0x8000004A  }
0x3a: {  	_ =	swait.ge [sflag:s28], $0x800  }
0x3b: {  	[sflag:s28] =	ssyncset.done $0x0  }
0x3c: {  	s21 =	simm.s32 $0x1;
	[sflag:s28] =	ssyncadd.s32 $0xFFFFF800  }
0x3d: {  	s21 =	simm.s32 @!p1 $0x0;
	_ =	strace $0x9000004A  }
0x3e: {  	s18 =	sadd.s32 s21, s18;
	s21 =	sand.u32 $0x1, s15;
	_ =	strace $0x8000004B  }
0x3f: {  	s31 =	sshll.u32 s20, $0xB;
	s29 =	sshll.u32 s21, $0xF;
	s25 =	rddreg [dreg:$0x3]  }
0x40: {  	s31 =	sand.u32 $0x800, s31;
	s22 =	sor.u32 $0x1000, s29;
	s26 =	rddreg [dreg:$0x2]  }
0x41: {  	[tilespmem:s22], [sflag:$0x5] =	stream.indirect.gather [hbm4b:s26+s25], $0x10, s31, s25, $0x2000b8;
	[tilespmem:$0x11000] =	vst v63  }
0x42: {  	_ =	swait.ge [sflag:s10], $0x8000  }
0x43: {  	[sflag:s10] =	ssyncset.done $0x0  }
0x44: {  	[sflag:s10] =	ssyncadd.s32 $0xFFFF8000  }
0x45: {  	s30 =	sadd.s32 $0x1, s17;
	_ =	strace $0x9000004B  }
0x46: {  	s24 =	sadd.s32 s3, s13;
	s13 =	smov.u32 s17;
	s31 =	sld [smem:$0x7FD]  }
0x47: {  	p0 =	sne.s32 s23, $0x0;
	s17 =	smov.u32 s30;
	p1 =	seq.s32 s30, s5  }
0x48: {  	s17 =	simm.s32 @p1 $0x0;
	p1 =	seq.s32 s7, s23;
	s23 =	simm.s32 $0x1  }
0x49: {  	s23 =	simm.s32 @!p0 $0x0;
	p0 =	seq.s32 s31, $0x1  }
.Ltmp2:
0x4a: {  	s30 =	sld [smem:$0x7FC];
	(pc) =	sbr.rel @p0 .LBB2_5-.Ltmp2, $4  }
0x4b: {  	p3 =	seq.s32 s12, $0x0  }
0x4c: {  	p6 =	por p3, p3;
	p5 =	slt.u32 s12, s7  }
0x4d: {  	p2 =	por p4, p4;
	p3 =	sne.s32 s13, s17;
	p4 =	seq.s32 s30, $0x1  }
0x4e: {  	p5 =	por !p5, !p3;
	p1 =	por p1, p4;
	p4 =	por p6, p6  }
0x4f: {  	p6 =	por $0x1, $0x1  }
.LBB2_7:
0x50: {  	p0 =	por !p1, !p6  }
0x51: {  	s25 =	simm.s32 $0x1;
	_ =	strace @!p0 $0x8000004C;
	s24 =	sshll.u32 @!p0 s24, $0xC  }
0x52: {  	p2 =	por p2, !p6;
	s19 =	rddreg [dreg:$0x4];
	s24 =	sand.u32 @!p0 $0x1FFFF000, s24  }
0x53: {  	s21 =	sadd.s32 @!p0 $0x3, s21;
	s19 =	sadd.s32 @!p0 s19, s24;
	s24 =	simm.s32 @!p0 $0x0  }
0x54: {  	[hbm4b:s19+s24] =	stream.linear.scatter @!p0 [tilespmem:s22], [sflag:s21], $0x8000, $0x200038;
	[tilespmem:$0x11000] =	vst v63  }
0x55: {  	p1 =	por !p5, !p5;
	s25 =	simm.s32 @p0 $0x0;
	_ =	strace @!p0 $0x9000004C  }
0x56: {  	s16 =	sadd.s32 @!p2 $0x3, s16;
	s17 =	sadd.s32 @p1 s3, s17;
	_ =	strace @!p2 $0x8000004D  }
0x57: {  	s18 =	sand.u32 @p1 $0x1, s18;
	s17 =	sshll.u32 @p1 s17, $0x8;
	_ =	swait.ge @!p2 [sflag:s16], $0x8000  }
0x58: {  	s17 =	sand.u32 @p1 $0x1FFFFF00, s17;
	s19 =	sadd.s32 @p6 s25, s20;
	[sflag:s16] =	ssyncset.done @!p2 $0x0  }
0x59: {  	s20 =	simm.s32 $0x0;
	s17 =	sadd.s32 @p1 s4, s17;
	[sflag:s16] =	ssyncadd.s32 @!p2 $0xFFFF8000  }
0x5a: {  	s20 =	smov.u32 @p6 s19;
	s19 =	sshll.u32 @p1 s18, $0xB;
	_ =	strace @!p2 $0x9000004D  }
0x5b: {  	s16 =	sadd.s32 @p1 $0x1, s18;
	s18 =	simm.s32 @p1 $0x0;
	_ =	strace @p1 $0x80000049  }
0x5c: {  	[tilespmem:s19], [sflag:s16] =	stream.linear.gather @p1 [hbm4b:s17+s18], $0x800, $0x200038;
	[tilespmem:$0x11000] =	vst v63  }
0x5d: {  	s26 =	sand.u32 $0x1, s20;
	_ =	strace @p1 $0x90000049  }
0x5e: {  	s16 =	sadd.s32 $0x1, s26;
	_ =	strace $0x8000004A  }
0x5f: {  	_ =	swait.ge [sflag:s16], $0x800  }
0x60: {  	[sflag:s16] =	ssyncset.done $0x0  }
0x61: {  	s15 =	sadd.s32 @p6 s25, s15;
	[sflag:s16] =	ssyncadd.s32 $0xFFFFF800;
	s16 =	simm.s32 $0x0  }
0x62: {  	_ =	strace $0x9000004A;
	s16 =	smov.u32 @p6 s15  }
0x63: {  	_ =	strace $0x8000004B;
	s16 =	sand.u32 $0x1, s16  }
0x64: {  	s30 =	sshll.u32 s20, $0xB;
	s28 =	rddreg [dreg:$0x3];
	s31 =	sshll.u32 s16, $0xF  }
0x65: {  	s18 =	sand.u32 $0x800, s30;
	s29 =	rddreg [dreg:$0x2];
	s19 =	sor.u32 $0x1000, s31  }
0x66: {  	[tilespmem:s19], [sflag:$0x5] =	stream.indirect.gather [hbm4b:s29+s28], $0x10, s18, s28, $0x2000b8;
	[tilespmem:$0x11000] =	vst v63  }
0x67: {  	_ =	swait.ge [sflag:s10], $0x8000  }
0x68: {  	p3 =	por p3, p3;
	[sflag:s10] =	ssyncset.done $0x0  }
0x69: {  	p5 =	seq.s32 s7, s12;
	s13 =	sadd.s32 s3, s13;
	[sflag:s10] =	ssyncadd.s32 $0xFFFF8000  }
0x6a: {  	s14 =	sadd.s32 @p6 s23, s14;
	p1 =	por p5, p3;
	_ =	strace $0x9000004B  }
0x6b: {  	s17 =	simm.s32 $0x0;
	s13 =	sshll.u32 @p1 s13, $0xC;
	_ =	strace @p1 $0x8000004C  }
0x6c: {  	s17 =	smov.u32 @p6 s14;
	s13 =	sand.u32 @p1 $0x1FFFF000, s13;
	s15 =	rddreg [dreg:$0x4]  }
0x6d: {  	s14 =	sadd.s32 @p1 $0x3, s16;
	s13 =	sadd.s32 @p1 s15, s13;
	s15 =	simm.s32 @p1 $0x0  }
0x6e: {  	[hbm4b:s13+s15] =	stream.linear.scatter @p1 [tilespmem:s19], [sflag:s14], $0x8000, $0x200038;
	[tilespmem:$0x11000] =	vst v63  }
0x6f: {  	p0 =	por p4, p4;
	s13 =	sand.u32 @!p4 $0x1, s17;
	_ =	strace @p1 $0x9000004C  }
0x70: {  	s13 =	sadd.s32 @!p0 $0x3, s13;
	_ =	strace @!p0 $0x8000004D  }
0x71: {  	p1 =	sne.s32 s12, $0x0;
	s12 =	simm.s32 $0x1;
	_ =	swait.ge @!p0 [sflag:s13], $0x8000  }
0x72: {  	s12 =	simm.s32 @!p1 $0x0;
	[sflag:s13] =	ssyncset.done @!p0 $0x0  }
0x73: {  	s11 =	sadd.s32 $0x1, s11;
	s12 =	sadd.s32 s12, s17;
	[sflag:s13] =	ssyncadd.s32 @!p0 $0xFFFF8000  }
0x74: {  	s12 =	sand.u32 $0x1, s12;
	_ =	strace @!p0 $0x9000004D;
	p0 =	sne.s32 s11, s8  }
.Ltmp3:
0x75: {  	s12 =	sadd.s32 $0x3, s12;
	_ =	strace $0x8000004E;
	(pc) =	sbr.rel @p0 .LBB2_1-.Ltmp3, $4  }
.Ltmp4:
0x76: {  	_ =	swait.ge [sflag:s12], $0x8000;
	(pc) =	sbr.rel @!p0 .LBB2_8-.Ltmp4, $4  }
0x77: {  	[sflag:s12] =	ssyncset.done $0x0  }
0x78: {  	[sflag:s12] =	ssyncadd.s32 $0xFFFF8000  }
0x79: {  	_ =	strace $0x9000004E  }
0x7a: {  	_ = 	snop  }
.LBB2_2:
.Ltmp5:
0x7b: {  	(pc) =	sbr.rel .LBB2_7-.Ltmp5, $4  }
0x7c: {  	_ = 	snop  }
0x7d: {  	s14 =	simm.s32 $0x0  }
0x7e: {  	s12 =	simm.s32 $0x0;
	s15 =	simm.s32 $0x0;
	s17 =	smov.u32 s13  }
0x7f: {  	s20 =	simm.s32 $0x0;
	s18 =	simm.s32 $0x1;
	s13 =	simm.s32 $0x0  }
.LBB2_4:
.Ltmp6:
0x80: {  	(pc) =	sbr.rel .LBB2_7-.Ltmp6, $3  }
0x81: {  	_ =	sdelay $0x1  }
0x82: {  	s14 =	simm.s32 $0x0  }
0x83: {  	s15 =	simm.s32 $0x0;
	s20 =	simm.s32 $0x0;
	p6 =	por $0x1, $0x1  }
.LBB2_8:
0x84: {  	_ =	sfence.sel $0x180000  }
0x85: {  	[bflag:$0x0] =	sbarrier.arrive $0xFFFF  }
0x86: {  	p0 =	sne.s32 s1, $0x0;
	_ =	strace $0x90000047  }
0x87: {  	s0 =	sadd.s32 @!p0 $0x100000, s0;
	[bflag:$0x2] =	sbarrier.arrive $0xFFFF  }
0x88: {  	[sflag:s0] =	ssyncadd.tile.s32 @!p0 $0x1;
	_ =	shalt  }
.Lfunc_end2:
_tile_overlayer_lowered:
.L_overlay_start_2:
0x89: {  	(tag) =	ssettag $0x2  }
0x8a: {  	s0 =	rddreg [dreg:$0x0];
	s2 =	stileid.u32  }
0x8b: {  	s1 =	rddreg [dreg:$0x1];
	p0 =	sne.s32 s2, $0x0  }
0x8c: {  	s3 =	rddreg [dreg:$0x2];
	[bflag:$0x3] =	sbarrier.arrive $0xFFFF;
	s2 =	simm.s32 @!p0 $0x1C01  }
0x8d: {  	[timem:s3], [sflag:s2] =	dma.local @!p0 [hbm:s0], s1  }
0x8e: {  	s0 =	simm.s32 @!p0 $0x1  }
0x8f: {  	_ =	swait.ge @!p0 [sflag:s0], s1  }
0x90: {  	s1 =	ssub.s32 @!p0 $0x0, s1;
	[sflag:s0] =	ssyncset.done @!p0 $0x0  }
0x91: {  	[sflag:s0] =	ssyncadd.s32 @!p0 s1  }
0x92: {  	[bflag:$0x3] =	sbarrier.arrive $0xFFFF  }
0x93: {  	_ =	shalt  }

// kernel: kernel.7.cloned.1.call-start
scs
__scs_entry_jumppad:
0x0: {  	(pc) =	sbr.rel $0x88, $3  }
0x1: {  	(tag) =	ssettag $0x0;
	lr =	simm.s32 $0x1  }
0x2: {  	[smem:$0x3F90] =	sst lr;
	_ =	strace $0xD0000000  }
0x3: {  	_ = 	snop  }
0x4: {  	_ = 	snop  }
0x5: {  	_ = 	snop  }
0x6: {  	_ = 	snop  }
0x7: {  	_ = 	snop  }
__scs_overlays_trampoline_lowered:
0x8: {  	[smem:$0x3F9F] =	sst s0  }
0x9: {  	[smem:$0x3FA0] =	sst s1  }
0xa: {  	[smem:$0x3FA1] =	sst s2  }
0xb: {  	[smem:$0x3FA2] =	sst s3  }
0xc: {  	[smem:$0x3FA3] =	sst s4  }
0xd: {  	[smem:$0x3FA4] =	sst s5  }
0xe: {  	[smem:$0x3FA5] =	sst s6  }
0xf: {  	[smem:$0x3FA6] =	sst s7  }
0x10: {  	[smem:$0x3FA7] =	sst s8  }
0x11: {  	[smem:$0x3FA8] =	sst s9;
	s0 =	simm.s32 @!p0 $0x0  }
0x12: {  	s1 =	sld [smem:$0x3F8E];
	s0 =	simm.s32 @p0 $0x1  }
0x13: {  	[smem:$0x3FA9] =	sst s0;
	s0 =	simm.s32 @!p1 $0x0  }
0x14: {  	s2 =	sld [smem:$0x3F8D];
	s0 =	simm.s32 @p1 $0x1  }
0x15: {  	[smem:$0x3FAA] =	sst s0;
	s0 =	simm.s32 @!p2 $0x0  }
0x16: {  	s3 =	sld [smem:$0x3FDB];
	s0 =	simm.s32 @p2 $0x1  }
0x17: {  	s4 =	simm.s32 $0x1BF5;
	[smem:$0x3FAC] =	sst s0  }
0x18: {  	s0 =	sld [smem:$0x3F8F];
	_ =	swait.ge [sflag:s4], $0x0  }
0x19: {  	s7 =	sld [smem:$0x3F90]  }
0x1a: {  	s8 =	sadd.s32 $0xFFFFE003, lr  }
0x1b: {  	s9 =	sadd.s32 $0xFFFFFEF7, lr;
	s5 =	simm.s32 $0xFFFFFFFF;
	p2 =	slt.u32 s8, $0xFFFFF086  }
0x1c: {  	p1 =	slt.u32 s9, $0xF7A;
	s5 =	simm.s32 @!p2 $0x0  }
0x1d: {  	s5 =	simm.s32 @p1 $0x1;
	p0 =	seq.s32 s7, s2  }
0x1e: {  	s7 =	smul.u32 @!p0 $0xF7A, s2;
	p2 =	seq.s32 @!p0 s5, $0x0  }
0x1f: {  	s9 =	smul.u32 $0xF7A, s1;
	s8 =	simm.s32 @!p0 $0x1BF5;
	p2 =	por !p2, p0  }
0x20: {  	[sflag:s8] =	ssyncset.s32 @!p0 $0xFFFFF086;
	s6 =	sadd.s32 @!p0 s3, s7;
	s7 =	simm.s32 @!p0 $0x108  }
0x21: {  	s3 =	sadd.s32 s3, s9;
	s6 =	sadd.s32 @!p0 $0x88, s6;
	s7 =	simm.s32 @p2 $0x1082  }
0x22: {  	[simem:s7], [sflag:s8] =	dma.local @!p0 [hbm:s6], $0xF7A  }
0x23: {  	s9 =	sor.u32 $0xD0000000, s2;
	s6 =	simm.s32 $0x108;
	_ =	swait.ge @!p0 [sflag:s8], $0x0  }
0x24: {  	s3 =	sadd.s32 $0x88, s3;
	s6 =	simm.s32 @!p1 $0x1082;
	[sflag:s4] =	ssyncset.s32 $0xFFFFF086  }
0x25: {  	[simem:s6], [sflag:s4] =	dma.local [hbm:s3], $0xF7A  }
0x26: {  	[smem:$0x3F90] =	sst s1;
	(tag) =	ssettag s2;
	_ =	strace s9  }
0x27: {  	s1 =	sld [smem:$0x3FA0]  }
0x28: {  	s2 =	sld [smem:$0x3FA1]  }
0x29: {  	s4 =	sld [smem:$0x3FA3]  }
0x2a: {  	p0 =	seq.s32 s5, $0x0;
	s5 =	sld [smem:$0x3FA4]  }
0x2b: {  	s6 =	sld [smem:$0x3FA5]  }
0x2c: {  	s7 =	sld [smem:$0x3FA6]  }
0x2d: {  	s3 =	simm.s32 $0x108;
	s8 =	sld [smem:$0x3FA7]  }
0x2e: {  	s3 =	simm.s32 @!p0 $0x1082;
	s9 =	sld [smem:$0x3FA8]  }
0x2f: {  	lr =	sadd.s32 s0, s3;
	s0 =	sld [smem:$0x3F9F]  }
0x30: {  	s3 =	sld [smem:$0x3FA2]  }
0x31: {  	[smem:$0x3FAB] =	sst s10  }
0x32: {  	s10 =	sld [smem:$0x3FA9];
	_ =	sdelay $0x3  }
0x33: {  	p0 =	seq.s32 s10, $0x1;
	s10 =	sld [smem:$0x3FAB];
	_ =	sdelay $0x3  }
0x34: {  	[smem:$0x3FAB] =	sst s10  }
0x35: {  	s10 =	sld [smem:$0x3FAA];
	_ =	sdelay $0x3  }
0x36: {  	p1 =	seq.s32 s10, $0x1;
	s10 =	sld [smem:$0x3FAB];
	_ =	sdelay $0x3  }
0x37: {  	[smem:$0x3FAB] =	sst s10  }
0x38: {  	s10 =	sld [smem:$0x3FAC]  }
0x39: {  	_ = 	snop;
	(pc) =	sbr.ind lr, $3  }
0x3a: {  	_ = 	snop  }
0x3b: {  	_ = 	snop  }
0x3c: {  	p2 =	seq.s32 s10, $0x1;
	s10 =	sld [smem:$0x3FAB]  }
0x3d: {  	_ =	shalt  }
0x3e: {  	_ =	shalt  }
0x3f: {  	_ =	shalt  }
0x40: {  	_ =	shalt  }
0x41: {  	_ =	shalt  }
0x42: {  	_ =	shalt  }
0x43: {  	_ =	shalt  }
0x44: {  	_ =	shalt  }
0x45: {  	_ =	shalt  }
0x46: {  	_ =	shalt  }
0x47: {  	_ =	shalt  }
0x48: {  	_ =	shalt  }
0x49: {  	_ =	shalt  }
0x4a: {  	_ =	shalt  }
0x4b: {  	_ =	shalt  }
0x4c: {  	_ =	shalt  }
0x4d: {  	_ =	shalt  }
0x4e: {  	_ =	shalt  }
0x4f: {  	_ =	shalt  }
0x50: {  	_ =	shalt  }
0x51: {  	_ =	shalt  }
0x52: {  	_ =	shalt  }
0x53: {  	_ =	shalt  }
0x54: {  	_ =	shalt  }
0x55: {  	_ =	shalt  }
0x56: {  	_ =	shalt  }
0x57: {  	_ =	shalt  }
0x58: {  	_ =	shalt  }
0x59: {  	_ =	shalt  }
0x5a: {  	_ =	shalt  }
0x5b: {  	_ =	shalt  }
0x5c: {  	_ =	shalt  }
0x5d: {  	_ =	shalt  }
0x5e: {  	_ =	shalt  }
0x5f: {  	_ =	shalt  }
0x60: {  	_ =	shalt  }
0x61: {  	_ =	shalt  }
0x62: {  	_ =	shalt  }
0x63: {  	_ =	shalt  }
0x64: {  	_ =	shalt  }
0x65: {  	_ =	shalt  }
0x66: {  	_ =	shalt  }
0x67: {  	_ =	shalt  }
0x68: {  	_ =	shalt  }
0x69: {  	_ =	shalt  }
0x6a: {  	_ =	shalt  }
0x6b: {  	_ =	shalt  }
0x6c: {  	_ =	shalt  }
0x6d: {  	_ =	shalt  }
0x6e: {  	_ =	shalt  }
0x6f: {  	_ =	shalt  }
0x70: {  	_ =	shalt  }
0x71: {  	_ =	shalt  }
0x72: {  	_ =	shalt  }
0x73: {  	_ =	shalt  }
0x74: {  	_ =	shalt  }
0x75: {  	_ =	shalt  }
0x76: {  	_ =	shalt  }
0x77: {  	_ =	shalt  }
0x78: {  	_ =	shalt  }
0x79: {  	_ =	shalt  }
0x7a: {  	_ =	shalt  }
0x7b: {  	_ =	shalt  }
0x7c: {  	_ =	shalt  }
0x7d: {  	_ =	shalt  }
0x7e: {  	_ =	shalt  }
0x7f: {  	_ =	shalt  }
0x80: {  	_ =	shalt  }
0x81: {  	_ =	shalt  }
0x82: {  	_ =	shalt  }
0x83: {  	_ =	shalt  }
0x84: {  	_ =	shalt  }
0x85: {  	_ =	shalt  }
0x86: {  	_ =	shalt  }
0x87: {  	_ =	shalt  }
.Lfunc_end0:
.L_simem_size_0:
called_computation_lowered:
.L_overlay_start_0:
0x88: {  	s2 =	sld [smem:$0x3FD9]  }
0x89: {  	s3 =	sld [smem:$0x3FFE];
	_ =	sdelay $0x1  }
0x8a: {  	s1 =	srdreg.scid  }
0x8b: {  	s0 =	sand.u32 $0x1, s1  }
0x8c: {  	s17 =	sshll.u32 s0, $0xA;
	s2 =	sadd.s32 s3, s2  }
0x8d: {  	s2 =	sadd.s32 s2, s17  }
0x8e: {  	[smem:$0x3FB7] =	sst s2  }
0x8f: {  	_ = 	snop  }
0x90: {  	(tm) =	ssettm $0x1  }
0x91: {  	s18 =	sld [smem:$0x3FFB];
	_ =	sdelay $0x3  }
0x92: {  	_ =	strace s18  }
0x93: {  	s2 =	sld [smem:$0x3FFC];
	_ =	sdelay $0x3  }
0x94: {  	_ =	strace s2  }
0x95: {  	s2 =	sld [smem:$0x3FFD];
	_ =	sdelay $0x3  }
0x96: {  	_ =	strace s2  }
0x97: {  	_ =	strace $0x8FFFFFFF  }
0x98: {  	s19 =	sld [smem:$0x3FDB];
	_ =	sdelay $0x1  }
0x99: {  	s20 =	simm.s32 $_scs_section_size  }
0x9a: {  	s4 =	simm.s32 $_size__tile_overlayer_lowered;
	s5 =	simm.s32 $_tile_overlayer_lowered  }
0x9b: {  	s6 =	simm.s32 $0x1BFF;
	s21 =	sshll.u32 s5, $0x1;
	s3 =	sadd.s32 s20, s19  }
0x9c: {  	s22 =	simm.s32 $0x0;
	s4 =	sshll.u32 s4, $0x1;
	s5 =	sadd.s32 s21, s3  }
0x9d: {  	[timem:s22], [sflag:s6] =	dma.local [hbm:s5], s4  }
0x9e: {  	_ =	swait.ge [sflag:s6], s4  }
0x9f: {  	s4 =	ssub.s32 $0x0, s4;
	[sflag:s6] =	ssyncset.done $0x0  }
0xa0: {  	[sflag:s6] =	ssyncadd.s32 s4;
	_ =	sdelay $0x1  }
0xa1: {  	s23 =	simm.s32 $0x1B8B  }
0xa2: {  	_ =	swait.ge [sflag:s23], $0x1  }
0xa3: {  	[sflag:s23] =	ssyncset.done $0x0  }
0xa4: {  	[sflag:s23] =	ssyncadd.s32 $0xFFFFFFFF  }
0xa5: {  	s4 =	sld [smem:$0x0]  }
0xa6: {  	s5 =	sand.u32 $0xFFFFFFFE, s1  }
0xa7: {  	p0 =	sne.s32 s1, s5  }
0xa8: {  	s5 =	sshll.u32 @p0 s5, $0xE  }
0xa9: {  	s5 =	sadd.s32 @p0 $0x11B8D, s5;
	s6 =	sshll.u32 @p0 s4, $0x11  }
0xaa: {  	s5 =	sor.u32 @p0 s6, s5  }
0xab: {  	[sflag:s5] =	ssyncadd.remote.s32 @p0 $0x1;
	_ =	sdelay $0x1  }
0xac: {  	s5 =	simm.s32 @p0 $0x1B8D  }
0xad: {  	_ =	swait.eq @p0 [sflag:s5], $0x1  }
0xae: {  	[sflag:s5] =	ssyncadd.s32 @p0 $0xFFFFFFFF  }
0xaf: {  	s6 =	sshll.u32 @!p0 s1, $0xE  }
0xb0: {  	s6 =	sor.u32 @!p0 $0x4000, s6;
	s5 =	simm.s32 @!p0 $0x1B8D  }
0xb1: {  	s4 =	sshll.u32 @!p0 s4, $0x11;
	s6 =	sadd.s32 @!p0 $0x11B8D, s6;
	_ =	swait.eq @!p0 [sflag:s5], $0x1  }
0xb2: {  	s4 =	sor.u32 @!p0 s4, s6;
	[sflag:s5] =	ssyncadd.s32 @!p0 $0xFFFFFFFF  }
0xb3: {  	s25 =	simm.s32 $0x1B8E;
	s24 =	sld [smem:$0x3FFE];
	[sflag:s4] =	ssyncadd.remote.s32 @!p0 $0x1  }
0xb4: {  	s26 =	simm.s32 $execute0_lowered;
	[smem:$0x3FD2] =	sst s25  }
0xb5: {  	s5 =	sshll.u32 s26, $0x1;
	_ =	strace $0x80000050;
	[dreg:$0x1] =	wrdreg $0xFFFFFFFF  }
0xb6: {  	s28 =	simm.s32 $_size_execute0_lowered;
	s3 =	sadd.s32 s3, s5;
	[dreg:$0x0] =	wrdreg $0x0  }
0xb7: {  	s5 =	sshll.u32 s28, $0x1;
	[dreg:$0x2] =	wrdreg s3  }
0xb8: {  	[dreg:$0x3] =	wrdreg s5  }
0xb9: {  	[dreg:$0x4] =	wrdreg $0xC0  }
0xba: {  	_ =	task [dreg:s22], $0x5FFFF  }
0xbb: {  	[dreg:$0x1] =	wrdreg $0xFFFFFFFF  }
0xbc: {  	[dreg:$0x0] =	wrdreg $0x60  }
0xbd: {  	[dreg:$0x2] =	wrdreg s24  }
0xbe: {  	[dreg:$0x3] =	wrdreg $0x9  }
0xbf: {  	_ =	task.clear_ibuf [dreg:s22], $0x4FFFF;
	_ =	strace $0x90000050  }
0xc0: {  	s29 =	simm.s32 $0x9;
	_ =	strace $0x80000060  }
0xc1: {  	_ =	swait.ge [sflag:s29], $0x1  }
0xc2: {  	[sflag:s29] =	ssyncadd.s32 $0xFFFFFFFF  }
0xc3: {  	_ =	strace $0x90000060  }
0xc4: {  	_ =	sfence  }
0xc5: {  	s30 =	sld [smem:$0x0];
	_ =	sdelay $0x2  }
0xc6: {  	s31 =	sshll.u32 s1, $0xD;
	s1 =	sshrl.u32 s1, $0x2  }
0xc7: {  	s4 =	sand.u32 $0x4000, s31;
	s1 =	sadd.s32 s1, s30  }
0xc8: {  	s0 =	sor.u32 s4, s0;
	s1 =	sshll.u32 s1, $0x11  }
0xc9: {  	s0 =	sor.u32 s1, s0  }
0xca: {  	s0 =	sadd.s32 $0x8F2B, s0  }
0xcb: {  	[sflag:s0] =	ssyncadd.remote.s32 $0x1  }
0xcc: {  	_ =	sfence.sel $0xFFFF  }
0xcd: {  	[dreg:$0x0] =	wrdreg $0xFFFFFFFF;
	(pc) =	sbr.abs _section_cstart, $3  }
0xce: {  	[dreg:$0x1] =	wrdreg $0xFFFFFFFF  }
0xcf: {  	_ =	task.clear_ibuf [dreg:s22], $0x2FFFF;
	_ =	strace $0x9FFFFFFF  }
0xd0: {  	(tm) =	ssettm $0x7FFFFFFF  }
0xd1: {  	_ =	shalt  }
tec
execute0_lowered:
.L_overlay_start_1:
0x0: {  	(tag) =	ssettag $0x1  }
0x1: {  	s0 =	rddreg [dreg:$0x0]  }
0x2: {  	s1 =	simm.s32 $0x0;
	s2 =	srdreg.scid;
	s5 =	stileid.u32  }
0x3: {  	[smem:$0x7FF] =	sst s1;
	s2 =	sand.u32 $0x1, s2;
	s3 =	sadd.s32 $0x72F800, s0  }
0x4: {  	s9 =	sadd.s32 $0x780C00, s0;
	s6 =	sadd.s32 $0x78FC00, s0;
	s4 =	sshll.u32 s2, $0x4  }
0x5: {  	_ =	strace $0x80000051;
	[dreg:$0x2] =	wrdreg s3;
	s7 =	sor.u32 s5, s4  }
0x6: {  	s3 =	sadd.s32 $0x907600, s0;
	[dreg:$0x4] =	wrdreg s6;
	s5 =	smul.u32 $0x6, s7  }
0x7: {  	p0 =	seq.s32 s2, $0x0;
	s22 =	ssub.s32 $0x2, s2;
	s8 =	smul.u32 $0x7, s7  }
0x8: {  	s6 =	sxor.u32 $0x7, s2;
	s4 =	sadd.s32 $0x2800, s0;
	s11 =	smul.u32 $0x780, s7  }
0x9: {  	s0 =	sadd.s32 $0x79CC00, s0;
	s23 =	sshrl.u32 s22, $0x1;
	s25 =	smul.u32 $0x3C00, s7  }
0xa: {  	s12 =	ssub.s32 s22, s23;
	s13 =	smul.u32 $0x3C000, s7;
	s5 =	sadd.s32 $0x10, s5  }
0xb: {  	s7 =	smul.u32 $0x7800, s7;
	s15 =	smax.u32 s12, $0x1;
	s5 =	smov.u32 @p0 s8  }
0xc: {  	s26 =	sadd.s32 s9, s11;
	[dreg:$0x7] =	wrdreg s15;
	s10 =	sshll.u32 s5, $0x8  }
0xd: {  	[dreg:$0x6] =	wrdreg s26;
	s26 =	simm.s32 $0x800;
	s24 =	sand.u32 $0x1FFFFF00, s10  }
0xe: {  	s11 =	sshrl.u32 s25, $0x3;
	[dreg:$0x3] =	wrdreg s26;
	s8 =	sadd.s32 s4, s24  }
0xf: {  	s14 =	sshrl.u32 s13, $0x3;
	[dreg:$0x5] =	wrdreg s8;
	s8 =	ssub.s32 $0x6, s2  }
0x10: {  	s2 =	sadd.s32 s9, s11;
	s9 =	sadd.s32 s0, s14;
	s0 =	sadd.s32 s0, s7  }
0x11: {  	s16 =	sadd.s32 $0x140, s2;
	[dreg:$0x9] =	wrdreg s0  }
0x12: {  	s17 =	sadd.s32 $0x280, s2;
	[dreg:$0x8] =	wrdreg s16  }
0x13: {  	s18 =	sadd.s32 $0x1400, s9;
	[dreg:$0xa] =	wrdreg s17  }
0x14: {  	s19 =	sadd.s32 $0x3C0, s2;
	[dreg:$0xb] =	wrdreg s18  }
0x15: {  	s20 =	sadd.s32 $0x2800, s9;
	[dreg:$0xc] =	wrdreg s19  }
0x16: {  	s21 =	sadd.s32 $0x500, s2;
	[dreg:$0xd] =	wrdreg s20  }
0x17: {  	s22 =	sadd.s32 $0x3C00, s9;
	[dreg:$0xe] =	wrdreg s21  }
0x18: {  	s28 =	simm.s32 $0xB400;
	s23 =	sadd.s32 $0x640, s2;
	[dreg:$0xf] =	wrdreg s22  }
0x19: {  	s29 =	simm.s32 $0x3;
	s24 =	sadd.s32 $0x5000, s9;
	[dreg:$0x10] =	wrdreg s23  }
0x1a: {  	s30 =	simm.s32 $0x4;
	s25 =	sadd.s32 $0x6400, s9;
	[dreg:$0x11] =	wrdreg s24  }
0x1b: {  	s31 =	simm.s32 $0x0;
	s26 =	simm.s32 $0x2;
	[dreg:$0x12] =	wrdreg s25  }
0x1c: {  	s22 =	simm.s32 $0x1;
	s23 =	simm.s32 $0x5;
	s24 =	simm.s32 $0xA00  }
.LBB2_1:
0x1d: {  	_ =	strace $0x80000052;
	p0 =	seq.s32 s6, $0x1;
	p2 =	sne.s32 s6, $0x1  }
.Ltmp0:
0x1e: {  	s11 =	simm.s32 $0x1;
	p1 =	por $0x1, $0x1;
	(pc) =	sbr.rel @!p2 .LBB2_2-.Ltmp0, $4  }
0x1f: {  	p6 =	sgt.u32 s8, $0x0;
	s0 =	rddreg [dreg:$0x5];
	s11 =	simm.s32 @p0 $0x0  }
0x20: {  	[tilespmem:s1], [sflag:$0x1] =	stream.linear.gather [hbm4b:s0+s1], $0x800, $0x200038;
	[tilespmem:$0x15400] =	vst v63  }
0x21: {  	p4 =	por p1, p1;
	s0 =	simm.s32 $0x1;
	p3 =	sne.s32 s11, $0x0  }
0x22: {  	_ =	strace $0x90000052;
	p5 =	por !p6, !p3;
	p6 =	por $0x0, $0x0  }
0x23: {  	p2 =	por !p5, !p5  }
0x24: {  	s15 =	sand.u32 $0x1, s1;
	s14 =	simm.s32 $0x2;
	s2 =	sadd.s32 @p2 s5, s11  }
0x25: {  	p1 =	por p3, p3;
	s7 =	sand.u32 @p2 $0x1, s22;
	s2 =	sshll.u32 @p2 s2, $0x8  }
0x26: {  	_ =	strace @p2 $0x80000053;
	s10 =	simm.s32 @p2 $0x0;
	s2 =	sand.u32 @p2 $0x1FFFFF00, s2  }
0x27: {  	s9 =	sshll.u32 @p2 s7, $0xB;
	s7 =	sadd.s32 @p2 $0x1, s7;
	s2 =	sadd.s32 @p2 s4, s2  }
0x28: {  	[tilespmem:s9], [sflag:s7] =	stream.linear.gather @p2 [hbm4b:s2+s10], $0x800, $0x200038;
	[tilespmem:$0x15400] =	vst v63  }
0x29: {  	s21 =	simm.s32 $0x0;
	p6 =	por $0x0, $0x0;
	_ =	strace @p2 $0x90000053  }
0x2a: {  	p0 =	sne.s32 s6, $0x2;
	s20 =	sadd.s32 $0x1, s15;
	_ =	strace $0x80000054  }
0x2b: {  	s18 =	sadd.s32 $0x0, s5;
	p5 =	sgt.u32 s8, $0x1;
	_ =	swait.ge [sflag:s20], $0x800  }
0x2c: {  	s17 =	simm.s32 $0x1;
	s16 =	sshll.u32 s15, $0xB;
	[sflag:s20] =	ssyncset.done $0x0  }
0x2d: {  	s16 =	sor.u32 $0x1000, s16;
	s10 =	sand.u32 @!p4 $0x1, s1;
	[sflag:s20] =	ssyncadd.s32 $0xFFFFF800  }
0x2e: {  	s2 =	simm.s32 $0x1;
	s7 =	sand.u32 $0x800, s21;
	_ =	strace $0x90000054  }
0x2f: {  	s9 =	simm.s32 $0x0;
	s2 =	simm.s32 @!p2 $0x0;
	_ =	strace $0x80000055  }
0x30: {  	p2 =	por p4, p4;
	p4 =	por p6, p6;
	s25 =	rddreg [dreg:$0x3]  }
0x31: {  	s12 =	sadd.s32 $0x1, s2;
	s2 =	sadd.s32 $0x1, s11;
	s13 =	rddreg [dreg:$0x2]  }
0x32: {  	[tilespmem:s16], [sflag:$0x5] =	stream.indirect.gather [hbm4b:s13+s25], $0x1, s7, s25, $0x2000b8;
	[tilespmem:$0x15400] =	vst v63  }
.Ltmp1:
0x33: {  	p6 =	seq.s32 s8, $0x0;
	p3 =	seq.s32 s2, s6;
	(pc) =	sbr.rel @!p0 .LBB2_4-.Ltmp1, $4  }
0x34: {  	p1 =	por p6, p1;
	s2 =	simm.s32 @p3 $0x0;
	_ =	swait.ge [sflag:s23], $0x800  }
0x35: {  	p6 =	por $0x0, $0x0;
	p3 =	sne.s32 s11, s2;
	[sflag:s23] =	ssyncset.done $0x0  }
0x36: {  	s17 =	simm.s32 @!p6 $0x0;
	p5 =	por !p5, !p3;
	[sflag:s23] =	ssyncadd.s32 $0xFFFFF800  }
0x37: {  	s7 =	simm.s32 $0x0;
	s13 =	simm.s32 $0x0;
	_ =	strace $0x90000055  }
.LBB2_5:
0x38: {  	_ =	strace @p1 $0x80000056;
	s7 =	sadd.s32 s17, s7;
	s17 =	smov.u32 s0  }
0x39: {  	s0 =	smov.u32 s14;
	s14 =	sadd.s32 $0x1, s14;
	p0 =	por p3, p3  }
0x3a: {  	s25 =	sshll.u32 @p1 s18, $0x8;
	s15 =	sadd.s32 @p1 $0x3, s15;
	s19 =	simm.s32 @!p0 $0x0  }
0x3b: {  	s20 =	rddreg [dreg:$0x4];
	s25 =	sand.u32 @p1 $0x1FFFFF00, s25;
	s19 =	simm.s32 @p0 $0x1  }
0x3c: {  	s20 =	sadd.s32 @p1 s20, s25;
	s25 =	simm.s32 @p1 $0x0;
	p0 =	sne.s32 s6, s14  }
0x3d: {  	[hbm4b:s20+s25] =	stream.linear.scatter @p1 [tilespmem:s16], [sflag:s15], $0x800, $0x200038;
	[tilespmem:$0x15400] =	vst v63  }
0x3e: {  	s15 =	sadd.s32 @!p2 $0x3, s10;
	s10 =	simm.s32 @!p0 $0x0  }
0x3f: {  	s21 =	simm.s32 $0x1;
	[smem:$0x7FC] =	sst s19;
	s10 =	simm.s32 @p0 $0x1  }
0x40: {  	s21 =	simm.s32 @!p1 $0x0;
	_ =	strace @p1 $0x90000056;
	[smem:$0x7FD] =	sst s10  }
0x41: {  	s13 =	sadd.s32 s21, s13;
	s19 =	sand.u32 @!p4 $0x1, s7;
	_ =	strace @!p2 $0x80000057  }
0x42: {  	p1 =	por !p5, !p5;
	s10 =	smov.u32 s19;
	_ =	swait.ge @!p2 [sflag:s15], $0x800  }
0x43: {  	s16 =	sand.u32 @p1 $0x1, s12;
	s19 =	sadd.s32 @p1 s5, s2;
	[sflag:s15] =	ssyncset.done @!p2 $0x0  }
0x44: {  	s20 =	sshll.u32 @p1 s16, $0xB;
	s19 =	sshll.u32 @p1 s19, $0x8;
	[sflag:s15] =	ssyncadd.s32 @!p2 $0xFFFFF800  }
0x45: {  	s15 =	sadd.s32 @p1 $0x1, s16;
	s16 =	sand.u32 @p1 $0x1FFFFF00, s19;
	_ =	strace @!p2 $0x90000057  }
0x46: {  	s19 =	simm.s32 @p1 $0x0;
	s16 =	sadd.s32 @p1 s4, s16;
	_ =	strace @p1 $0x80000053  }
0x47: {  	[tilespmem:s20], [sflag:s15] =	stream.linear.gather @p1 [hbm4b:s16+s19], $0x800, $0x200038;
	[tilespmem:$0x15400] =	vst v63  }
0x48: {  	s9 =	sadd.s32 s21, s9;
	s21 =	sand.u32 $0x1, s13;
	_ =	strace @p1 $0x90000053  }
0x49: {  	s19 =	sadd.s32 $0x1, s21;
	_ =	strace $0x80000054  }
0x4a: {  	_ =	swait.ge [sflag:s19], $0x800  }
0x4b: {  	[sflag:s19] =	ssyncset.done $0x0  }
0x4c: {  	s15 =	simm.s32 $0x1;
	[sflag:s19] =	ssyncadd.s32 $0xFFFFF800  }
0x4d: {  	s15 =	simm.s32 @!p1 $0x0;
	_ =	strace $0x90000054  }
0x4e: {  	s12 =	sadd.s32 s15, s12;
	s15 =	sand.u32 $0x1, s9;
	_ =	strace $0x80000055  }
0x4f: {  	s18 =	sshll.u32 s13, $0xB;
	s20 =	sshll.u32 s15, $0xB;
	s19 =	rddreg [dreg:$0x3]  }
0x50: {  	s25 =	sand.u32 $0x800, s18;
	s16 =	sor.u32 $0x1000, s20;
	s20 =	rddreg [dreg:$0x2]  }
0x51: {  	[tilespmem:s16], [sflag:$0x5] =	stream.indirect.gather [hbm4b:s20+s19], $0x1, s25, s19, $0x2000b8;
	[tilespmem:$0x15400] =	vst v63  }
0x52: {  	_ =	swait.ge [sflag:s23], $0x800  }
0x53: {  	[sflag:s23] =	ssyncset.done $0x0  }
0x54: {  	[sflag:s23] =	ssyncadd.s32 $0xFFFFF800  }
0x55: {  	s18 =	sadd.s32 s5, s11;
	_ =	strace $0x90000055  }
0x56: {  	s11 =	smov.u32 s2;
	s21 =	sadd.s32 $0x1, s2;
	s25 =	sld [smem:$0x7FD]  }
0x57: {  	p0 =	sne.s32 s17, $0x0;
	p1 =	seq.s32 s21, s6;
	s2 =	smov.u32 s21  }
0x58: {  	s2 =	simm.s32 @p1 $0x0;
	p1 =	seq.s32 s8, s17;
	s17 =	simm.s32 $0x1  }
0x59: {  	s17 =	simm.s32 @!p0 $0x0;
	p0 =	seq.s32 s25, $0x1  }
.Ltmp2:
0x5a: {  	s21 =	sld [smem:$0x7FC];
	(pc) =	sbr.rel @p0 .LBB2_5-.Ltmp2, $4  }
0x5b: {  	p3 =	seq.s32 s0, $0x0  }
0x5c: {  	p6 =	por p3, p3;
	p5 =	slt.u32 s0, s8  }
0x5d: {  	p2 =	por p4, p4;
	p3 =	sne.s32 s11, s2;
	p4 =	seq.s32 s21, $0x1  }
0x5e: {  	p5 =	por !p5, !p3;
	p1 =	por p1, p4;
	p4 =	por p6, p6  }
0x5f: {  	p6 =	por $0x1, $0x1  }
.LBB2_7:
0x60: {  	p1 =	por !p1, !p6  }
0x61: {  	_ =	strace @!p1 $0x80000056;
	s18 =	sshll.u32 @!p1 s18, $0x8  }
0x62: {  	s14 =	rddreg [dreg:$0x4];
	s18 =	sand.u32 @!p1 $0x1FFFFF00, s18  }
0x63: {  	s15 =	sadd.s32 @!p1 $0x3, s15;
	s14 =	sadd.s32 @!p1 s14, s18;
	s18 =	simm.s32 @!p1 $0x0  }
0x64: {  	[hbm4b:s14+s18] =	stream.linear.scatter @!p1 [tilespmem:s16], [sflag:s15], $0x800, $0x200038;
	[tilespmem:$0x15400] =	vst v63  }
0x65: {  	p0 =	por p2, !p6;
	_ =	strace @!p1 $0x90000056  }
0x66: {  	p2 =	por !p5, !p5;
	s10 =	sadd.s32 @!p0 $0x3, s10;
	_ =	strace @!p0 $0x80000057  }
0x67: {  	s2 =	sadd.s32 @p2 s5, s2;
	_ =	swait.ge @!p0 [sflag:s10], $0x800  }
0x68: {  	s2 =	sshll.u32 @p2 s2, $0x8;
	[sflag:s10] =	ssyncset.done @!p0 $0x0  }
0x69: {  	s12 =	sand.u32 @p2 $0x1, s12;
	s2 =	sand.u32 @p2 $0x1FFFFF00, s2;
	[sflag:s10] =	ssyncadd.s32 @!p0 $0xFFFFF800  }
0x6a: {  	s14 =	sshll.u32 @p2 s12, $0xB;
	s2 =	sadd.s32 @p2 s4, s2;
	_ =	strace @!p0 $0x90000057  }
0x6b: {  	s10 =	sadd.s32 @p2 $0x1, s12;
	s12 =	simm.s32 @p2 $0x0;
	_ =	strace @p2 $0x80000053  }
0x6c: {  	[tilespmem:s14], [sflag:s10] =	stream.linear.gather @p2 [hbm4b:s2+s12], $0x800, $0x200038;
	[tilespmem:$0x15400] =	vst v63  }
0x6d: {  	s2 =	simm.s32 $0x1  }
0x6e: {  	s2 =	simm.s32 @p1 $0x0  }
0x6f: {  	s12 =	simm.s32 $0x0;
	s10 =	sadd.s32 @p6 s2, s13  }
0x70: {  	s12 =	smov.u32 @p6 s10  }
0x71: {  	_ =	strace @p2 $0x90000053;
	s10 =	sand.u32 $0x1, s12  }
0x72: {  	_ =	strace $0x80000054;
	s10 =	sadd.s32 $0x1, s10  }
0x73: {  	_ =	swait.ge [sflag:s10], $0x800  }
0x74: {  	[sflag:s10] =	ssyncset.done $0x0  }
0x75: {  	s2 =	sadd.s32 @p6 s2, s9;
	s9 =	simm.s32 $0x0;
	[sflag:s10] =	ssyncadd.s32 $0xFFFFF800  }
0x76: {  	s9 =	smov.u32 @p6 s2;
	_ =	strace $0x90000054  }
0x77: {  	s9 =	sand.u32 $0x1, s9;
	_ =	strace $0x80000055  }
0x78: {  	s12 =	sshll.u32 s12, $0xB;
	s25 =	sshll.u32 s9, $0xB;
	s20 =	rddreg [dreg:$0x3]  }
0x79: {  	s12 =	sand.u32 $0x800, s12;
	s13 =	sor.u32 $0x1000, s25;
	s21 =	rddreg [dreg:$0x2]  }
0x7a: {  	[tilespmem:s13], [sflag:$0x5] =	stream.indirect.gather [hbm4b:s21+s20], $0x1, s12, s20, $0x2000b8;
	[tilespmem:$0x15400] =	vst v63  }
0x7b: {  	_ =	swait.ge [sflag:s23], $0x800  }
0x7c: {  	[sflag:s23] =	ssyncset.done $0x0  }
0x7d: {  	p3 =	por p3, p3;
	p5 =	seq.s32 s8, s0;
	[sflag:s23] =	ssyncadd.s32 $0xFFFFF800  }
0x7e: {  	p1 =	por p5, p3;
	s2 =	sadd.s32 s5, s11;
	_ =	strace $0x90000055  }
0x7f: {  	s2 =	sshll.u32 @p1 s2, $0x8;
	_ =	strace @p1 $0x80000056  }
0x80: {  	s2 =	sand.u32 @p1 $0x1FFFFF00, s2;
	s10 =	rddreg [dreg:$0x4]  }
0x81: {  	s9 =	sadd.s32 @p1 $0x3, s9;
	s2 =	sadd.s32 @p1 s10, s2;
	s10 =	simm.s32 @p1 $0x0  }
0x82: {  	[hbm4b:s2+s10] =	stream.linear.scatter @p1 [tilespmem:s13], [sflag:s9], $0x800, $0x200038;
	[tilespmem:$0x15400] =	vst v63  }
0x83: {  	s2 =	sadd.s32 @p6 s17, s7;
	s7 =	simm.s32 $0x0  }
0x84: {  	s7 =	smov.u32 @p6 s2  }
0x85: {  	p0 =	por p4, p4;
	_ =	strace @p1 $0x90000056;
	s2 =	sand.u32 @!p4 $0x1, s7  }
0x86: {  	_ =	strace @!p0 $0x80000057;
	s2 =	sadd.s32 @!p0 $0x3, s2  }
0x87: {  	p1 =	sne.s32 s0, $0x0;
	s0 =	simm.s32 $0x1;
	_ =	swait.ge @!p0 [sflag:s2], $0x800  }
0x88: {  	s0 =	simm.s32 @!p1 $0x0;
	[sflag:s2] =	ssyncset.done @!p0 $0x0  }
0x89: {  	s0 =	sadd.s32 s0, s7;
	[sflag:s2] =	ssyncadd.s32 @!p0 $0xFFFFF800  }
0x8a: {  	s0 =	sand.u32 $0x1, s0;
	_ =	strace @!p0 $0x90000057  }
0x8b: {  	s0 =	sadd.s32 $0x3, s0;
	_ =	strace $0x80000058  }
0x8c: {  	_ =	swait.ge [sflag:s0], $0x800  }
0x8d: {  	[sflag:s0] =	ssyncset.done $0x0  }
0x8e: {  	[sflag:s0] =	ssyncadd.s32 $0xFFFFF800  }
0x8f: {  	_ =	strace $0x90000058  }
0x90: {  	_ =	strace $0x80000059  }
0x91: {  	s9 =	rddreg [dreg:$0x6]  }
0x92: {  	[tilespmem:s1], [sflag:$0x1] =	stream.linear.gather [hbm4b:s9+s1], $0xA00, $0x200038;
	[tilespmem:$0x15400] =	vst v63  }
0x93: {  	_ =	strace $0x90000059  }
0x94: {  	_ =	strace $0x8000005A  }
0x95: {  	s10 =	rddreg [dreg:$0x8]  }
0x96: {  	[tilespmem:s24], [sflag:$0x2] =	stream.linear.gather [hbm4b:s10+s1], $0xA00, $0x200038;
	[tilespmem:$0x15400] =	vst v63  }
0x97: {  	_ =	strace $0x9000005A  }
0x98: {  	_ =	strace $0x8000005B  }
0x99: {  	_ =	swait.ge [sflag:s22], $0xA00  }
0x9a: {  	[sflag:s22] =	ssyncset.done $0x0  }
0x9b: {  	[sflag:s22] =	ssyncadd.s32 $0xFFFFF600  }
0x9c: {  	_ =	strace $0x9000005B  }
0x9d: {  	s11 =	simm.s32 $0x1400;
	_ =	strace $0x8000005C  }
0x9e: {  	[tilespmem:s11], [sflag:$0x5] =	stream.indirect.gather [hbm4b:s3+s24], $0x10, s1, s24, $0x2000b8;
	[tilespmem:$0x15400] =	vst v63  }
0x9f: {  	_ =	swait.ge [sflag:s23], $0xA000  }
0xa0: {  	[sflag:s23] =	ssyncset.done $0x0  }
0xa1: {  	[sflag:s23] =	ssyncadd.s32 $0xFFFF6000  }
0xa2: {  	_ =	strace $0x9000005C  }
0xa3: {  	_ =	strace $0x8000005D  }
0xa4: {  	s12 =	rddreg [dreg:$0x9]  }
0xa5: {  	[hbm4b:s12+s1] =	stream.linear.scatter [tilespmem:s11], [sflag:$0x3], $0xA000, $0x200038;
	[tilespmem:$0x15400] =	vst v63  }
0xa6: {  	_ =	strace $0x9000005D  }
0xa7: {  	_ =	strace $0x8000005A  }
0xa8: {  	s13 =	rddreg [dreg:$0xa]  }
0xa9: {  	[tilespmem:s1], [sflag:$0x1] =	stream.linear.gather [hbm4b:s13+s1], $0xA00, $0x200038;
	[tilespmem:$0x15400] =	vst v63  }
0xaa: {  	_ =	strace $0x9000005A  }
0xab: {  	_ =	strace $0x8000005B  }
0xac: {  	_ =	swait.ge [sflag:s26], $0xA00  }
0xad: {  	[sflag:s26] =	ssyncset.done $0x0  }
0xae: {  	[sflag:s26] =	ssyncadd.s32 $0xFFFFF600  }
0xaf: {  	_ =	strace $0x9000005B  }
0xb0: {  	_ =	strace $0x8000005C  }
0xb1: {  	[tilespmem:s28], [sflag:$0x5] =	stream.indirect.gather [hbm4b:s3+s24], $0x10, s24, s24, $0x2000b8;
	[tilespmem:$0x15400] =	vst v63  }
0xb2: {  	_ =	swait.ge [sflag:s23], $0xA000  }
0xb3: {  	[sflag:s23] =	ssyncset.done $0x0  }
0xb4: {  	[sflag:s23] =	ssyncadd.s32 $0xFFFF6000  }
0xb5: {  	_ =	strace $0x9000005C  }
0xb6: {  	_ =	strace $0x8000005D  }
0xb7: {  	s14 =	rddreg [dreg:$0xb]  }
0xb8: {  	[hbm4b:s14+s1] =	stream.linear.scatter [tilespmem:s28], [sflag:$0x4], $0xA000, $0x200038;
	[tilespmem:$0x15400] =	vst v63  }
0xb9: {  	_ =	strace $0x9000005D  }
0xba: {  	_ =	strace $0x8000005E  }
0xbb: {  	_ =	swait.ge [sflag:s29], $0xA000  }
0xbc: {  	[sflag:s29] =	ssyncset.done $0x0  }
0xbd: {  	[sflag:s29] =	ssyncadd.s32 $0xFFFF6000  }
0xbe: {  	_ =	strace $0x9000005E  }
0xbf: {  	_ =	strace $0x8000005A  }
0xc0: {  	s15 =	rddreg [dreg:$0xc]  }
0xc1: {  	[tilespmem:s24], [sflag:$0x2] =	stream.linear.gather [hbm4b:s15+s1], $0xA00, $0x200038;
	[tilespmem:$0x15400] =	vst v63  }
0xc2: {  	_ =	strace $0x9000005A  }
0xc3: {  	_ =	strace $0x8000005B  }
0xc4: {  	_ =	swait.ge [sflag:s22], $0xA00  }
0xc5: {  	[sflag:s22] =	ssyncset.done $0x0  }
0xc6: {  	[sflag:s22] =	ssyncadd.s32 $0xFFFFF600  }
0xc7: {  	_ =	strace $0x9000005B  }
0xc8: {  	_ =	strace $0x8000005C  }
0xc9: {  	[tilespmem:s11], [sflag:$0x5] =	stream.indirect.gather [hbm4b:s3+s24], $0x10, s1, s24, $0x2000b8;
	[tilespmem:$0x15400] =	vst v63  }
0xca: {  	_ =	swait.ge [sflag:s23], $0xA000  }
0xcb: {  	[sflag:s23] =	ssyncset.done $0x0  }
0xcc: {  	[sflag:s23] =	ssyncadd.s32 $0xFFFF6000  }
0xcd: {  	_ =	strace $0x9000005C  }
0xce: {  	_ =	strace $0x8000005D  }
0xcf: {  	s16 =	rddreg [dreg:$0xd]  }
0xd0: {  	[hbm4b:s16+s1] =	stream.linear.scatter [tilespmem:s11], [sflag:$0x3], $0xA000, $0x200038;
	[tilespmem:$0x15400] =	vst v63  }
0xd1: {  	_ =	strace $0x9000005D  }
0xd2: {  	_ =	strace $0x8000005E  }
0xd3: {  	_ =	swait.ge [sflag:s30], $0xA000  }
0xd4: {  	[sflag:s30] =	ssyncset.done $0x0  }
0xd5: {  	[sflag:s30] =	ssyncadd.s32 $0xFFFF6000  }
0xd6: {  	_ =	strace $0x9000005E  }
0xd7: {  	_ =	strace $0x8000005A  }
0xd8: {  	s17 =	rddreg [dreg:$0xe]  }
0xd9: {  	[tilespmem:s1], [sflag:$0x1] =	stream.linear.gather [hbm4b:s17+s1], $0xA00, $0x200038;
	[tilespmem:$0x15400] =	vst v63  }
0xda: {  	_ =	strace $0x9000005A  }
0xdb: {  	_ =	strace $0x8000005B  }
0xdc: {  	_ =	swait.ge [sflag:s26], $0xA00  }
0xdd: {  	[sflag:s26] =	ssyncset.done $0x0  }
0xde: {  	[sflag:s26] =	ssyncadd.s32 $0xFFFFF600  }
0xdf: {  	_ =	strace $0x9000005B  }
0xe0: {  	_ =	strace $0x8000005C  }
0xe1: {  	[tilespmem:s28], [sflag:$0x5] =	stream.indirect.gather [hbm4b:s3+s24], $0x10, s24, s24, $0x2000b8;
	[tilespmem:$0x15400] =	vst v63  }
0xe2: {  	_ =	swait.ge [sflag:s23], $0xA000  }
0xe3: {  	[sflag:s23] =	ssyncset.done $0x0  }
0xe4: {  	[sflag:s23] =	ssyncadd.s32 $0xFFFF6000  }
0xe5: {  	_ =	strace $0x9000005C  }
0xe6: {  	_ =	strace $0x8000005D  }
0xe7: {  	s18 =	rddreg [dreg:$0xf]  }
0xe8: {  	[hbm4b:s18+s1] =	stream.linear.scatter [tilespmem:s28], [sflag:$0x4], $0xA000, $0x200038;
	[tilespmem:$0x15400] =	vst v63  }
0xe9: {  	_ =	strace $0x9000005D  }
0xea: {  	_ =	strace $0x8000005E  }
0xeb: {  	_ =	swait.ge [sflag:s29], $0xA000  }
0xec: {  	[sflag:s29] =	ssyncset.done $0x0  }
0xed: {  	[sflag:s29] =	ssyncadd.s32 $0xFFFF6000  }
0xee: {  	_ =	strace $0x9000005E  }
0xef: {  	_ =	strace $0x8000005A  }
0xf0: {  	s19 =	rddreg [dreg:$0x10]  }
0xf1: {  	[tilespmem:s24], [sflag:$0x2] =	stream.linear.gather [hbm4b:s19+s1], $0xA00, $0x200038;
	[tilespmem:$0x15400] =	vst v63  }
0xf2: {  	_ =	strace $0x9000005A  }
0xf3: {  	_ =	strace $0x8000005B  }
0xf4: {  	_ =	swait.ge [sflag:s22], $0xA00  }
0xf5: {  	[sflag:s22] =	ssyncset.done $0x0  }
0xf6: {  	[sflag:s22] =	ssyncadd.s32 $0xFFFFF600  }
0xf7: {  	_ =	strace $0x9000005B  }
0xf8: {  	_ =	strace $0x8000005C  }
0xf9: {  	[tilespmem:s11], [sflag:$0x5] =	stream.indirect.gather [hbm4b:s3+s24], $0x10, s1, s24, $0x2000b8;
	[tilespmem:$0x15400] =	vst v63  }
0xfa: {  	_ =	swait.ge [sflag:s23], $0xA000  }
0xfb: {  	[sflag:s23] =	ssyncset.done $0x0  }
0xfc: {  	[sflag:s23] =	ssyncadd.s32 $0xFFFF6000  }
0xfd: {  	_ =	strace $0x9000005C  }
0xfe: {  	_ =	strace $0x8000005D  }
0xff: {  	s20 =	rddreg [dreg:$0x11]  }
0x100: {  	[hbm4b:s20+s1] =	stream.linear.scatter [tilespmem:s11], [sflag:$0x3], $0xA000, $0x200038;
	[tilespmem:$0x15400] =	vst v63  }
0x101: {  	_ =	strace $0x9000005D  }
0x102: {  	_ =	strace $0x8000005E  }
0x103: {  	_ =	swait.ge [sflag:s30], $0xA000  }
0x104: {  	[sflag:s30] =	ssyncset.done $0x0  }
0x105: {  	[sflag:s30] =	ssyncadd.s32 $0xFFFF6000  }
0x106: {  	_ =	strace $0x9000005E  }
0x107: {  	_ =	strace $0x8000005B  }
0x108: {  	_ =	swait.ge [sflag:s26], $0xA00  }
0x109: {  	[sflag:s26] =	ssyncset.done $0x0  }
0x10a: {  	[sflag:s26] =	ssyncadd.s32 $0xFFFFF600  }
0x10b: {  	_ =	strace $0x9000005B  }
0x10c: {  	_ =	strace $0x8000005C  }
0x10d: {  	[tilespmem:s28], [sflag:$0x5] =	stream.indirect.gather [hbm4b:s3+s24], $0x10, s24, s24, $0x2000b8;
	[tilespmem:$0x15400] =	vst v63  }
0x10e: {  	_ =	swait.ge [sflag:s23], $0xA000  }
0x10f: {  	[sflag:s23] =	ssyncset.done $0x0  }
0x110: {  	[sflag:s23] =	ssyncadd.s32 $0xFFFF6000  }
0x111: {  	_ =	strace $0x9000005C  }
0x112: {  	_ =	strace $0x8000005D  }
0x113: {  	s21 =	rddreg [dreg:$0x12]  }
0x114: {  	[hbm4b:s21+s1] =	stream.linear.scatter [tilespmem:s28], [sflag:$0x4], $0xA000, $0x200038;
	[tilespmem:$0x15400] =	vst v63  }
0x115: {  	_ =	strace $0x9000005D  }
0x116: {  	_ =	strace $0x8000005E  }
0x117: {  	_ =	swait.ge [sflag:s29], $0xA000  }
0x118: {  	[sflag:s29] =	ssyncset.done $0x0  }
0x119: {  	[sflag:s29] =	ssyncadd.s32 $0xFFFF6000  }
0x11a: {  	_ =	strace $0x9000005E  }
0x11b: {  	_ =	strace $0x8000005F  }
0x11c: {  	_ =	swait.ge [sflag:s30], $0xA000  }
0x11d: {  	s31 =	sadd.s32 $0x1, s31;
	s25 =	rddreg [dreg:$0x7]  }
0x11e: {  	p0 =	sne.s32 s31, s25  }
.Ltmp3:
0x11f: {  	_ = 	snop;
	(pc) =	sbr.rel @p0 .LBB2_1-.Ltmp3, $4  }
.Ltmp4:
0x120: {  	_ = 	snop;
	(pc) =	sbr.rel @!p0 .LBB2_8-.Ltmp4, $4  }
0x121: {  	[sflag:s30] =	ssyncset.done $0x0  }
0x122: {  	[sflag:s30] =	ssyncadd.s32 $0xFFFF6000  }
0x123: {  	_ =	strace $0x9000005F  }
0x124: {  	_ = 	snop  }
.LBB2_2:
.Ltmp5:
0x125: {  	(pc) =	sbr.rel .LBB2_7-.Ltmp5, $4  }
0x126: {  	_ = 	snop  }
0x127: {  	s7 =	simm.s32 $0x0  }
0x128: {  	s0 =	simm.s32 $0x0;
	s9 =	simm.s32 $0x0;
	s2 =	smov.u32 s11  }
0x129: {  	s13 =	simm.s32 $0x0;
	s12 =	simm.s32 $0x1;
	s11 =	simm.s32 $0x0  }
.LBB2_4:
.Ltmp6:
0x12a: {  	(pc) =	sbr.rel .LBB2_7-.Ltmp6, $3  }
0x12b: {  	_ =	sdelay $0x1  }
0x12c: {  	s7 =	simm.s32 $0x0  }
0x12d: {  	s9 =	simm.s32 $0x0;
	s13 =	simm.s32 $0x0;
	p6 =	por $0x1, $0x1  }
.LBB2_8:
0x12e: {  	_ =	sfence.sel $0x180000  }
0x12f: {  	[bflag:$0x0] =	sbarrier.arrive $0xFFFF  }
0x130: {  	_ =	strace $0x90000051  }
0x131: {  	s0 =	stileid.u32;
	[bflag:$0x2] =	sbarrier.arrive $0xFFFF  }
0x132: {  	p0 =	sne.s32 s0, $0x0;
	s0 =	rddreg [dreg:$0x1]  }
0x133: {  	s0 =	sadd.s32 @!p0 $0x100000, s0  }
0x134: {  	[sflag:s0] =	ssyncadd.tile.s32 @!p0 $0x1;
	_ =	shalt  }
.Lfunc_end2:
_tile_overlayer_lowered:
.L_overlay_start_2:
0x135: {  	(tag) =	ssettag $0x2  }
0x136: {  	s0 =	rddreg [dreg:$0x0];
	s2 =	stileid.u32  }
0x137: {  	s1 =	rddreg [dreg:$0x1];
	p0 =	sne.s32 s2, $0x0  }
0x138: {  	s3 =	rddreg [dreg:$0x2];
	[bflag:$0x3] =	sbarrier.arrive $0xFFFF;
	s2 =	simm.s32 @!p0 $0x1C01  }
0x139: {  	[timem:s3], [sflag:s2] =	dma.local @!p0 [hbm:s0], s1  }
0x13a: {  	s0 =	simm.s32 @!p0 $0x1  }
0x13b: {  	_ =	swait.ge @!p0 [sflag:s0], s1  }
0x13c: {  	s1 =	ssub.s32 @!p0 $0x0, s1;
	[sflag:s0] =	ssyncset.done @!p0 $0x0  }
0x13d: {  	[sflag:s0] =	ssyncadd.s32 @!p0 s1  }
0x13e: {  	[bflag:$0x3] =	sbarrier.arrive $0xFFFF  }
0x13f: {  	_ =	shalt  }

</sc_bundles>
